<compile_context>
chip_gen: v7x
topology: tpu7x:2x2x1
jax: 0.10.2.dev20260603
libtpu: 0.0.44.dev20260713+nightly
codegen_flags: <defaults>
</compile_context>

<pallas_src>
import functools

import jax
import jax.numpy as jnp
from jax import lax
from jax.experimental import pallas as pl
from jax.experimental.pallas import tpu as pltpu
from jax.experimental.pallas import tpu_sc as plsc

_N = 10000
_D = 128
_E = 320000
_NC = 2
_NS = 16
_NW = _NC * _NS
_EPW = _E // _NW
_NP = 10240
_RPT = _NP // _NS
_EP = _NW * _NP
_EPWP = _NP
_CH = 128
_NCHUNK = _EPWP // _CH
_GRP = 8
_NGRP = _NCHUNK // _GRP
_FCH = 128
_GF = 15
_GS = 5
_FAST_C = 1
_NCHT = _EP // _FCH

_mesh = plsc.VectorSubcoreMesh(
    core_axis_name="c", subcore_axis_name="s", num_cores=_NC, num_subcores=_NS)


_CNT_KW = dict(
    out_type=jax.ShapeDtypeStruct((_NC * _NP, _D), jnp.float32),
    mesh=_mesh,
    scratch_types=[
        pltpu.VMEM((_GRP, _CH), jnp.int32),
        pltpu.VMEM((_CH, _D), jnp.float32),
        pltpu.VMEM_SHARED((_NP, _D), jnp.float32),
        pltpu.SemaphoreType.DMA,
    ],
)


def _sc_count_body(dst_hbm, zero_hbm, ones_hbm, cnt_hbm,
                   dst_v, ones_v, cnt_sp, sem):
  c = lax.axis_index("c")
  s = lax.axis_index("s")
  w = c * _NS + s
  r0 = s * _RPT
  pltpu.sync_copy(zero_hbm.at[pl.ds(r0, _RPT)], cnt_sp.at[pl.ds(r0, _RPT)])
  pltpu.sync_copy(ones_hbm, ones_v)
  plsc.subcore_barrier()

  def group(g, carry):
    pltpu.sync_copy(dst_hbm.at[w, pl.ds(g * _GRP, _GRP)], dst_v)
    for j in range(_GRP):
      pltpu.async_copy(ones_v, cnt_sp.at[dst_v.at[j]], sem, add=True)
    for j in range(_GRP):
      pltpu.make_async_copy(ones_v, cnt_sp.at[dst_v.at[j]], sem).wait()
    return carry
  lax.fori_loop(0, _NGRP, group, 0)
  plsc.subcore_barrier()
  o0 = c * _NP + r0
  pltpu.sync_copy(cnt_sp.at[pl.ds(r0, _RPT)], cnt_hbm.at[pl.ds(o0, _RPT)])


_SEG_KW = dict(
    out_type=jax.ShapeDtypeStruct((_NC * _NP, _D), jnp.float32),
    mesh=_mesh,
    scratch_types=[
        pltpu.VMEM((2 * _GRP, _FCH), jnp.int32),
        pltpu.VMEM((2 * _GRP, _FCH), jnp.int32),
        pltpu.VMEM((_FCH, _D), jnp.float32),
        pltpu.VMEM((_FCH, _D), jnp.float32),
        pltpu.VMEM_SHARED((_NP, _D), jnp.float32),
        pltpu.SemaphoreType.DMA,
        pltpu.SemaphoreType.DMA,
        pltpu.SemaphoreType.DMA,
        pltpu.SemaphoreType.DMA,
    ],
)


def _sc_segsum_body(x_hbm, src_hbm, dst_hbm, zero_hbm, out_hbm,
                    src_v, dst_v, r0b, r1b, acc_sp, g0, g1, s0, s1):
  rows = (r0b, r1b)
  gsem = (g0, g1)
  ssem = (s0, s1)
  c = lax.axis_index("c")
  s = lax.axis_index("s")
  r0 = s * _RPT
  ngrp = jnp.where(c == _FAST_C, _GF, _GS)
  grp0 = jnp.where(c == _FAST_C, s * _GF, _NS * _GF + s * _GS)

  pltpu.sync_copy(zero_hbm.at[pl.ds(r0, _RPT)], acc_sp.at[pl.ds(r0, _RPT)])
  pltpu.sync_copy(src_hbm.at[pl.ds(grp0 * _GRP, _GRP)], src_v.at[pl.ds(0, _GRP)])
  pltpu.sync_copy(dst_hbm.at[pl.ds(grp0 * _GRP, _GRP)], dst_v.at[pl.ds(0, _GRP)])
  plsc.subcore_barrier()
  pltpu.async_copy(x_hbm.at[src_v.at[0]], rows[0], gsem[0])

  def group(g, carry2):
    half_row = (g % 2) * _GRP
    nhalf = ((g + 1) % 2) * _GRP

    def chunk(j, row_j, row_j1):
      b = j % 2
      b1 = (j + 1) % 2
      pltpu.make_async_copy(x_hbm.at[src_v.at[row_j]], rows[b],
                            gsem[b]).wait()
      pltpu.async_copy(rows[b], acc_sp.at[dst_v.at[row_j]], ssem[b],
                       add=True)
      def drain():
        pltpu.make_async_copy(rows[b1], acc_sp.at[dst_v.at[row_j]],
                              ssem[b1]).wait()
      if j == 0:
        pl.when(g > 0)(drain)
      else:
        drain()
      if j < _GRP - 1:
        pltpu.async_copy(x_hbm.at[src_v.at[row_j1]], rows[b1], gsem[b1])
      else:
        @pl.when(g + 1 < ngrp)
        def _():
          pltpu.async_copy(x_hbm.at[src_v.at[row_j1]], rows[b1], gsem[b1])

    chunk(0, half_row + 0, half_row + 1)

    @pl.when(g + 1 < ngrp)
    def _stage_next():
      pltpu.sync_copy(src_hbm.at[pl.ds((grp0 + g + 1) * _GRP, _GRP)],
                      src_v.at[pl.ds(nhalf, _GRP)])
      pltpu.sync_copy(dst_hbm.at[pl.ds((grp0 + g + 1) * _GRP, _GRP)],
                      dst_v.at[pl.ds(nhalf, _GRP)])

    for j in range(1, _GRP):
      row_j1 = half_row + j + 1 if j < _GRP - 1 else nhalf
      chunk(j, half_row + j, row_j1)
    return carry2

  lax.fori_loop(0, ngrp, group, 0)
  pltpu.make_async_copy(rows[1], acc_sp.at[dst_v.at[0]], ssem[1]).wait()
  plsc.subcore_barrier()
  o0 = c * _NP + r0
  pltpu.sync_copy(acc_sp.at[pl.ds(r0, _RPT)], out_hbm.at[pl.ds(o0, _RPT)])


_sc_count = pl.kernel(_sc_count_body, **_CNT_KW)
_sc_segsum = pl.kernel(_sc_segsum_body, **_SEG_KW)


_BN = 1000


def _tc_body(relu, p0_r, p1_r, c0_r, c1_r, x_r, wl_r, wr_r, bl_r, o_r):
  cnt = c0_r[:, 0:1] + c1_r[:, 0:1]
  agg = (p0_r[...] + p1_r[...]) / jnp.maximum(cnt, 1.0)
  y = (jnp.dot(agg, wl_r[...], preferred_element_type=jnp.float32)
       + jnp.dot(x_r[...], wr_r[...], preferred_element_type=jnp.float32)
       + bl_r[...])
  if relu:
    y = jnp.maximum(y, 0.0)
  o_r[...] = y


def _make_tc_layer(relu):
  row_spec = pl.BlockSpec((_BN, _D), lambda i: (i, 0))
  cnt_spec = pl.BlockSpec((_BN, 16), lambda i: (i, 0))
  w_spec = pl.BlockSpec((_D, _D), lambda i: (0, 0))
  b_spec = pl.BlockSpec((1, _D), lambda i: (0, 0))
  return pl.pallas_call(
      functools.partial(_tc_body, relu),
      grid=(_N // _BN,),
      in_specs=[row_spec, row_spec, cnt_spec, cnt_spec, row_spec, w_spec,
                w_spec, b_spec],
      out_specs=row_spec,
      out_shape=jax.ShapeDtypeStruct((_N, _D), jnp.float32),
  )


_tc_layer_relu = _make_tc_layer(True)
_tc_layer_lin = _make_tc_layer(False)


def kernel(x, edge_index, Wl1, bl1, Wr1, Wl2, bl2, Wr2):
  npad = _EP - _E
  pad_dst = _N + jnp.arange(npad, dtype=jnp.int32) % (_NP - _N)
  src = jnp.concatenate(
      [edge_index[0].astype(jnp.int32), jnp.zeros((npad,), jnp.int32)])
  dst = jnp.concatenate([edge_index[1].astype(jnp.int32), pad_dst])
  srcf = src.reshape(_NCHT, _FCH)
  dstf = dst.reshape(_NCHT, _FCH)
  dst = dst.reshape(_NW, _NCHUNK, _CH)
  zero_nd = jnp.zeros((_NP, _D), jnp.float32)

  ones_rows = jnp.ones((_CH, _D), jnp.float32)
  part1 = _sc_segsum(x, srcf, dstf, zero_nd)
  cntp = _sc_count(dst, zero_nd, ones_rows)
  cnts = cntp[:, :16]
  h = _tc_layer_relu(part1[:_N], part1[_NP:_NP + _N], cnts[:_N],
                     cnts[_NP:_NP + _N], x, Wl1, Wr1, bl1.reshape(1, _D))
  part2 = _sc_segsum(h, srcf, dstf, zero_nd)
  out = _tc_layer_lin(part2[:_N], part2[_NP:_NP + _N], cnts[:_N],
                      cnts[_NP:_NP + _N], h, Wl2, Wr2, bl2.reshape(1, _D))
  return out

# --- scband reference (transcript-rebuilt; emitter-appended) ---
"""Pipeline reference for scband-link-prediction-gnn-34411277976464 (READ-ONLY COPY).

The authoritative reference and input builder live on the scoring server;
editing this copy changes nothing except your own understanding.
"""

import jax, jax.numpy as jnp
import numpy as np

N_NODES = 10000
D = 128
N_EDGES = 320000


def setup_inputs(seed: int = 0) -> dict:
    key = jax.random.key(seed)
    ks = jax.random.split(key, 8)
    x = jax.random.normal(ks[0], (N_NODES, D), dtype=jnp.float32)
    edge_index = jax.random.randint(ks[1], (2, N_EDGES), 0, N_NODES, dtype=jnp.int64)
    s = 1.0 / np.sqrt(D)
    Wl1 = jax.random.normal(ks[2], (D, D), dtype=jnp.float32) * s
    bl1 = jnp.zeros((D,), dtype=jnp.float32)
    Wr1 = jax.random.normal(ks[3], (D, D), dtype=jnp.float32) * s
    Wl2 = jax.random.normal(ks[4], (D, D), dtype=jnp.float32) * s
    bl2 = jnp.zeros((D,), dtype=jnp.float32)
    Wr2 = jax.random.normal(ks[5], (D, D), dtype=jnp.float32) * s
    return {"x": x, "edge_index": edge_index, "Wl1": Wl1, "bl1": bl1, "Wr1": Wr1,
            "Wl2": Wl2, "bl2": bl2, "Wr2": Wr2}


def _sage_conv(x, src, dst, Wl, bl, Wr):
    # PyG SAGEConv (mean aggregation): out = lin_l(mean_{j in N(i)} x_j) + lin_r(x_i)
    msg = jnp.take(x, src, axis=0)                      # gather source features [E, D]
    agg = jax.ops.segment_sum(msg, dst, num_segments=N_NODES)
    cnt = jax.ops.segment_sum(jnp.ones((src.shape[0],), dtype=x.dtype), dst,
                              num_segments=N_NODES)
    agg = agg / jnp.clip(cnt, 1.0)[:, None]             # mean
    return agg @ Wl + bl + x @ Wr


def reference(x, edge_index, Wl1, bl1, Wr1, Wl2, bl2, Wr2):
    src = edge_index[0]
    dst = edge_index[1]
    h = jax.nn.relu(_sage_conv(x, src, dst, Wl1, bl1, Wr1))
    out = _sage_conv(h, src, dst, Wl2, bl2, Wr2)
    return out

if __name__ == "__main__":
    import jax
    _d = setup_inputs()
    print(jax.jit(kernel)(*tuple(_d.values())))

</pallas_src>

<mosaic_0001>
#map = affine_map<(d0, d1) -> (0, 0, 0)>
#map1 = affine_map<(d0, d1) -> (0, 0)>
module attributes {stable_mosaic.version = 14 : i64} {
  func.func @_sc_count_body(%arg0: i32, %arg1: i32, %arg2: memref<32x80x128xi32, #tpu.memory_space<hbm>>, %arg3: memref<10240x128xf32, #tpu.memory_space<hbm>>, %arg4: memref<128x128xf32, #tpu.memory_space<hbm>>, %arg5: memref<20480x128xf32, #tpu.memory_space<hbm>>, %arg6: memref<8x128xi32, #tpu.memory_space<vmem>>, %arg7: memref<128x128xf32, #tpu.memory_space<vmem>>, %arg8: memref<10240x128xf32, #tpu.memory_space<vmem_shared>>, %arg9: memref<!tpu.dma_semaphore, #tpu.memory_space<semaphore_mem>>) attributes {dimension_semantics = [#tpu.dimension_semantics<core_parallel>, #tpu.dimension_semantics<subcore_parallel>], iteration_bounds = array<i64: 2, 16>, scalar_prefetch = 0 : i64, scratch_operands = 4 : i64, tpu.core_type = #tpu.core_type<sc_vector_subcore>, window_params = [{transform_indices = #map}, {transform_indices = #map1}, {transform_indices = #map1}, {transform_indices = #map1}]} {
    %mul3A = arith.constant 16 : i32
    %mul3A_0 = arith.muli %arg0, %mul3A : i32
    %add3A = arith.addi %mul3A_0, %arg1 : i32
    %mul3A_1 = arith.constant 640 : i32
    %mul3A_2 = arith.muli %arg1, %mul3A_1 : i32
    "tpu.region"() ({
      %run_scoped3A = tpu.sem_alloc : memref<!tpu.dma_semaphore, #tpu.memory_space<semaphore_mem>>
      %dma_start3A = arith.constant 0 : i32
      %dma_start3A_12 = tpu.memref_slice %arg8[%mul3A_2, %dma_start3A] : memref<10240x128xf32, #tpu.memory_space<vmem_shared>> -> memref<640x128xf32, #tpu.memory_space<vmem_shared>>
      %dma_start3A_13 = arith.constant 0 : i32
      %dma_start3A_14 = tpu.memref_slice %arg3[%mul3A_2, %dma_start3A_13] : memref<10240x128xf32, #tpu.memory_space<hbm>> -> memref<640x128xf32, #tpu.memory_space<hbm>>
      tpu.enqueue_dma source(%dma_start3A_14 : memref<640x128xf32, #tpu.memory_space<hbm>>) target(%dma_start3A_12 : memref<640x128xf32, #tpu.memory_space<vmem_shared>>) target_semaphore(%run_scoped3A : memref<!tpu.dma_semaphore, #tpu.memory_space<semaphore_mem>>)
      %dma_wait3A = arith.constant 0 : i32
      %dma_wait3A_15 = tpu.memref_slice %arg8[%mul3A_2, %dma_wait3A] : memref<10240x128xf32, #tpu.memory_space<vmem_shared>> -> memref<640x128xf32, #tpu.memory_space<vmem_shared>>
      %dma_wait3A_16 = arith.constant 0 : i32
      %dma_wait3A_17 = tpu.memref_slice %arg3[%mul3A_2, %dma_wait3A_16] : memref<10240x128xf32, #tpu.memory_space<hbm>> -> memref<640x128xf32, #tpu.memory_space<hbm>>
      tpu.wait_dma2 semaphore(%run_scoped3A : memref<!tpu.dma_semaphore, #tpu.memory_space<semaphore_mem>>) src(%dma_wait3A_17 : memref<640x128xf32, #tpu.memory_space<hbm>>) dst(%dma_wait3A_15 : memref<640x128xf32, #tpu.memory_space<vmem_shared>>)
      tpu.yield
    }) : () -> ()
    "tpu.region"() ({
      %run_scoped3A = tpu.sem_alloc : memref<!tpu.dma_semaphore, #tpu.memory_space<semaphore_mem>>
      tpu.enqueue_dma source(%arg4 : memref<128x128xf32, #tpu.memory_space<hbm>>) target(%arg7 : memref<128x128xf32, #tpu.memory_space<vmem>>) target_semaphore(%run_scoped3A : memref<!tpu.dma_semaphore, #tpu.memory_space<semaphore_mem>>)
      tpu.wait_dma2 semaphore(%run_scoped3A : memref<!tpu.dma_semaphore, #tpu.memory_space<semaphore_mem>>) src(%arg4 : memref<128x128xf32, #tpu.memory_space<hbm>>) dst(%arg7 : memref<128x128xf32, #tpu.memory_space<vmem>>)
      tpu.yield
    }) : () -> ()
    %barrier3A = arith.constant 0 : index
    tpu.barrier barrier_id(%barrier3A)
    %scan3A = arith.constant 0 : i32
    %scan3A_3 = arith.constant 0 : i32
    %scan3A_4 = arith.constant 10 : i32
    %scan3A_5 = arith.addi %scan3A_3, %scan3A_4 : i32
    %scan3A_6 = arith.constant 1 : i32
    scf.for %scan3A_12 = %scan3A_3 to %scan3A_5 step %scan3A_6  : i32 {
      %mul3A_13 = arith.constant 8 : i32
      %mul3A_14 = arith.muli %scan3A_12, %mul3A_13 : i32
      "tpu.region"() ({
        %run_scoped3A = tpu.sem_alloc : memref<!tpu.dma_semaphore, #tpu.memory_space<semaphore_mem>>
        %dma_start3A_125 = arith.constant 0 : i32
        %dma_start3A_126 = tpu.memref_slice %arg2[%add3A, %mul3A_14, %dma_start3A_125] : memref<32x80x128xi32, #tpu.memory_space<hbm>> -> memref<1x8x128xi32, #tpu.memory_space<hbm>>
        %dma_start3A_127 = tpu.memref_squeeze %dma_start3A_126 : memref<1x8x128xi32, #tpu.memory_space<hbm>> -> memref<8x128xi32, #tpu.memory_space<hbm>>
        %dma_start3A_128 = arith.constant 0 : i32
        %dma_start3A_129 = tpu.memref_slice %arg2[%add3A, %mul3A_14, %dma_start3A_128] : memref<32x80x128xi32, #tpu.memory_space<hbm>> -> memref<1x8x128xi32, #tpu.memory_space<hbm>>
        %dma_start3A_130 = tpu.memref_squeeze %dma_start3A_129 : memref<1x8x128xi32, #tpu.memory_space<hbm>> -> memref<8x128xi32, #tpu.memory_space<hbm>>
        tpu.enqueue_dma source(%dma_start3A_130 : memref<8x128xi32, #tpu.memory_space<hbm>>) target(%arg6 : memref<8x128xi32, #tpu.memory_space<vmem>>) target_semaphore(%run_scoped3A : memref<!tpu.dma_semaphore, #tpu.memory_space<semaphore_mem>>)
        %dma_wait3A_131 = arith.constant 0 : i32
        %dma_wait3A_132 = tpu.memref_slice %arg2[%add3A, %mul3A_14, %dma_wait3A_131] : memref<32x80x128xi32, #tpu.memory_space<hbm>> -> memref<1x8x128xi32, #tpu.memory_space<hbm>>
        %dma_wait3A_133 = tpu.memref_squeeze %dma_wait3A_132 : memref<1x8x128xi32, #tpu.memory_space<hbm>> -> memref<8x128xi32, #tpu.memory_space<hbm>>
        %dma_wait3A_134 = arith.constant 0 : i32
        %dma_wait3A_135 = tpu.memref_slice %arg2[%add3A, %mul3A_14, %dma_wait3A_134] : memref<32x80x128xi32, #tpu.memory_space<hbm>> -> memref<1x8x128xi32, #tpu.memory_space<hbm>>
        %dma_wait3A_136 = tpu.memref_squeeze %dma_wait3A_135 : memref<1x8x128xi32, #tpu.memory_space<hbm>> -> memref<8x128xi32, #tpu.memory_space<hbm>>
        tpu.wait_dma2 semaphore(%run_scoped3A : memref<!tpu.dma_semaphore, #tpu.memory_space<semaphore_mem>>) src(%dma_wait3A_136 : memref<8x128xi32, #tpu.memory_space<hbm>>) dst(%arg6 : memref<8x128xi32, #tpu.memory_space<vmem>>)
        tpu.yield
      }) : () -> ()
      %dma_start3A = arith.constant 0 : i32
      %dma_start3A_15 = arith.constant 0 : i32
      %dma_start3A_16 = tpu.memref_slice %arg6[%dma_start3A, %dma_start3A_15] : memref<8x128xi32, #tpu.memory_space<vmem>> -> memref<1x128xi32, #tpu.memory_space<vmem>>
      %dma_start3A_17 = tpu.memref_squeeze %dma_start3A_16 : memref<1x128xi32, #tpu.memory_space<vmem>> -> memref<128xi32, #tpu.memory_space<vmem>>
      %dma_start3A_18 = arith.constant 0 : i32
      %dma_start3A_19 = arith.constant 0 : i32
      %dma_start3A_20 = tpu.memref_slice %arg8[%dma_start3A_18, %dma_start3A_19] : memref<10240x128xf32, #tpu.memory_space<vmem_shared>> -> memref<10240x128xf32, #tpu.memory_space<vmem_shared>>
      tpu.enqueue_indirect_dma source(%arg7 : memref<128x128xf32, #tpu.memory_space<vmem>>) target(%dma_start3A_20 : memref<10240x128xf32, #tpu.memory_space<vmem_shared>>) offsets(%dma_start3A_17 : memref<128xi32, #tpu.memory_space<vmem>>) semaphore(%arg9 : memref<!tpu.dma_semaphore, #tpu.memory_space<semaphore_mem>>) {add = true}
      %dma_start3A_21 = arith.constant 1 : i32
      %dma_start3A_22 = arith.constant 0 : i32
      %dma_start3A_23 = tpu.memref_slice %arg6[%dma_start3A_21, %dma_start3A_22] : memref<8x128xi32, #tpu.memory_space<vmem>> -> memref<1x128xi32, #tpu.memory_space<vmem>>
      %dma_start3A_24 = tpu.memref_squeeze %dma_start3A_23 : memref<1x128xi32, #tpu.memory_space<vmem>> -> memref<128xi32, #tpu.memory_space<vmem>>
      %dma_start3A_25 = arith.constant 0 : i32
      %dma_start3A_26 = arith.constant 0 : i32
      %dma_start3A_27 = tpu.memref_slice %arg8[%dma_start3A_25, %dma_start3A_26] : memref<10240x128xf32, #tpu.memory_space<vmem_shared>> -> memref<10240x128xf32, #tpu.memory_space<vmem_shared>>
      tpu.enqueue_indirect_dma source(%arg7 : memref<128x128xf32, #tpu.memory_space<vmem>>) target(%dma_start3A_27 : memref<10240x128xf32, #tpu.memory_space<vmem_shared>>) offsets(%dma_start3A_24 : memref<128xi32, #tpu.memory_space<vmem>>) semaphore(%arg9 : memref<!tpu.dma_semaphore, #tpu.memory_space<semaphore_mem>>) {add = true}
      %dma_start3A_28 = arith.constant 2 : i32
      %dma_start3A_29 = arith.constant 0 : i32
      %dma_start3A_30 = tpu.memref_slice %arg6[%dma_start3A_28, %dma_start3A_29] : memref<8x128xi32, #tpu.memory_space<vmem>> -> memref<1x128xi32, #tpu.memory_space<vmem>>
      %dma_start3A_31 = tpu.memref_squeeze %dma_start3A_30 : memref<1x128xi32, #tpu.memory_space<vmem>> -> memref<128xi32, #tpu.memory_space<vmem>>
      %dma_start3A_32 = arith.constant 0 : i32
      %dma_start3A_33 = arith.constant 0 : i32
      %dma_start3A_34 = tpu.memref_slice %arg8[%dma_start3A_32, %dma_start3A_33] : memref<10240x128xf32, #tpu.memory_space<vmem_shared>> -> memref<10240x128xf32, #tpu.memory_space<vmem_shared>>
      tpu.enqueue_indirect_dma source(%arg7 : memref<128x128xf32, #tpu.memory_space<vmem>>) target(%dma_start3A_34 : memref<10240x128xf32, #tpu.memory_space<vmem_shared>>) offsets(%dma_start3A_31 : memref<128xi32, #tpu.memory_space<vmem>>) semaphore(%arg9 : memref<!tpu.dma_semaphore, #tpu.memory_space<semaphore_mem>>) {add = true}
      %dma_start3A_35 = arith.constant 3 : i32
      %dma_start3A_36 = arith.constant 0 : i32
      %dma_start3A_37 = tpu.memref_slice %arg6[%dma_start3A_35, %dma_start3A_36] : memref<8x128xi32, #tpu.memory_space<vmem>> -> memref<1x128xi32, #tpu.memory_space<vmem>>
      %dma_start3A_38 = tpu.memref_squeeze %dma_start3A_37 : memref<1x128xi32, #tpu.memory_space<vmem>> -> memref<128xi32, #tpu.memory_space<vmem>>
      %dma_start3A_39 = arith.constant 0 : i32
      %dma_start3A_40 = arith.constant 0 : i32
      %dma_start3A_41 = tpu.memref_slice %arg8[%dma_start3A_39, %dma_start3A_40] : memref<10240x128xf32, #tpu.memory_space<vmem_shared>> -> memref<10240x128xf32, #tpu.memory_space<vmem_shared>>
      tpu.enqueue_indirect_dma source(%arg7 : memref<128x128xf32, #tpu.memory_space<vmem>>) target(%dma_start3A_41 : memref<10240x128xf32, #tpu.memory_space<vmem_shared>>) offsets(%dma_start3A_38 : memref<128xi32, #tpu.memory_space<vmem>>) semaphore(%arg9 : memref<!tpu.dma_semaphore, #tpu.memory_space<semaphore_mem>>) {add = true}
      %dma_start3A_42 = arith.constant 4 : i32
      %dma_start3A_43 = arith.constant 0 : i32
      %dma_start3A_44 = tpu.memref_slice %arg6[%dma_start3A_42, %dma_start3A_43] : memref<8x128xi32, #tpu.memory_space<vmem>> -> memref<1x128xi32, #tpu.memory_space<vmem>>
      %dma_start3A_45 = tpu.memref_squeeze %dma_start3A_44 : memref<1x128xi32, #tpu.memory_space<vmem>> -> memref<128xi32, #tpu.memory_space<vmem>>
      %dma_start3A_46 = arith.constant 0 : i32
      %dma_start3A_47 = arith.constant 0 : i32
      %dma_start3A_48 = tpu.memref_slice %arg8[%dma_start3A_46, %dma_start3A_47] : memref<10240x128xf32, #tpu.memory_space<vmem_shared>> -> memref<10240x128xf32, #tpu.memory_space<vmem_shared>>
      tpu.enqueue_indirect_dma source(%arg7 : memref<128x128xf32, #tpu.memory_space<vmem>>) target(%dma_start3A_48 : memref<10240x128xf32, #tpu.memory_space<vmem_shared>>) offsets(%dma_start3A_45 : memref<128xi32, #tpu.memory_space<vmem>>) semaphore(%arg9 : memref<!tpu.dma_semaphore, #tpu.memory_space<semaphore_mem>>) {add = true}
      %dma_start3A_49 = arith.constant 5 : i32
      %dma_start3A_50 = arith.constant 0 : i32
      %dma_start3A_51 = tpu.memref_slice %arg6[%dma_start3A_49, %dma_start3A_50] : memref<8x128xi32, #tpu.memory_space<vmem>> -> memref<1x128xi32, #tpu.memory_space<vmem>>
      %dma_start3A_52 = tpu.memref_squeeze %dma_start3A_51 : memref<1x128xi32, #tpu.memory_space<vmem>> -> memref<128xi32, #tpu.memory_space<vmem>>
      %dma_start3A_53 = arith.constant 0 : i32
      %dma_start3A_54 = arith.constant 0 : i32
      %dma_start3A_55 = tpu.memref_slice %arg8[%dma_start3A_53, %dma_start3A_54] : memref<10240x128xf32, #tpu.memory_space<vmem_shared>> -> memref<10240x128xf32, #tpu.memory_space<vmem_shared>>
      tpu.enqueue_indirect_dma source(%arg7 : memref<128x128xf32, #tpu.memory_space<vmem>>) target(%dma_start3A_55 : memref<10240x128xf32, #tpu.memory_space<vmem_shared>>) offsets(%dma_start3A_52 : memref<128xi32, #tpu.memory_space<vmem>>) semaphore(%arg9 : memref<!tpu.dma_semaphore, #tpu.memory_space<semaphore_mem>>) {add = true}
      %dma_start3A_56 = arith.constant 6 : i32
      %dma_start3A_57 = arith.constant 0 : i32
      %dma_start3A_58 = tpu.memref_slice %arg6[%dma_start3A_56, %dma_start3A_57] : memref<8x128xi32, #tpu.memory_space<vmem>> -> memref<1x128xi32, #tpu.memory_space<vmem>>
      %dma_start3A_59 = tpu.memref_squeeze %dma_start3A_58 : memref<1x128xi32, #tpu.memory_space<vmem>> -> memref<128xi32, #tpu.memory_space<vmem>>
      %dma_start3A_60 = arith.constant 0 : i32
      %dma_start3A_61 = arith.constant 0 : i32
      %dma_start3A_62 = tpu.memref_slice %arg8[%dma_start3A_60, %dma_start3A_61] : memref<10240x128xf32, #tpu.memory_space<vmem_shared>> -> memref<10240x128xf32, #tpu.memory_space<vmem_shared>>
      tpu.enqueue_indirect_dma source(%arg7 : memref<128x128xf32, #tpu.memory_space<vmem>>) target(%dma_start3A_62 : memref<10240x128xf32, #tpu.memory_space<vmem_shared>>) offsets(%dma_start3A_59 : memref<128xi32, #tpu.memory_space<vmem>>) semaphore(%arg9 : memref<!tpu.dma_semaphore, #tpu.memory_space<semaphore_mem>>) {add = true}
      %dma_start3A_63 = arith.constant 7 : i32
      %dma_start3A_64 = arith.constant 0 : i32
      %dma_start3A_65 = tpu.memref_slice %arg6[%dma_start3A_63, %dma_start3A_64] : memref<8x128xi32, #tpu.memory_space<vmem>> -> memref<1x128xi32, #tpu.memory_space<vmem>>
      %dma_start3A_66 = tpu.memref_squeeze %dma_start3A_65 : memref<1x128xi32, #tpu.memory_space<vmem>> -> memref<128xi32, #tpu.memory_space<vmem>>
      %dma_start3A_67 = arith.constant 0 : i32
      %dma_start3A_68 = arith.constant 0 : i32
      %dma_start3A_69 = tpu.memref_slice %arg8[%dma_start3A_67, %dma_start3A_68] : memref<10240x128xf32, #tpu.memory_space<vmem_shared>> -> memref<10240x128xf32, #tpu.memory_space<vmem_shared>>
      tpu.enqueue_indirect_dma source(%arg7 : memref<128x128xf32, #tpu.memory_space<vmem>>) target(%dma_start3A_69 : memref<10240x128xf32, #tpu.memory_space<vmem_shared>>) offsets(%dma_start3A_66 : memref<128xi32, #tpu.memory_space<vmem>>) semaphore(%arg9 : memref<!tpu.dma_semaphore, #tpu.memory_space<semaphore_mem>>) {add = true}
      %dma_wait3A = arith.constant 0 : i32
      %dma_wait3A_70 = arith.constant 0 : i32
      %dma_wait3A_71 = tpu.memref_slice %arg6[%dma_wait3A, %dma_wait3A_70] : memref<8x128xi32, #tpu.memory_space<vmem>> -> memref<1x128xi32, #tpu.memory_space<vmem>>
      %dma_wait3A_72 = tpu.memref_squeeze %dma_wait3A_71 : memref<1x128xi32, #tpu.memory_space<vmem>> -> memref<128xi32, #tpu.memory_space<vmem>>
      %dma_wait3A_73 = arith.constant 0 : i32
      %dma_wait3A_74 = arith.constant 0 : i32
      %dma_wait3A_75 = tpu.memref_slice %arg8[%dma_wait3A_73, %dma_wait3A_74] : memref<10240x128xf32, #tpu.memory_space<vmem_shared>> -> memref<10240x128xf32, #tpu.memory_space<vmem_shared>>
      tpu.wait_indirect_dma semaphore(%arg9 : memref<!tpu.dma_semaphore, #tpu.memory_space<semaphore_mem>>) src(%arg7 : memref<128x128xf32, #tpu.memory_space<vmem>>) dst(%dma_wait3A_75 : memref<10240x128xf32, #tpu.memory_space<vmem_shared>>)
      %dma_wait3A_76 = arith.constant 1 : i32
      %dma_wait3A_77 = arith.constant 0 : i32
      %dma_wait3A_78 = tpu.memref_slice %arg6[%dma_wait3A_76, %dma_wait3A_77] : memref<8x128xi32, #tpu.memory_space<vmem>> -> memref<1x128xi32, #tpu.memory_space<vmem>>
      %dma_wait3A_79 = tpu.memref_squeeze %dma_wait3A_78 : memref<1x128xi32, #tpu.memory_space<vmem>> -> memref<128xi32, #tpu.memory_space<vmem>>
      %dma_wait3A_80 = arith.constant 0 : i32
      %dma_wait3A_81 = arith.constant 0 : i32
      %dma_wait3A_82 = tpu.memref_slice %arg8[%dma_wait3A_80, %dma_wait3A_81] : memref<10240x128xf32, #tpu.memory_space<vmem_shared>> -> memref<10240x128xf32, #tpu.memory_space<vmem_shared>>
      tpu.wait_indirect_dma semaphore(%arg9 : memref<!tpu.dma_semaphore, #tpu.memory_space<semaphore_mem>>) src(%arg7 : memref<128x128xf32, #tpu.memory_space<vmem>>) dst(%dma_wait3A_82 : memref<10240x128xf32, #tpu.memory_space<vmem_shared>>)
      %dma_wait3A_83 = arith.constant 2 : i32
      %dma_wait3A_84 = arith.constant 0 : i32
      %dma_wait3A_85 = tpu.memref_slice %arg6[%dma_wait3A_83, %dma_wait3A_84] : memref<8x128xi32, #tpu.memory_space<vmem>> -> memref<1x128xi32, #tpu.memory_space<vmem>>
      %dma_wait3A_86 = tpu.memref_squeeze %dma_wait3A_85 : memref<1x128xi32, #tpu.memory_space<vmem>> -> memref<128xi32, #tpu.memory_space<vmem>>
      %dma_wait3A_87 = arith.constant 0 : i32
      %dma_wait3A_88 = arith.constant 0 : i32
      %dma_wait3A_89 = tpu.memref_slice %arg8[%dma_wait3A_87, %dma_wait3A_88] : memref<10240x128xf32, #tpu.memory_space<vmem_shared>> -> memref<10240x128xf32, #tpu.memory_space<vmem_shared>>
      tpu.wait_indirect_dma semaphore(%arg9 : memref<!tpu.dma_semaphore, #tpu.memory_space<semaphore_mem>>) src(%arg7 : memref<128x128xf32, #tpu.memory_space<vmem>>) dst(%dma_wait3A_89 : memref<10240x128xf32, #tpu.memory_space<vmem_shared>>)
      %dma_wait3A_90 = arith.constant 3 : i32
      %dma_wait3A_91 = arith.constant 0 : i32
      %dma_wait3A_92 = tpu.memref_slice %arg6[%dma_wait3A_90, %dma_wait3A_91] : memref<8x128xi32, #tpu.memory_space<vmem>> -> memref<1x128xi32, #tpu.memory_space<vmem>>
      %dma_wait3A_93 = tpu.memref_squeeze %dma_wait3A_92 : memref<1x128xi32, #tpu.memory_space<vmem>> -> memref<128xi32, #tpu.memory_space<vmem>>
      %dma_wait3A_94 = arith.constant 0 : i32
      %dma_wait3A_95 = arith.constant 0 : i32
      %dma_wait3A_96 = tpu.memref_slice %arg8[%dma_wait3A_94, %dma_wait3A_95] : memref<10240x128xf32, #tpu.memory_space<vmem_shared>> -> memref<10240x128xf32, #tpu.memory_space<vmem_shared>>
      tpu.wait_indirect_dma semaphore(%arg9 : memref<!tpu.dma_semaphore, #tpu.memory_space<semaphore_mem>>) src(%arg7 : memref<128x128xf32, #tpu.memory_space<vmem>>) dst(%dma_wait3A_96 : memref<10240x128xf32, #tpu.memory_space<vmem_shared>>)
      %dma_wait3A_97 = arith.constant 4 : i32
      %dma_wait3A_98 = arith.constant 0 : i32
      %dma_wait3A_99 = tpu.memref_slice %arg6[%dma_wait3A_97, %dma_wait3A_98] : memref<8x128xi32, #tpu.memory_space<vmem>> -> memref<1x128xi32, #tpu.memory_space<vmem>>
      %dma_wait3A_100 = tpu.memref_squeeze %dma_wait3A_99 : memref<1x128xi32, #tpu.memory_space<vmem>> -> memref<128xi32, #tpu.memory_space<vmem>>
      %dma_wait3A_101 = arith.constant 0 : i32
      %dma_wait3A_102 = arith.constant 0 : i32
      %dma_wait3A_103 = tpu.memref_slice %arg8[%dma_wait3A_101, %dma_wait3A_102] : memref<10240x128xf32, #tpu.memory_space<vmem_shared>> -> memref<10240x128xf32, #tpu.memory_space<vmem_shared>>
      tpu.wait_indirect_dma semaphore(%arg9 : memref<!tpu.dma_semaphore, #tpu.memory_space<semaphore_mem>>) src(%arg7 : memref<128x128xf32, #tpu.memory_space<vmem>>) dst(%dma_wait3A_103 : memref<10240x128xf32, #tpu.memory_space<vmem_shared>>)
      %dma_wait3A_104 = arith.constant 5 : i32
      %dma_wait3A_105 = arith.constant 0 : i32
      %dma_wait3A_106 = tpu.memref_slice %arg6[%dma_wait3A_104, %dma_wait3A_105] : memref<8x128xi32, #tpu.memory_space<vmem>> -> memref<1x128xi32, #tpu.memory_space<vmem>>
      %dma_wait3A_107 = tpu.memref_squeeze %dma_wait3A_106 : memref<1x128xi32, #tpu.memory_space<vmem>> -> memref<128xi32, #tpu.memory_space<vmem>>
      %dma_wait3A_108 = arith.constant 0 : i32
      %dma_wait3A_109 = arith.constant 0 : i32
      %dma_wait3A_110 = tpu.memref_slice %arg8[%dma_wait3A_108, %dma_wait3A_109] : memref<10240x128xf32, #tpu.memory_space<vmem_shared>> -> memref<10240x128xf32, #tpu.memory_space<vmem_shared>>
      tpu.wait_indirect_dma semaphore(%arg9 : memref<!tpu.dma_semaphore, #tpu.memory_space<semaphore_mem>>) src(%arg7 : memref<128x128xf32, #tpu.memory_space<vmem>>) dst(%dma_wait3A_110 : memref<10240x128xf32, #tpu.memory_space<vmem_shared>>)
      %dma_wait3A_111 = arith.constant 6 : i32
      %dma_wait3A_112 = arith.constant 0 : i32
      %dma_wait3A_113 = tpu.memref_slice %arg6[%dma_wait3A_111, %dma_wait3A_112] : memref<8x128xi32, #tpu.memory_space<vmem>> -> memref<1x128xi32, #tpu.memory_space<vmem>>
      %dma_wait3A_114 = tpu.memref_squeeze %dma_wait3A_113 : memref<1x128xi32, #tpu.memory_space<vmem>> -> memref<128xi32, #tpu.memory_space<vmem>>
      %dma_wait3A_115 = arith.constant 0 : i32
      %dma_wait3A_116 = arith.constant 0 : i32
      %dma_wait3A_117 = tpu.memref_slice %arg8[%dma_wait3A_115, %dma_wait3A_116] : memref<10240x128xf32, #tpu.memory_space<vmem_shared>> -> memref<10240x128xf32, #tpu.memory_space<vmem_shared>>
      tpu.wait_indirect_dma semaphore(%arg9 : memref<!tpu.dma_semaphore, #tpu.memory_space<semaphore_mem>>) src(%arg7 : memref<128x128xf32, #tpu.memory_space<vmem>>) dst(%dma_wait3A_117 : memref<10240x128xf32, #tpu.memory_space<vmem_shared>>)
      %dma_wait3A_118 = arith.constant 7 : i32
      %dma_wait3A_119 = arith.constant 0 : i32
      %dma_wait3A_120 = tpu.memref_slice %arg6[%dma_wait3A_118, %dma_wait3A_119] : memref<8x128xi32, #tpu.memory_space<vmem>> -> memref<1x128xi32, #tpu.memory_space<vmem>>
      %dma_wait3A_121 = tpu.memref_squeeze %dma_wait3A_120 : memref<1x128xi32, #tpu.memory_space<vmem>> -> memref<128xi32, #tpu.memory_space<vmem>>
      %dma_wait3A_122 = arith.constant 0 : i32
      %dma_wait3A_123 = arith.constant 0 : i32
      %dma_wait3A_124 = tpu.memref_slice %arg8[%dma_wait3A_122, %dma_wait3A_123] : memref<10240x128xf32, #tpu.memory_space<vmem_shared>> -> memref<10240x128xf32, #tpu.memory_space<vmem_shared>>
      tpu.wait_indirect_dma semaphore(%arg9 : memref<!tpu.dma_semaphore, #tpu.memory_space<semaphore_mem>>) src(%arg7 : memref<128x128xf32, #tpu.memory_space<vmem>>) dst(%dma_wait3A_124 : memref<10240x128xf32, #tpu.memory_space<vmem_shared>>)
    }
    %scan3A_7 = arith.constant 10 : i32
    %barrier3A_8 = arith.constant 0 : index
    tpu.barrier barrier_id(%barrier3A_8)
    %mul3A_9 = arith.constant 10240 : i32
    %mul3A_10 = arith.muli %arg0, %mul3A_9 : i32
    %add3A_11 = arith.addi %mul3A_10, %mul3A_2 : i32
    "tpu.region"() ({
      %run_scoped3A = tpu.sem_alloc : memref<!tpu.dma_semaphore, #tpu.memory_space<semaphore_mem>>
      %dma_start3A = arith.constant 0 : i32
      %dma_start3A_12 = tpu.memref_slice %arg5[%add3A_11, %dma_start3A] : memref<20480x128xf32, #tpu.memory_space<hbm>> -> memref<640x128xf32, #tpu.memory_space<hbm>>
      %dma_start3A_13 = arith.constant 0 : i32
      %dma_start3A_14 = tpu.memref_slice %arg8[%mul3A_2, %dma_start3A_13] : memref<10240x128xf32, #tpu.memory_space<vmem_shared>> -> memref<640x128xf32, #tpu.memory_space<vmem_shared>>
      tpu.enqueue_dma source(%dma_start3A_14 : memref<640x128xf32, #tpu.memory_space<vmem_shared>>) target(%dma_start3A_12 : memref<640x128xf32, #tpu.memory_space<hbm>>) target_semaphore(%run_scoped3A : memref<!tpu.dma_semaphore, #tpu.memory_space<semaphore_mem>>)
      %dma_wait3A = arith.constant 0 : i32
      %dma_wait3A_15 = tpu.memref_slice %arg5[%add3A_11, %dma_wait3A] : memref<20480x128xf32, #tpu.memory_space<hbm>> -> memref<640x128xf32, #tpu.memory_space<hbm>>
      %dma_wait3A_16 = arith.constant 0 : i32
      %dma_wait3A_17 = tpu.memref_slice %arg8[%mul3A_2, %dma_wait3A_16] : memref<10240x128xf32, #tpu.memory_space<vmem_shared>> -> memref<640x128xf32, #tpu.memory_space<vmem_shared>>
      tpu.wait_dma2 semaphore(%run_scoped3A : memref<!tpu.dma_semaphore, #tpu.memory_space<semaphore_mem>>) src(%dma_wait3A_17 : memref<640x128xf32, #tpu.memory_space<vmem_shared>>) dst(%dma_wait3A_15 : memref<640x128xf32, #tpu.memory_space<hbm>>)
      tpu.yield
    }) : () -> ()
    return
  }
}

#map = affine_map<(d0, d1) -> (0, 0)>
module attributes {stable_mosaic.version = 14 : i64} {
  func.func @_sc_segsum_body(%arg0: i32, %arg1: i32, %arg2: memref<10000x128xf32, #tpu.memory_space<hbm>>, %arg3: memref<2560x128xi32, #tpu.memory_space<hbm>>, %arg4: memref<2560x128xi32, #tpu.memory_space<hbm>>, %arg5: memref<10240x128xf32, #tpu.memory_space<hbm>>, %arg6: memref<20480x128xf32, #tpu.memory_space<hbm>>, %arg7: memref<16x128xi32, #tpu.memory_space<vmem>>, %arg8: memref<16x128xi32, #tpu.memory_space<vmem>>, %arg9: memref<128x128xf32, #tpu.memory_space<vmem>>, %arg10: memref<128x128xf32, #tpu.memory_space<vmem>>, %arg11: memref<10240x128xf32, #tpu.memory_space<vmem_shared>>, %arg12: memref<!tpu.dma_semaphore, #tpu.memory_space<semaphore_mem>>, %arg13: memref<!tpu.dma_semaphore, #tpu.memory_space<semaphore_mem>>, %arg14: memref<!tpu.dma_semaphore, #tpu.memory_space<semaphore_mem>>, %arg15: memref<!tpu.dma_semaphore, #tpu.memory_space<semaphore_mem>>) attributes {dimension_semantics = [#tpu.dimension_semantics<core_parallel>, #tpu.dimension_semantics<subcore_parallel>], iteration_bounds = array<i64: 2, 16>, scalar_prefetch = 0 : i64, scratch_operands = 9 : i64, tpu.core_type = #tpu.core_type<sc_vector_subcore>, window_params = [{transform_indices = #map}, {transform_indices = #map}, {transform_indices = #map}, {transform_indices = #map}, {transform_indices = #map}]} {
    %mul3A = arith.constant 640 : i32
    %mul3A_0 = arith.muli %arg1, %mul3A : i32
    %eq3A = arith.constant 1 : i32
    %eq3A_1 = arith.cmpi eq, %arg0, %eq3A : i32
    %jit3A = arith.constant 15 : i32
    %jit3A_2 = arith.constant 5 : i32
    %select_n3A = arith.select %eq3A_1, %jit3A, %jit3A_2 : i32
    %eq3A_3 = arith.constant 1 : i32
    %eq3A_4 = arith.cmpi eq, %arg0, %eq3A_3 : i32
    %mul3A_5 = arith.constant 15 : i32
    %mul3A_6 = arith.muli %arg1, %mul3A_5 : i32
    %mul3A_7 = arith.constant 5 : i32
    %mul3A_8 = arith.muli %arg1, %mul3A_7 : i32
    %add3A = arith.constant 240 : i32
    %add3A_9 = arith.addi %add3A, %mul3A_8 : i32
    %select_n3A_10 = arith.select %eq3A_4, %mul3A_6, %add3A_9 : i32
    "tpu.region"() ({
      %run_scoped3A = tpu.sem_alloc : memref<!tpu.dma_semaphore, #tpu.memory_space<semaphore_mem>>
      %dma_start3A_40 = arith.constant 0 : i32
      %dma_start3A_41 = tpu.memref_slice %arg11[%mul3A_0, %dma_start3A_40] : memref<10240x128xf32, #tpu.memory_space<vmem_shared>> -> memref<640x128xf32, #tpu.memory_space<vmem_shared>>
      %dma_start3A_42 = arith.constant 0 : i32
      %dma_start3A_43 = tpu.memref_slice %arg5[%mul3A_0, %dma_start3A_42] : memref<10240x128xf32, #tpu.memory_space<hbm>> -> memref<640x128xf32, #tpu.memory_space<hbm>>
      tpu.enqueue_dma source(%dma_start3A_43 : memref<640x128xf32, #tpu.memory_space<hbm>>) target(%dma_start3A_41 : memref<640x128xf32, #tpu.memory_space<vmem_shared>>) target_semaphore(%run_scoped3A : memref<!tpu.dma_semaphore, #tpu.memory_space<semaphore_mem>>)
      %dma_wait3A_44 = arith.constant 0 : i32
      %dma_wait3A_45 = tpu.memref_slice %arg11[%mul3A_0, %dma_wait3A_44] : memref<10240x128xf32, #tpu.memory_space<vmem_shared>> -> memref<640x128xf32, #tpu.memory_space<vmem_shared>>
      %dma_wait3A_46 = arith.constant 0 : i32
      %dma_wait3A_47 = tpu.memref_slice %arg5[%mul3A_0, %dma_wait3A_46] : memref<10240x128xf32, #tpu.memory_space<hbm>> -> memref<640x128xf32, #tpu.memory_space<hbm>>
      tpu.wait_dma2 semaphore(%run_scoped3A : memref<!tpu.dma_semaphore, #tpu.memory_space<semaphore_mem>>) src(%dma_wait3A_47 : memref<640x128xf32, #tpu.memory_space<hbm>>) dst(%dma_wait3A_45 : memref<640x128xf32, #tpu.memory_space<vmem_shared>>)
      tpu.yield
    }) : () -> ()
    %mul3A_11 = arith.constant 8 : i32
    %mul3A_12 = arith.muli %select_n3A_10, %mul3A_11 : i32
    "tpu.region"() ({
      %run_scoped3A = tpu.sem_alloc : memref<!tpu.dma_semaphore, #tpu.memory_space<semaphore_mem>>
      %dma_start3A_40 = arith.constant 0 : i32
      %dma_start3A_41 = arith.constant 0 : i32
      %dma_start3A_42 = tpu.memref_slice %arg7[%dma_start3A_40, %dma_start3A_41] : memref<16x128xi32, #tpu.memory_space<vmem>> -> memref<8x128xi32, #tpu.memory_space<vmem>>
      %dma_start3A_43 = arith.constant 0 : i32
      %dma_start3A_44 = tpu.memref_slice %arg3[%mul3A_12, %dma_start3A_43] : memref<2560x128xi32, #tpu.memory_space<hbm>> -> memref<8x128xi32, #tpu.memory_space<hbm>>
      %dma_start3A_45 = arith.constant 0 : i32
      %dma_start3A_46 = arith.constant 0 : i32
      %dma_start3A_47 = tpu.memref_slice %arg7[%dma_start3A_45, %dma_start3A_46] : memref<16x128xi32, #tpu.memory_space<vmem>> -> memref<8x128xi32, #tpu.memory_space<vmem>>
      %dma_start3A_48 = arith.constant 0 : i32
      %dma_start3A_49 = tpu.memref_slice %arg3[%mul3A_12, %dma_start3A_48] : memref<2560x128xi32, #tpu.memory_space<hbm>> -> memref<8x128xi32, #tpu.memory_space<hbm>>
      tpu.enqueue_dma source(%dma_start3A_49 : memref<8x128xi32, #tpu.memory_space<hbm>>) target(%dma_start3A_47 : memref<8x128xi32, #tpu.memory_space<vmem>>) target_semaphore(%run_scoped3A : memref<!tpu.dma_semaphore, #tpu.memory_space<semaphore_mem>>)
      %dma_wait3A_50 = arith.constant 0 : i32
      %dma_wait3A_51 = arith.constant 0 : i32
      %dma_wait3A_52 = tpu.memref_slice %arg7[%dma_wait3A_50, %dma_wait3A_51] : memref<16x128xi32, #tpu.memory_space<vmem>> -> memref<8x128xi32, #tpu.memory_space<vmem>>
      %dma_wait3A_53 = arith.constant 0 : i32
      %dma_wait3A_54 = tpu.memref_slice %arg3[%mul3A_12, %dma_wait3A_53] : memref<2560x128xi32, #tpu.memory_space<hbm>> -> memref<8x128xi32, #tpu.memory_space<hbm>>
      %dma_wait3A_55 = arith.constant 0 : i32
      %dma_wait3A_56 = arith.constant 0 : i32
      %dma_wait3A_57 = tpu.memref_slice %arg7[%dma_wait3A_55, %dma_wait3A_56] : memref<16x128xi32, #tpu.memory_space<vmem>> -> memref<8x128xi32, #tpu.memory_space<vmem>>
      %dma_wait3A_58 = arith.constant 0 : i32
      %dma_wait3A_59 = tpu.memref_slice %arg3[%mul3A_12, %dma_wait3A_58] : memref<2560x128xi32, #tpu.memory_space<hbm>> -> memref<8x128xi32, #tpu.memory_space<hbm>>
      tpu.wait_dma2 semaphore(%run_scoped3A : memref<!tpu.dma_semaphore, #tpu.memory_space<semaphore_mem>>) src(%dma_wait3A_59 : memref<8x128xi32, #tpu.memory_space<hbm>>) dst(%dma_wait3A_57 : memref<8x128xi32, #tpu.memory_space<vmem>>)
      tpu.yield
    }) : () -> ()
    %mul3A_13 = arith.constant 8 : i32
    %mul3A_14 = arith.muli %select_n3A_10, %mul3A_13 : i32
    "tpu.region"() ({
      %run_scoped3A = tpu.sem_alloc : memref<!tpu.dma_semaphore, #tpu.memory_space<semaphore_mem>>
      %dma_start3A_40 = arith.constant 0 : i32
      %dma_start3A_41 = arith.constant 0 : i32
      %dma_start3A_42 = tpu.memref_slice %arg8[%dma_start3A_40, %dma_start3A_41] : memref<16x128xi32, #tpu.memory_space<vmem>> -> memref<8x128xi32, #tpu.memory_space<vmem>>
      %dma_start3A_43 = arith.constant 0 : i32
      %dma_start3A_44 = tpu.memref_slice %arg4[%mul3A_14, %dma_start3A_43] : memref<2560x128xi32, #tpu.memory_space<hbm>> -> memref<8x128xi32, #tpu.memory_space<hbm>>
      %dma_start3A_45 = arith.constant 0 : i32
      %dma_start3A_46 = arith.constant 0 : i32
      %dma_start3A_47 = tpu.memref_slice %arg8[%dma_start3A_45, %dma_start3A_46] : memref<16x128xi32, #tpu.memory_space<vmem>> -> memref<8x128xi32, #tpu.memory_space<vmem>>
      %dma_start3A_48 = arith.constant 0 : i32
      %dma_start3A_49 = tpu.memref_slice %arg4[%mul3A_14, %dma_start3A_48] : memref<2560x128xi32, #tpu.memory_space<hbm>> -> memref<8x128xi32, #tpu.memory_space<hbm>>
      tpu.enqueue_dma source(%dma_start3A_49 : memref<8x128xi32, #tpu.memory_space<hbm>>) target(%dma_start3A_47 : memref<8x128xi32, #tpu.memory_space<vmem>>) target_semaphore(%run_scoped3A : memref<!tpu.dma_semaphore, #tpu.memory_space<semaphore_mem>>)
      %dma_wait3A_50 = arith.constant 0 : i32
      %dma_wait3A_51 = arith.constant 0 : i32
      %dma_wait3A_52 = tpu.memref_slice %arg8[%dma_wait3A_50, %dma_wait3A_51] : memref<16x128xi32, #tpu.memory_space<vmem>> -> memref<8x128xi32, #tpu.memory_space<vmem>>
      %dma_wait3A_53 = arith.constant 0 : i32
      %dma_wait3A_54 = tpu.memref_slice %arg4[%mul3A_14, %dma_wait3A_53] : memref<2560x128xi32, #tpu.memory_space<hbm>> -> memref<8x128xi32, #tpu.memory_space<hbm>>
      %dma_wait3A_55 = arith.constant 0 : i32
      %dma_wait3A_56 = arith.constant 0 : i32
      %dma_wait3A_57 = tpu.memref_slice %arg8[%dma_wait3A_55, %dma_wait3A_56] : memref<16x128xi32, #tpu.memory_space<vmem>> -> memref<8x128xi32, #tpu.memory_space<vmem>>
      %dma_wait3A_58 = arith.constant 0 : i32
      %dma_wait3A_59 = tpu.memref_slice %arg4[%mul3A_14, %dma_wait3A_58] : memref<2560x128xi32, #tpu.memory_space<hbm>> -> memref<8x128xi32, #tpu.memory_space<hbm>>
      tpu.wait_dma2 semaphore(%run_scoped3A : memref<!tpu.dma_semaphore, #tpu.memory_space<semaphore_mem>>) src(%dma_wait3A_59 : memref<8x128xi32, #tpu.memory_space<hbm>>) dst(%dma_wait3A_57 : memref<8x128xi32, #tpu.memory_space<vmem>>)
      tpu.yield
    }) : () -> ()
    %barrier3A = arith.constant 0 : index
    tpu.barrier barrier_id(%barrier3A)
    %dma_start3A = arith.constant 0 : i32
    %dma_start3A_15 = arith.constant 0 : i32
    %dma_start3A_16 = tpu.memref_slice %arg7[%dma_start3A, %dma_start3A_15] : memref<16x128xi32, #tpu.memory_space<vmem>> -> memref<1x128xi32, #tpu.memory_space<vmem>>
    %dma_start3A_17 = tpu.memref_squeeze %dma_start3A_16 : memref<1x128xi32, #tpu.memory_space<vmem>> -> memref<128xi32, #tpu.memory_space<vmem>>
    %dma_start3A_18 = arith.constant 0 : i32
    %dma_start3A_19 = arith.constant 0 : i32
    %dma_start3A_20 = tpu.memref_slice %arg2[%dma_start3A_18, %dma_start3A_19] : memref<10000x128xf32, #tpu.memory_space<hbm>> -> memref<10000x128xf32, #tpu.memory_space<hbm>>
    tpu.enqueue_indirect_dma source(%dma_start3A_20 : memref<10000x128xf32, #tpu.memory_space<hbm>>) target(%arg9 : memref<128x128xf32, #tpu.memory_space<vmem>>) offsets(%dma_start3A_17 : memref<128xi32, #tpu.memory_space<vmem>>) semaphore(%arg12 : memref<!tpu.dma_semaphore, #tpu.memory_space<semaphore_mem>>)
    %while3A = arith.constant 0 : i32
    %while3A_21 = arith.constant 0 : i32
    %while3A_22 = arith.subi %select_n3A, %while3A_21 : i32
    %while3A_23 = arith.addi %while3A_21, %while3A_22 : i32
    %while3A_24 = arith.constant 1 : i32
    %while3A_25 = arith.divsi %while3A_22, %while3A_24 : i32
    %while3A_26 = arith.muli %while3A_25, %while3A_24 : i32
    %while3A_27 = arith.addi %while3A_21, %while3A_26 : i32
    %while3A_28 = arith.constant 1 : i32
    scf.for %while3A_40 = %while3A_21 to %while3A_27 step %while3A_28  : i32 {
      %jit3A_41 = arith.constant 2 : i32
      %eq3A_42 = arith.constant 0 : i32
      %eq3A_43 = arith.cmpi eq, %jit3A_41, %eq3A_42 : i32
      %jit3A_44 = arith.constant 1 : i32
      %select_n3A_45 = arith.select %eq3A_43, %jit3A_44, %jit3A_41 : i32
      %rem3A = arith.remsi %while3A_40, %select_n3A_45 : i32
      %ne3A = arith.constant 0 : i32
      %ne3A_46 = arith.cmpi ne, %rem3A, %ne3A : i32
      %lt3A = arith.constant 0 : i32
      %lt3A_47 = arith.cmpi slt, %rem3A, %lt3A : i32
      %lt3A_48 = arith.constant 0 : i32
      %lt3A_49 = arith.cmpi slt, %select_n3A_45, %lt3A_48 : i32
      %ne3A_50 = arith.xori %lt3A_47, %lt3A_49 : i1
      %and3A = arith.andi %ne3A_50, %ne3A_46 : i1
      %add3A_51 = arith.addi %rem3A, %select_n3A_45 : i32
      %select_n3A_52 = arith.select %and3A, %add3A_51, %rem3A : i32
      %mul3A_53 = arith.constant 8 : i32
      %mul3A_54 = arith.muli %select_n3A_52, %mul3A_53 : i32
      %add3A_55 = arith.constant 1 : i32
      %add3A_56 = arith.addi %while3A_40, %add3A_55 : i32
      %jit3A_57 = arith.constant 2 : i32
      %eq3A_58 = arith.constant 0 : i32
      %eq3A_59 = arith.cmpi eq, %jit3A_57, %eq3A_58 : i32
      %jit3A_60 = arith.constant 1 : i32
      %select_n3A_61 = arith.select %eq3A_59, %jit3A_60, %jit3A_57 : i32
      %rem3A_62 = arith.remsi %add3A_56, %select_n3A_61 : i32
      %ne3A_63 = arith.constant 0 : i32
      %ne3A_64 = arith.cmpi ne, %rem3A_62, %ne3A_63 : i32
      %lt3A_65 = arith.constant 0 : i32
      %lt3A_66 = arith.cmpi slt, %rem3A_62, %lt3A_65 : i32
      %lt3A_67 = arith.constant 0 : i32
      %lt3A_68 = arith.cmpi slt, %select_n3A_61, %lt3A_67 : i32
      %ne3A_69 = arith.xori %lt3A_66, %lt3A_68 : i1
      %and3A_70 = arith.andi %ne3A_69, %ne3A_64 : i1
      %add3A_71 = arith.addi %rem3A_62, %select_n3A_61 : i32
      %select_n3A_72 = arith.select %and3A_70, %add3A_71, %rem3A_62 : i32
      %mul3A_73 = arith.constant 8 : i32
      %mul3A_74 = arith.muli %select_n3A_72, %mul3A_73 : i32
      %add3A_75 = arith.constant 0 : i32
      %add3A_76 = arith.addi %mul3A_54, %add3A_75 : i32
      %add3A_77 = arith.constant 1 : i32
      %add3A_78 = arith.addi %mul3A_54, %add3A_77 : i32
      %dma_wait3A_79 = arith.constant 0 : i32
      %dma_wait3A_80 = tpu.memref_slice %arg7[%add3A_76, %dma_wait3A_79] : memref<16x128xi32, #tpu.memory_space<vmem>> -> memref<1x128xi32, #tpu.memory_space<vmem>>
      %dma_wait3A_81 = tpu.memref_squeeze %dma_wait3A_80 : memref<1x128xi32, #tpu.memory_space<vmem>> -> memref<128xi32, #tpu.memory_space<vmem>>
      %dma_wait3A_82 = arith.constant 0 : i32
      %dma_wait3A_83 = arith.constant 0 : i32
      %dma_wait3A_84 = tpu.memref_slice %arg2[%dma_wait3A_82, %dma_wait3A_83] : memref<10000x128xf32, #tpu.memory_space<hbm>> -> memref<10000x128xf32, #tpu.memory_space<hbm>>
      tpu.wait_indirect_dma semaphore(%arg12 : memref<!tpu.dma_semaphore, #tpu.memory_space<semaphore_mem>>) src(%dma_wait3A_84 : memref<10000x128xf32, #tpu.memory_space<hbm>>) dst(%arg9 : memref<128x128xf32, #tpu.memory_space<vmem>>)
      %dma_start3A_85 = arith.constant 0 : i32
      %dma_start3A_86 = tpu.memref_slice %arg8[%add3A_76, %dma_start3A_85] : memref<16x128xi32, #tpu.memory_space<vmem>> -> memref<1x128xi32, #tpu.memory_space<vmem>>
      %dma_start3A_87 = tpu.memref_squeeze %dma_start3A_86 : memref<1x128xi32, #tpu.memory_space<vmem>> -> memref<128xi32, #tpu.memory_space<vmem>>
      %dma_start3A_88 = arith.constant 0 : i32
      %dma_start3A_89 = arith.constant 0 : i32
      %dma_start3A_90 = tpu.memref_slice %arg11[%dma_start3A_88, %dma_start3A_89] : memref<10240x128xf32, #tpu.memory_space<vmem_shared>> -> memref<10240x128xf32, #tpu.memory_space<vmem_shared>>
      tpu.enqueue_indirect_dma source(%arg9 : memref<128x128xf32, #tpu.memory_space<vmem>>) target(%dma_start3A_90 : memref<10240x128xf32, #tpu.memory_space<vmem_shared>>) offsets(%dma_start3A_87 : memref<128xi32, #tpu.memory_space<vmem>>) semaphore(%arg14 : memref<!tpu.dma_semaphore, #tpu.memory_space<semaphore_mem>>) {add = true}
      %gt3A = arith.constant 0 : i32
      %gt3A_91 = arith.cmpi sgt, %while3A_40, %gt3A : i32
      %convert_element_type3A = arith.extui %gt3A_91 : i1 to i32
      %cond3A = arith.constant 0 : i32
      %cond3A_92 = arith.cmpi ne, %convert_element_type3A, %cond3A : i32
      scf.if %cond3A_92 {
        %dma_wait3A_311 = arith.constant 0 : i32
        %dma_wait3A_312 = tpu.memref_slice %arg8[%add3A_76, %dma_wait3A_311] : memref<16x128xi32, #tpu.memory_space<vmem>> -> memref<1x128xi32, #tpu.memory_space<vmem>>
        %dma_wait3A_313 = tpu.memref_squeeze %dma_wait3A_312 : memref<1x128xi32, #tpu.memory_space<vmem>> -> memref<128xi32, #tpu.memory_space<vmem>>
        %dma_wait3A_314 = arith.constant 0 : i32
        %dma_wait3A_315 = arith.constant 0 : i32
        %dma_wait3A_316 = tpu.memref_slice %arg11[%dma_wait3A_314, %dma_wait3A_315] : memref<10240x128xf32, #tpu.memory_space<vmem_shared>> -> memref<10240x128xf32, #tpu.memory_space<vmem_shared>>
        tpu.wait_indirect_dma semaphore(%arg15 : memref<!tpu.dma_semaphore, #tpu.memory_space<semaphore_mem>>) src(%arg10 : memref<128x128xf32, #tpu.memory_space<vmem>>) dst(%dma_wait3A_316 : memref<10240x128xf32, #tpu.memory_space<vmem_shared>>)
      } else {
      }
      %dma_start3A_93 = arith.constant 0 : i32
      %dma_start3A_94 = tpu.memref_slice %arg7[%add3A_78, %dma_start3A_93] : memref<16x128xi32, #tpu.memory_space<vmem>> -> memref<1x128xi32, #tpu.memory_space<vmem>>
      %dma_start3A_95 = tpu.memref_squeeze %dma_start3A_94 : memref<1x128xi32, #tpu.memory_space<vmem>> -> memref<128xi32, #tpu.memory_space<vmem>>
      %dma_start3A_96 = arith.constant 0 : i32
      %dma_start3A_97 = arith.constant 0 : i32
      %dma_start3A_98 = tpu.memref_slice %arg2[%dma_start3A_96, %dma_start3A_97] : memref<10000x128xf32, #tpu.memory_space<hbm>> -> memref<10000x128xf32, #tpu.memory_space<hbm>>
      tpu.enqueue_indirect_dma source(%dma_start3A_98 : memref<10000x128xf32, #tpu.memory_space<hbm>>) target(%arg10 : memref<128x128xf32, #tpu.memory_space<vmem>>) offsets(%dma_start3A_95 : memref<128xi32, #tpu.memory_space<vmem>>) semaphore(%arg13 : memref<!tpu.dma_semaphore, #tpu.memory_space<semaphore_mem>>)
      %add3A_99 = arith.constant 1 : i32
      %add3A_100 = arith.addi %while3A_40, %add3A_99 : i32
      %lt3A_101 = arith.cmpi slt, %add3A_100, %select_n3A : i32
      %convert_element_type3A_102 = arith.extui %lt3A_101 : i1 to i32
      %cond3A_103 = arith.constant 0 : i32
      %cond3A_104 = arith.cmpi ne, %convert_element_type3A_102, %cond3A_103 : i32
      scf.if %cond3A_104 {
        %add3A_311 = arith.addi %select_n3A_10, %while3A_40 : i32
        %add3A_312 = arith.constant 1 : i32
        %add3A_313 = arith.addi %add3A_311, %add3A_312 : i32
        %mul3A_314 = arith.constant 8 : i32
        %mul3A_315 = arith.muli %add3A_313, %mul3A_314 : i32
        "tpu.region"() ({
          %run_scoped3A = tpu.sem_alloc : memref<!tpu.dma_semaphore, #tpu.memory_space<semaphore_mem>>
          %dma_start3A_321 = arith.constant 0 : i32
          %dma_start3A_322 = tpu.memref_slice %arg7[%mul3A_74, %dma_start3A_321] : memref<16x128xi32, #tpu.memory_space<vmem>> -> memref<8x128xi32, #tpu.memory_space<vmem>>
          %dma_start3A_323 = arith.constant 0 : i32
          %dma_start3A_324 = tpu.memref_slice %arg3[%mul3A_315, %dma_start3A_323] : memref<2560x128xi32, #tpu.memory_space<hbm>> -> memref<8x128xi32, #tpu.memory_space<hbm>>
          %dma_start3A_325 = arith.constant 0 : i32
          %dma_start3A_326 = tpu.memref_slice %arg7[%mul3A_74, %dma_start3A_325] : memref<16x128xi32, #tpu.memory_space<vmem>> -> memref<8x128xi32, #tpu.memory_space<vmem>>
          %dma_start3A_327 = arith.constant 0 : i32
          %dma_start3A_328 = tpu.memref_slice %arg3[%mul3A_315, %dma_start3A_327] : memref<2560x128xi32, #tpu.memory_space<hbm>> -> memref<8x128xi32, #tpu.memory_space<hbm>>
          tpu.enqueue_dma source(%dma_start3A_328 : memref<8x128xi32, #tpu.memory_space<hbm>>) target(%dma_start3A_326 : memref<8x128xi32, #tpu.memory_space<vmem>>) target_semaphore(%run_scoped3A : memref<!tpu.dma_semaphore, #tpu.memory_space<semaphore_mem>>)
          %dma_wait3A_329 = arith.constant 0 : i32
          %dma_wait3A_330 = tpu.memref_slice %arg7[%mul3A_74, %dma_wait3A_329] : memref<16x128xi32, #tpu.memory_space<vmem>> -> memref<8x128xi32, #tpu.memory_space<vmem>>
          %dma_wait3A_331 = arith.constant 0 : i32
          %dma_wait3A_332 = tpu.memref_slice %arg3[%mul3A_315, %dma_wait3A_331] : memref<2560x128xi32, #tpu.memory_space<hbm>> -> memref<8x128xi32, #tpu.memory_space<hbm>>
          %dma_wait3A_333 = arith.constant 0 : i32
          %dma_wait3A_334 = tpu.memref_slice %arg7[%mul3A_74, %dma_wait3A_333] : memref<16x128xi32, #tpu.memory_space<vmem>> -> memref<8x128xi32, #tpu.memory_space<vmem>>
          %dma_wait3A_335 = arith.constant 0 : i32
          %dma_wait3A_336 = tpu.memref_slice %arg3[%mul3A_315, %dma_wait3A_335] : memref<2560x128xi32, #tpu.memory_space<hbm>> -> memref<8x128xi32, #tpu.memory_space<hbm>>
          tpu.wait_dma2 semaphore(%run_scoped3A : memref<!tpu.dma_semaphore, #tpu.memory_space<semaphore_mem>>) src(%dma_wait3A_336 : memref<8x128xi32, #tpu.memory_space<hbm>>) dst(%dma_wait3A_334 : memref<8x128xi32, #tpu.memory_space<vmem>>)
          tpu.yield
        }) : () -> ()
        %add3A_316 = arith.addi %select_n3A_10, %while3A_40 : i32
        %add3A_317 = arith.constant 1 : i32
        %add3A_318 = arith.addi %add3A_316, %add3A_317 : i32
        %mul3A_319 = arith.constant 8 : i32
        %mul3A_320 = arith.muli %add3A_318, %mul3A_319 : i32
        "tpu.region"() ({
          %run_scoped3A = tpu.sem_alloc : memref<!tpu.dma_semaphore, #tpu.memory_space<semaphore_mem>>
          %dma_start3A_321 = arith.constant 0 : i32
          %dma_start3A_322 = tpu.memref_slice %arg8[%mul3A_74, %dma_start3A_321] : memref<16x128xi32, #tpu.memory_space<vmem>> -> memref<8x128xi32, #tpu.memory_space<vmem>>
          %dma_start3A_323 = arith.constant 0 : i32
          %dma_start3A_324 = tpu.memref_slice %arg4[%mul3A_320, %dma_start3A_323] : memref<2560x128xi32, #tpu.memory_space<hbm>> -> memref<8x128xi32, #tpu.memory_space<hbm>>
          %dma_start3A_325 = arith.constant 0 : i32
          %dma_start3A_326 = tpu.memref_slice %arg8[%mul3A_74, %dma_start3A_325] : memref<16x128xi32, #tpu.memory_space<vmem>> -> memref<8x128xi32, #tpu.memory_space<vmem>>
          %dma_start3A_327 = arith.constant 0 : i32
          %dma_start3A_328 = tpu.memref_slice %arg4[%mul3A_320, %dma_start3A_327] : memref<2560x128xi32, #tpu.memory_space<hbm>> -> memref<8x128xi32, #tpu.memory_space<hbm>>
          tpu.enqueue_dma source(%dma_start3A_328 : memref<8x128xi32, #tpu.memory_space<hbm>>) target(%dma_start3A_326 : memref<8x128xi32, #tpu.memory_space<vmem>>) target_semaphore(%run_scoped3A : memref<!tpu.dma_semaphore, #tpu.memory_space<semaphore_mem>>)
          %dma_wait3A_329 = arith.constant 0 : i32
          %dma_wait3A_330 = tpu.memref_slice %arg8[%mul3A_74, %dma_wait3A_329] : memref<16x128xi32, #tpu.memory_space<vmem>> -> memref<8x128xi32, #tpu.memory_space<vmem>>
          %dma_wait3A_331 = arith.constant 0 : i32
          %dma_wait3A_332 = tpu.memref_slice %arg4[%mul3A_320, %dma_wait3A_331] : memref<2560x128xi32, #tpu.memory_space<hbm>> -> memref<8x128xi32, #tpu.memory_space<hbm>>
          %dma_wait3A_333 = arith.constant 0 : i32
          %dma_wait3A_334 = tpu.memref_slice %arg8[%mul3A_74, %dma_wait3A_333] : memref<16x128xi32, #tpu.memory_space<vmem>> -> memref<8x128xi32, #tpu.memory_space<vmem>>
          %dma_wait3A_335 = arith.constant 0 : i32
          %dma_wait3A_336 = tpu.memref_slice %arg4[%mul3A_320, %dma_wait3A_335] : memref<2560x128xi32, #tpu.memory_space<hbm>> -> memref<8x128xi32, #tpu.memory_space<hbm>>
          tpu.wait_dma2 semaphore(%run_scoped3A : memref<!tpu.dma_semaphore, #tpu.memory_space<semaphore_mem>>) src(%dma_wait3A_336 : memref<8x128xi32, #tpu.memory_space<hbm>>) dst(%dma_wait3A_334 : memref<8x128xi32, #tpu.memory_space<vmem>>)
          tpu.yield
        }) : () -> ()
      } else {
      }
      %add3A_105 = arith.constant 1 : i32
      %add3A_106 = arith.addi %mul3A_54, %add3A_105 : i32
      %add3A_107 = arith.constant 1 : i32
      %add3A_108 = arith.addi %add3A_106, %add3A_107 : i32
      %add3A_109 = arith.constant 1 : i32
      %add3A_110 = arith.addi %mul3A_54, %add3A_109 : i32
      %dma_wait3A_111 = arith.constant 0 : i32
      %dma_wait3A_112 = tpu.memref_slice %arg7[%add3A_110, %dma_wait3A_111] : memref<16x128xi32, #tpu.memory_space<vmem>> -> memref<1x128xi32, #tpu.memory_space<vmem>>
      %dma_wait3A_113 = tpu.memref_squeeze %dma_wait3A_112 : memref<1x128xi32, #tpu.memory_space<vmem>> -> memref<128xi32, #tpu.memory_space<vmem>>
      %dma_wait3A_114 = arith.constant 0 : i32
      %dma_wait3A_115 = arith.constant 0 : i32
      %dma_wait3A_116 = tpu.memref_slice %arg2[%dma_wait3A_114, %dma_wait3A_115] : memref<10000x128xf32, #tpu.memory_space<hbm>> -> memref<10000x128xf32, #tpu.memory_space<hbm>>
      tpu.wait_indirect_dma semaphore(%arg13 : memref<!tpu.dma_semaphore, #tpu.memory_space<semaphore_mem>>) src(%dma_wait3A_116 : memref<10000x128xf32, #tpu.memory_space<hbm>>) dst(%arg10 : memref<128x128xf32, #tpu.memory_space<vmem>>)
      %dma_start3A_117 = arith.constant 0 : i32
      %dma_start3A_118 = tpu.memref_slice %arg8[%add3A_110, %dma_start3A_117] : memref<16x128xi32, #tpu.memory_space<vmem>> -> memref<1x128xi32, #tpu.memory_space<vmem>>
      %dma_start3A_119 = tpu.memref_squeeze %dma_start3A_118 : memref<1x128xi32, #tpu.memory_space<vmem>> -> memref<128xi32, #tpu.memory_space<vmem>>
      %dma_start3A_120 = arith.constant 0 : i32
      %dma_start3A_121 = arith.constant 0 : i32
      %dma_start3A_122 = tpu.memref_slice %arg11[%dma_start3A_120, %dma_start3A_121] : memref<10240x128xf32, #tpu.memory_space<vmem_shared>> -> memref<10240x128xf32, #tpu.memory_space<vmem_shared>>
      tpu.enqueue_indirect_dma source(%arg10 : memref<128x128xf32, #tpu.memory_space<vmem>>) target(%dma_start3A_122 : memref<10240x128xf32, #tpu.memory_space<vmem_shared>>) offsets(%dma_start3A_119 : memref<128xi32, #tpu.memory_space<vmem>>) semaphore(%arg15 : memref<!tpu.dma_semaphore, #tpu.memory_space<semaphore_mem>>) {add = true}
      %dma_wait3A_123 = arith.constant 0 : i32
      %dma_wait3A_124 = tpu.memref_slice %arg8[%add3A_110, %dma_wait3A_123] : memref<16x128xi32, #tpu.memory_space<vmem>> -> memref<1x128xi32, #tpu.memory_space<vmem>>
      %dma_wait3A_125 = tpu.memref_squeeze %dma_wait3A_124 : memref<1x128xi32, #tpu.memory_space<vmem>> -> memref<128xi32, #tpu.memory_space<vmem>>
      %dma_wait3A_126 = arith.constant 0 : i32
      %dma_wait3A_127 = arith.constant 0 : i32
      %dma_wait3A_128 = tpu.memref_slice %arg11[%dma_wait3A_126, %dma_wait3A_127] : memref<10240x128xf32, #tpu.memory_space<vmem_shared>> -> memref<10240x128xf32, #tpu.memory_space<vmem_shared>>
      tpu.wait_indirect_dma semaphore(%arg14 : memref<!tpu.dma_semaphore, #tpu.memory_space<semaphore_mem>>) src(%arg9 : memref<128x128xf32, #tpu.memory_space<vmem>>) dst(%dma_wait3A_128 : memref<10240x128xf32, #tpu.memory_space<vmem_shared>>)
      %dma_start3A_129 = arith.constant 0 : i32
      %dma_start3A_130 = tpu.memref_slice %arg7[%add3A_108, %dma_start3A_129] : memref<16x128xi32, #tpu.memory_space<vmem>> -> memref<1x128xi32, #tpu.memory_space<vmem>>
      %dma_start3A_131 = tpu.memref_squeeze %dma_start3A_130 : memref<1x128xi32, #tpu.memory_space<vmem>> -> memref<128xi32, #tpu.memory_space<vmem>>
      %dma_start3A_132 = arith.constant 0 : i32
      %dma_start3A_133 = arith.constant 0 : i32
      %dma_start3A_134 = tpu.memref_slice %arg2[%dma_start3A_132, %dma_start3A_133] : memref<10000x128xf32, #tpu.memory_space<hbm>> -> memref<10000x128xf32, #tpu.memory_space<hbm>>
      tpu.enqueue_indirect_dma source(%dma_start3A_134 : memref<10000x128xf32, #tpu.memory_space<hbm>>) target(%arg9 : memref<128x128xf32, #tpu.memory_space<vmem>>) offsets(%dma_start3A_131 : memref<128xi32, #tpu.memory_space<vmem>>) semaphore(%arg12 : memref<!tpu.dma_semaphore, #tpu.memory_space<semaphore_mem>>)
      %add3A_135 = arith.constant 2 : i32
      %add3A_136 = arith.addi %mul3A_54, %add3A_135 : i32
      %add3A_137 = arith.constant 1 : i32
      %add3A_138 = arith.addi %add3A_136, %add3A_137 : i32
      %add3A_139 = arith.constant 2 : i32
      %add3A_140 = arith.addi %mul3A_54, %add3A_139 : i32
      %dma_wait3A_141 = arith.constant 0 : i32
      %dma_wait3A_142 = tpu.memref_slice %arg7[%add3A_140, %dma_wait3A_141] : memref<16x128xi32, #tpu.memory_space<vmem>> -> memref<1x128xi32, #tpu.memory_space<vmem>>
      %dma_wait3A_143 = tpu.memref_squeeze %dma_wait3A_142 : memref<1x128xi32, #tpu.memory_space<vmem>> -> memref<128xi32, #tpu.memory_space<vmem>>
      %dma_wait3A_144 = arith.constant 0 : i32
      %dma_wait3A_145 = arith.constant 0 : i32
      %dma_wait3A_146 = tpu.memref_slice %arg2[%dma_wait3A_144, %dma_wait3A_145] : memref<10000x128xf32, #tpu.memory_space<hbm>> -> memref<10000x128xf32, #tpu.memory_space<hbm>>
      tpu.wait_indirect_dma semaphore(%arg12 : memref<!tpu.dma_semaphore, #tpu.memory_space<semaphore_mem>>) src(%dma_wait3A_146 : memref<10000x128xf32, #tpu.memory_space<hbm>>) dst(%arg9 : memref<128x128xf32, #tpu.memory_space<vmem>>)
      %dma_start3A_147 = arith.constant 0 : i32
      %dma_start3A_148 = tpu.memref_slice %arg8[%add3A_140, %dma_start3A_147] : memref<16x128xi32, #tpu.memory_space<vmem>> -> memref<1x128xi32, #tpu.memory_space<vmem>>
      %dma_start3A_149 = tpu.memref_squeeze %dma_start3A_148 : memref<1x128xi32, #tpu.memory_space<vmem>> -> memref<128xi32, #tpu.memory_space<vmem>>
      %dma_start3A_150 = arith.constant 0 : i32
      %dma_start3A_151 = arith.constant 0 : i32
      %dma_start3A_152 = tpu.memref_slice %arg11[%dma_start3A_150, %dma_start3A_151] : memref<10240x128xf32, #tpu.memory_space<vmem_shared>> -> memref<10240x128xf32, #tpu.memory_space<vmem_shared>>
      tpu.enqueue_indirect_dma source(%arg9 : memref<128x128xf32, #tpu.memory_space<vmem>>) target(%dma_start3A_152 : memref<10240x128xf32, #tpu.memory_space<vmem_shared>>) offsets(%dma_start3A_149 : memref<128xi32, #tpu.memory_space<vmem>>) semaphore(%arg14 : memref<!tpu.dma_semaphore, #tpu.memory_space<semaphore_mem>>) {add = true}
      %dma_wait3A_153 = arith.constant 0 : i32
      %dma_wait3A_154 = tpu.memref_slice %arg8[%add3A_140, %dma_wait3A_153] : memref<16x128xi32, #tpu.memory_space<vmem>> -> memref<1x128xi32, #tpu.memory_space<vmem>>
      %dma_wait3A_155 = tpu.memref_squeeze %dma_wait3A_154 : memref<1x128xi32, #tpu.memory_space<vmem>> -> memref<128xi32, #tpu.memory_space<vmem>>
      %dma_wait3A_156 = arith.constant 0 : i32
      %dma_wait3A_157 = arith.constant 0 : i32
      %dma_wait3A_158 = tpu.memref_slice %arg11[%dma_wait3A_156, %dma_wait3A_157] : memref<10240x128xf32, #tpu.memory_space<vmem_shared>> -> memref<10240x128xf32, #tpu.memory_space<vmem_shared>>
      tpu.wait_indirect_dma semaphore(%arg15 : memref<!tpu.dma_semaphore, #tpu.memory_space<semaphore_mem>>) src(%arg10 : memref<128x128xf32, #tpu.memory_space<vmem>>) dst(%dma_wait3A_158 : memref<10240x128xf32, #tpu.memory_space<vmem_shared>>)
      %dma_start3A_159 = arith.constant 0 : i32
      %dma_start3A_160 = tpu.memref_slice %arg7[%add3A_138, %dma_start3A_159] : memref<16x128xi32, #tpu.memory_space<vmem>> -> memref<1x128xi32, #tpu.memory_space<vmem>>
      %dma_start3A_161 = tpu.memref_squeeze %dma_start3A_160 : memref<1x128xi32, #tpu.memory_space<vmem>> -> memref<128xi32, #tpu.memory_space<vmem>>
      %dma_start3A_162 = arith.constant 0 : i32
      %dma_start3A_163 = arith.constant 0 : i32
      %dma_start3A_164 = tpu.memref_slice %arg2[%dma_start3A_162, %dma_start3A_163] : memref<10000x128xf32, #tpu.memory_space<hbm>> -> memref<10000x128xf32, #tpu.memory_space<hbm>>
      tpu.enqueue_indirect_dma source(%dma_start3A_164 : memref<10000x128xf32, #tpu.memory_space<hbm>>) target(%arg10 : memref<128x128xf32, #tpu.memory_space<vmem>>) offsets(%dma_start3A_161 : memref<128xi32, #tpu.memory_space<vmem>>) semaphore(%arg13 : memref<!tpu.dma_semaphore, #tpu.memory_space<semaphore_mem>>)
      %add3A_165 = arith.constant 3 : i32
      %add3A_166 = arith.addi %mul3A_54, %add3A_165 : i32
      %add3A_167 = arith.constant 1 : i32
      %add3A_168 = arith.addi %add3A_166, %add3A_167 : i32
      %add3A_169 = arith.constant 3 : i32
      %add3A_170 = arith.addi %mul3A_54, %add3A_169 : i32
      %dma_wait3A_171 = arith.constant 0 : i32
      %dma_wait3A_172 = tpu.memref_slice %arg7[%add3A_170, %dma_wait3A_171] : memref<16x128xi32, #tpu.memory_space<vmem>> -> memref<1x128xi32, #tpu.memory_space<vmem>>
      %dma_wait3A_173 = tpu.memref_squeeze %dma_wait3A_172 : memref<1x128xi32, #tpu.memory_space<vmem>> -> memref<128xi32, #tpu.memory_space<vmem>>
      %dma_wait3A_174 = arith.constant 0 : i32
      %dma_wait3A_175 = arith.constant 0 : i32
      %dma_wait3A_176 = tpu.memref_slice %arg2[%dma_wait3A_174, %dma_wait3A_175] : memref<10000x128xf32, #tpu.memory_space<hbm>> -> memref<10000x128xf32, #tpu.memory_space<hbm>>
      tpu.wait_indirect_dma semaphore(%arg13 : memref<!tpu.dma_semaphore, #tpu.memory_space<semaphore_mem>>) src(%dma_wait3A_176 : memref<10000x128xf32, #tpu.memory_space<hbm>>) dst(%arg10 : memref<128x128xf32, #tpu.memory_space<vmem>>)
      %dma_start3A_177 = arith.constant 0 : i32
      %dma_start3A_178 = tpu.memref_slice %arg8[%add3A_170, %dma_start3A_177] : memref<16x128xi32, #tpu.memory_space<vmem>> -> memref<1x128xi32, #tpu.memory_space<vmem>>
      %dma_start3A_179 = tpu.memref_squeeze %dma_start3A_178 : memref<1x128xi32, #tpu.memory_space<vmem>> -> memref<128xi32, #tpu.memory_space<vmem>>
      %dma_start3A_180 = arith.constant 0 : i32
      %dma_start3A_181 = arith.constant 0 : i32
      %dma_start3A_182 = tpu.memref_slice %arg11[%dma_start3A_180, %dma_start3A_181] : memref<10240x128xf32, #tpu.memory_space<vmem_shared>> -> memref<10240x128xf32, #tpu.memory_space<vmem_shared>>
      tpu.enqueue_indirect_dma source(%arg10 : memref<128x128xf32, #tpu.memory_space<vmem>>) target(%dma_start3A_182 : memref<10240x128xf32, #tpu.memory_space<vmem_shared>>) offsets(%dma_start3A_179 : memref<128xi32, #tpu.memory_space<vmem>>) semaphore(%arg15 : memref<!tpu.dma_semaphore, #tpu.memory_space<semaphore_mem>>) {add = true}
      %dma_wait3A_183 = arith.constant 0 : i32
      %dma_wait3A_184 = tpu.memref_slice %arg8[%add3A_170, %dma_wait3A_183] : memref<16x128xi32, #tpu.memory_space<vmem>> -> memref<1x128xi32, #tpu.memory_space<vmem>>
      %dma_wait3A_185 = tpu.memref_squeeze %dma_wait3A_184 : memref<1x128xi32, #tpu.memory_space<vmem>> -> memref<128xi32, #tpu.memory_space<vmem>>
      %dma_wait3A_186 = arith.constant 0 : i32
      %dma_wait3A_187 = arith.constant 0 : i32
      %dma_wait3A_188 = tpu.memref_slice %arg11[%dma_wait3A_186, %dma_wait3A_187] : memref<10240x128xf32, #tpu.memory_space<vmem_shared>> -> memref<10240x128xf32, #tpu.memory_space<vmem_shared>>
      tpu.wait_indirect_dma semaphore(%arg14 : memref<!tpu.dma_semaphore, #tpu.memory_space<semaphore_mem>>) src(%arg9 : memref<128x128xf32, #tpu.memory_space<vmem>>) dst(%dma_wait3A_188 : memref<10240x128xf32, #tpu.memory_space<vmem_shared>>)
      %dma_start3A_189 = arith.constant 0 : i32
      %dma_start3A_190 = tpu.memref_slice %arg7[%add3A_168, %dma_start3A_189] : memref<16x128xi32, #tpu.memory_space<vmem>> -> memref<1x128xi32, #tpu.memory_space<vmem>>
      %dma_start3A_191 = tpu.memref_squeeze %dma_start3A_190 : memref<1x128xi32, #tpu.memory_space<vmem>> -> memref<128xi32, #tpu.memory_space<vmem>>
      %dma_start3A_192 = arith.constant 0 : i32
      %dma_start3A_193 = arith.constant 0 : i32
      %dma_start3A_194 = tpu.memref_slice %arg2[%dma_start3A_192, %dma_start3A_193] : memref<10000x128xf32, #tpu.memory_space<hbm>> -> memref<10000x128xf32, #tpu.memory_space<hbm>>
      tpu.enqueue_indirect_dma source(%dma_start3A_194 : memref<10000x128xf32, #tpu.memory_space<hbm>>) target(%arg9 : memref<128x128xf32, #tpu.memory_space<vmem>>) offsets(%dma_start3A_191 : memref<128xi32, #tpu.memory_space<vmem>>) semaphore(%arg12 : memref<!tpu.dma_semaphore, #tpu.memory_space<semaphore_mem>>)
      %add3A_195 = arith.constant 4 : i32
      %add3A_196 = arith.addi %mul3A_54, %add3A_195 : i32
      %add3A_197 = arith.constant 1 : i32
      %add3A_198 = arith.addi %add3A_196, %add3A_197 : i32
      %add3A_199 = arith.constant 4 : i32
      %add3A_200 = arith.addi %mul3A_54, %add3A_199 : i32
      %dma_wait3A_201 = arith.constant 0 : i32
      %dma_wait3A_202 = tpu.memref_slice %arg7[%add3A_200, %dma_wait3A_201] : memref<16x128xi32, #tpu.memory_space<vmem>> -> memref<1x128xi32, #tpu.memory_space<vmem>>
      %dma_wait3A_203 = tpu.memref_squeeze %dma_wait3A_202 : memref<1x128xi32, #tpu.memory_space<vmem>> -> memref<128xi32, #tpu.memory_space<vmem>>
      %dma_wait3A_204 = arith.constant 0 : i32
      %dma_wait3A_205 = arith.constant 0 : i32
      %dma_wait3A_206 = tpu.memref_slice %arg2[%dma_wait3A_204, %dma_wait3A_205] : memref<10000x128xf32, #tpu.memory_space<hbm>> -> memref<10000x128xf32, #tpu.memory_space<hbm>>
      tpu.wait_indirect_dma semaphore(%arg12 : memref<!tpu.dma_semaphore, #tpu.memory_space<semaphore_mem>>) src(%dma_wait3A_206 : memref<10000x128xf32, #tpu.memory_space<hbm>>) dst(%arg9 : memref<128x128xf32, #tpu.memory_space<vmem>>)
      %dma_start3A_207 = arith.constant 0 : i32
      %dma_start3A_208 = tpu.memref_slice %arg8[%add3A_200, %dma_start3A_207] : memref<16x128xi32, #tpu.memory_space<vmem>> -> memref<1x128xi32, #tpu.memory_space<vmem>>
      %dma_start3A_209 = tpu.memref_squeeze %dma_start3A_208 : memref<1x128xi32, #tpu.memory_space<vmem>> -> memref<128xi32, #tpu.memory_space<vmem>>
      %dma_start3A_210 = arith.constant 0 : i32
      %dma_start3A_211 = arith.constant 0 : i32
      %dma_start3A_212 = tpu.memref_slice %arg11[%dma_start3A_210, %dma_start3A_211] : memref<10240x128xf32, #tpu.memory_space<vmem_shared>> -> memref<10240x128xf32, #tpu.memory_space<vmem_shared>>
      tpu.enqueue_indirect_dma source(%arg9 : memref<128x128xf32, #tpu.memory_space<vmem>>) target(%dma_start3A_212 : memref<10240x128xf32, #tpu.memory_space<vmem_shared>>) offsets(%dma_start3A_209 : memref<128xi32, #tpu.memory_space<vmem>>) semaphore(%arg14 : memref<!tpu.dma_semaphore, #tpu.memory_space<semaphore_mem>>) {add = true}
      %dma_wait3A_213 = arith.constant 0 : i32
      %dma_wait3A_214 = tpu.memref_slice %arg8[%add3A_200, %dma_wait3A_213] : memref<16x128xi32, #tpu.memory_space<vmem>> -> memref<1x128xi32, #tpu.memory_space<vmem>>
      %dma_wait3A_215 = tpu.memref_squeeze %dma_wait3A_214 : memref<1x128xi32, #tpu.memory_space<vmem>> -> memref<128xi32, #tpu.memory_space<vmem>>
      %dma_wait3A_216 = arith.constant 0 : i32
      %dma_wait3A_217 = arith.constant 0 : i32
      %dma_wait3A_218 = tpu.memref_slice %arg11[%dma_wait3A_216, %dma_wait3A_217] : memref<10240x128xf32, #tpu.memory_space<vmem_shared>> -> memref<10240x128xf32, #tpu.memory_space<vmem_shared>>
      tpu.wait_indirect_dma semaphore(%arg15 : memref<!tpu.dma_semaphore, #tpu.memory_space<semaphore_mem>>) src(%arg10 : memref<128x128xf32, #tpu.memory_space<vmem>>) dst(%dma_wait3A_218 : memref<10240x128xf32, #tpu.memory_space<vmem_shared>>)
      %dma_start3A_219 = arith.constant 0 : i32
      %dma_start3A_220 = tpu.memref_slice %arg7[%add3A_198, %dma_start3A_219] : memref<16x128xi32, #tpu.memory_space<vmem>> -> memref<1x128xi32, #tpu.memory_space<vmem>>
      %dma_start3A_221 = tpu.memref_squeeze %dma_start3A_220 : memref<1x128xi32, #tpu.memory_space<vmem>> -> memref<128xi32, #tpu.memory_space<vmem>>
      %dma_start3A_222 = arith.constant 0 : i32
      %dma_start3A_223 = arith.constant 0 : i32
      %dma_start3A_224 = tpu.memref_slice %arg2[%dma_start3A_222, %dma_start3A_223] : memref<10000x128xf32, #tpu.memory_space<hbm>> -> memref<10000x128xf32, #tpu.memory_space<hbm>>
      tpu.enqueue_indirect_dma source(%dma_start3A_224 : memref<10000x128xf32, #tpu.memory_space<hbm>>) target(%arg10 : memref<128x128xf32, #tpu.memory_space<vmem>>) offsets(%dma_start3A_221 : memref<128xi32, #tpu.memory_space<vmem>>) semaphore(%arg13 : memref<!tpu.dma_semaphore, #tpu.memory_space<semaphore_mem>>)
      %add3A_225 = arith.constant 5 : i32
      %add3A_226 = arith.addi %mul3A_54, %add3A_225 : i32
      %add3A_227 = arith.constant 1 : i32
      %add3A_228 = arith.addi %add3A_226, %add3A_227 : i32
      %add3A_229 = arith.constant 5 : i32
      %add3A_230 = arith.addi %mul3A_54, %add3A_229 : i32
      %dma_wait3A_231 = arith.constant 0 : i32
      %dma_wait3A_232 = tpu.memref_slice %arg7[%add3A_230, %dma_wait3A_231] : memref<16x128xi32, #tpu.memory_space<vmem>> -> memref<1x128xi32, #tpu.memory_space<vmem>>
      %dma_wait3A_233 = tpu.memref_squeeze %dma_wait3A_232 : memref<1x128xi32, #tpu.memory_space<vmem>> -> memref<128xi32, #tpu.memory_space<vmem>>
      %dma_wait3A_234 = arith.constant 0 : i32
      %dma_wait3A_235 = arith.constant 0 : i32
      %dma_wait3A_236 = tpu.memref_slice %arg2[%dma_wait3A_234, %dma_wait3A_235] : memref<10000x128xf32, #tpu.memory_space<hbm>> -> memref<10000x128xf32, #tpu.memory_space<hbm>>
      tpu.wait_indirect_dma semaphore(%arg13 : memref<!tpu.dma_semaphore, #tpu.memory_space<semaphore_mem>>) src(%dma_wait3A_236 : memref<10000x128xf32, #tpu.memory_space<hbm>>) dst(%arg10 : memref<128x128xf32, #tpu.memory_space<vmem>>)
      %dma_start3A_237 = arith.constant 0 : i32
      %dma_start3A_238 = tpu.memref_slice %arg8[%add3A_230, %dma_start3A_237] : memref<16x128xi32, #tpu.memory_space<vmem>> -> memref<1x128xi32, #tpu.memory_space<vmem>>
      %dma_start3A_239 = tpu.memref_squeeze %dma_start3A_238 : memref<1x128xi32, #tpu.memory_space<vmem>> -> memref<128xi32, #tpu.memory_space<vmem>>
      %dma_start3A_240 = arith.constant 0 : i32
      %dma_start3A_241 = arith.constant 0 : i32
      %dma_start3A_242 = tpu.memref_slice %arg11[%dma_start3A_240, %dma_start3A_241] : memref<10240x128xf32, #tpu.memory_space<vmem_shared>> -> memref<10240x128xf32, #tpu.memory_space<vmem_shared>>
      tpu.enqueue_indirect_dma source(%arg10 : memref<128x128xf32, #tpu.memory_space<vmem>>) target(%dma_start3A_242 : memref<10240x128xf32, #tpu.memory_space<vmem_shared>>) offsets(%dma_start3A_239 : memref<128xi32, #tpu.memory_space<vmem>>) semaphore(%arg15 : memref<!tpu.dma_semaphore, #tpu.memory_space<semaphore_mem>>) {add = true}
      %dma_wait3A_243 = arith.constant 0 : i32
      %dma_wait3A_244 = tpu.memref_slice %arg8[%add3A_230, %dma_wait3A_243] : memref<16x128xi32, #tpu.memory_space<vmem>> -> memref<1x128xi32, #tpu.memory_space<vmem>>
      %dma_wait3A_245 = tpu.memref_squeeze %dma_wait3A_244 : memref<1x128xi32, #tpu.memory_space<vmem>> -> memref<128xi32, #tpu.memory_space<vmem>>
      %dma_wait3A_246 = arith.constant 0 : i32
      %dma_wait3A_247 = arith.constant 0 : i32
      %dma_wait3A_248 = tpu.memref_slice %arg11[%dma_wait3A_246, %dma_wait3A_247] : memref<10240x128xf32, #tpu.memory_space<vmem_shared>> -> memref<10240x128xf32, #tpu.memory_space<vmem_shared>>
      tpu.wait_indirect_dma semaphore(%arg14 : memref<!tpu.dma_semaphore, #tpu.memory_space<semaphore_mem>>) src(%arg9 : memref<128x128xf32, #tpu.memory_space<vmem>>) dst(%dma_wait3A_248 : memref<10240x128xf32, #tpu.memory_space<vmem_shared>>)
      %dma_start3A_249 = arith.constant 0 : i32
      %dma_start3A_250 = tpu.memref_slice %arg7[%add3A_228, %dma_start3A_249] : memref<16x128xi32, #tpu.memory_space<vmem>> -> memref<1x128xi32, #tpu.memory_space<vmem>>
      %dma_start3A_251 = tpu.memref_squeeze %dma_start3A_250 : memref<1x128xi32, #tpu.memory_space<vmem>> -> memref<128xi32, #tpu.memory_space<vmem>>
      %dma_start3A_252 = arith.constant 0 : i32
      %dma_start3A_253 = arith.constant 0 : i32
      %dma_start3A_254 = tpu.memref_slice %arg2[%dma_start3A_252, %dma_start3A_253] : memref<10000x128xf32, #tpu.memory_space<hbm>> -> memref<10000x128xf32, #tpu.memory_space<hbm>>
      tpu.enqueue_indirect_dma source(%dma_start3A_254 : memref<10000x128xf32, #tpu.memory_space<hbm>>) target(%arg9 : memref<128x128xf32, #tpu.memory_space<vmem>>) offsets(%dma_start3A_251 : memref<128xi32, #tpu.memory_space<vmem>>) semaphore(%arg12 : memref<!tpu.dma_semaphore, #tpu.memory_space<semaphore_mem>>)
      %add3A_255 = arith.constant 6 : i32
      %add3A_256 = arith.addi %mul3A_54, %add3A_255 : i32
      %add3A_257 = arith.constant 1 : i32
      %add3A_258 = arith.addi %add3A_256, %add3A_257 : i32
      %add3A_259 = arith.constant 6 : i32
      %add3A_260 = arith.addi %mul3A_54, %add3A_259 : i32
      %dma_wait3A_261 = arith.constant 0 : i32
      %dma_wait3A_262 = tpu.memref_slice %arg7[%add3A_260, %dma_wait3A_261] : memref<16x128xi32, #tpu.memory_space<vmem>> -> memref<1x128xi32, #tpu.memory_space<vmem>>
      %dma_wait3A_263 = tpu.memref_squeeze %dma_wait3A_262 : memref<1x128xi32, #tpu.memory_space<vmem>> -> memref<128xi32, #tpu.memory_space<vmem>>
      %dma_wait3A_264 = arith.constant 0 : i32
      %dma_wait3A_265 = arith.constant 0 : i32
      %dma_wait3A_266 = tpu.memref_slice %arg2[%dma_wait3A_264, %dma_wait3A_265] : memref<10000x128xf32, #tpu.memory_space<hbm>> -> memref<10000x128xf32, #tpu.memory_space<hbm>>
      tpu.wait_indirect_dma semaphore(%arg12 : memref<!tpu.dma_semaphore, #tpu.memory_space<semaphore_mem>>) src(%dma_wait3A_266 : memref<10000x128xf32, #tpu.memory_space<hbm>>) dst(%arg9 : memref<128x128xf32, #tpu.memory_space<vmem>>)
      %dma_start3A_267 = arith.constant 0 : i32
      %dma_start3A_268 = tpu.memref_slice %arg8[%add3A_260, %dma_start3A_267] : memref<16x128xi32, #tpu.memory_space<vmem>> -> memref<1x128xi32, #tpu.memory_space<vmem>>
      %dma_start3A_269 = tpu.memref_squeeze %dma_start3A_268 : memref<1x128xi32, #tpu.memory_space<vmem>> -> memref<128xi32, #tpu.memory_space<vmem>>
      %dma_start3A_270 = arith.constant 0 : i32
      %dma_start3A_271 = arith.constant 0 : i32
      %dma_start3A_272 = tpu.memref_slice %arg11[%dma_start3A_270, %dma_start3A_271] : memref<10240x128xf32, #tpu.memory_space<vmem_shared>> -> memref<10240x128xf32, #tpu.memory_space<vmem_shared>>
      tpu.enqueue_indirect_dma source(%arg9 : memref<128x128xf32, #tpu.memory_space<vmem>>) target(%dma_start3A_272 : memref<10240x128xf32, #tpu.memory_space<vmem_shared>>) offsets(%dma_start3A_269 : memref<128xi32, #tpu.memory_space<vmem>>) semaphore(%arg14 : memref<!tpu.dma_semaphore, #tpu.memory_space<semaphore_mem>>) {add = true}
      %dma_wait3A_273 = arith.constant 0 : i32
      %dma_wait3A_274 = tpu.memref_slice %arg8[%add3A_260, %dma_wait3A_273] : memref<16x128xi32, #tpu.memory_space<vmem>> -> memref<1x128xi32, #tpu.memory_space<vmem>>
      %dma_wait3A_275 = tpu.memref_squeeze %dma_wait3A_274 : memref<1x128xi32, #tpu.memory_space<vmem>> -> memref<128xi32, #tpu.memory_space<vmem>>
      %dma_wait3A_276 = arith.constant 0 : i32
      %dma_wait3A_277 = arith.constant 0 : i32
      %dma_wait3A_278 = tpu.memref_slice %arg11[%dma_wait3A_276, %dma_wait3A_277] : memref<10240x128xf32, #tpu.memory_space<vmem_shared>> -> memref<10240x128xf32, #tpu.memory_space<vmem_shared>>
      tpu.wait_indirect_dma semaphore(%arg15 : memref<!tpu.dma_semaphore, #tpu.memory_space<semaphore_mem>>) src(%arg10 : memref<128x128xf32, #tpu.memory_space<vmem>>) dst(%dma_wait3A_278 : memref<10240x128xf32, #tpu.memory_space<vmem_shared>>)
      %dma_start3A_279 = arith.constant 0 : i32
      %dma_start3A_280 = tpu.memref_slice %arg7[%add3A_258, %dma_start3A_279] : memref<16x128xi32, #tpu.memory_space<vmem>> -> memref<1x128xi32, #tpu.memory_space<vmem>>
      %dma_start3A_281 = tpu.memref_squeeze %dma_start3A_280 : memref<1x128xi32, #tpu.memory_space<vmem>> -> memref<128xi32, #tpu.memory_space<vmem>>
      %dma_start3A_282 = arith.constant 0 : i32
      %dma_start3A_283 = arith.constant 0 : i32
      %dma_start3A_284 = tpu.memref_slice %arg2[%dma_start3A_282, %dma_start3A_283] : memref<10000x128xf32, #tpu.memory_space<hbm>> -> memref<10000x128xf32, #tpu.memory_space<hbm>>
      tpu.enqueue_indirect_dma source(%dma_start3A_284 : memref<10000x128xf32, #tpu.memory_space<hbm>>) target(%arg10 : memref<128x128xf32, #tpu.memory_space<vmem>>) offsets(%dma_start3A_281 : memref<128xi32, #tpu.memory_space<vmem>>) semaphore(%arg13 : memref<!tpu.dma_semaphore, #tpu.memory_space<semaphore_mem>>)
      %add3A_285 = arith.constant 7 : i32
      %add3A_286 = arith.addi %mul3A_54, %add3A_285 : i32
      %dma_wait3A_287 = arith.constant 0 : i32
      %dma_wait3A_288 = tpu.memref_slice %arg7[%add3A_286, %dma_wait3A_287] : memref<16x128xi32, #tpu.memory_space<vmem>> -> memref<1x128xi32, #tpu.memory_space<vmem>>
      %dma_wait3A_289 = tpu.memref_squeeze %dma_wait3A_288 : memref<1x128xi32, #tpu.memory_space<vmem>> -> memref<128xi32, #tpu.memory_space<vmem>>
      %dma_wait3A_290 = arith.constant 0 : i32
      %dma_wait3A_291 = arith.constant 0 : i32
      %dma_wait3A_292 = tpu.memref_slice %arg2[%dma_wait3A_290, %dma_wait3A_291] : memref<10000x128xf32, #tpu.memory_space<hbm>> -> memref<10000x128xf32, #tpu.memory_space<hbm>>
      tpu.wait_indirect_dma semaphore(%arg13 : memref<!tpu.dma_semaphore, #tpu.memory_space<semaphore_mem>>) src(%dma_wait3A_292 : memref<10000x128xf32, #tpu.memory_space<hbm>>) dst(%arg10 : memref<128x128xf32, #tpu.memory_space<vmem>>)
      %dma_start3A_293 = arith.constant 0 : i32
      %dma_start3A_294 = tpu.memref_slice %arg8[%add3A_286, %dma_start3A_293] : memref<16x128xi32, #tpu.memory_space<vmem>> -> memref<1x128xi32, #tpu.memory_space<vmem>>
      %dma_start3A_295 = tpu.memref_squeeze %dma_start3A_294 : memref<1x128xi32, #tpu.memory_space<vmem>> -> memref<128xi32, #tpu.memory_space<vmem>>
      %dma_start3A_296 = arith.constant 0 : i32
      %dma_start3A_297 = arith.constant 0 : i32
      %dma_start3A_298 = tpu.memref_slice %arg11[%dma_start3A_296, %dma_start3A_297] : memref<10240x128xf32, #tpu.memory_space<vmem_shared>> -> memref<10240x128xf32, #tpu.memory_space<vmem_shared>>
      tpu.enqueue_indirect_dma source(%arg10 : memref<128x128xf32, #tpu.memory_space<vmem>>) target(%dma_start3A_298 : memref<10240x128xf32, #tpu.memory_space<vmem_shared>>) offsets(%dma_start3A_295 : memref<128xi32, #tpu.memory_space<vmem>>) semaphore(%arg15 : memref<!tpu.dma_semaphore, #tpu.memory_space<semaphore_mem>>) {add = true}
      %dma_wait3A_299 = arith.constant 0 : i32
      %dma_wait3A_300 = tpu.memref_slice %arg8[%add3A_286, %dma_wait3A_299] : memref<16x128xi32, #tpu.memory_space<vmem>> -> memref<1x128xi32, #tpu.memory_space<vmem>>
      %dma_wait3A_301 = tpu.memref_squeeze %dma_wait3A_300 : memref<1x128xi32, #tpu.memory_space<vmem>> -> memref<128xi32, #tpu.memory_space<vmem>>
      %dma_wait3A_302 = arith.constant 0 : i32
      %dma_wait3A_303 = arith.constant 0 : i32
      %dma_wait3A_304 = tpu.memref_slice %arg11[%dma_wait3A_302, %dma_wait3A_303] : memref<10240x128xf32, #tpu.memory_space<vmem_shared>> -> memref<10240x128xf32, #tpu.memory_space<vmem_shared>>
      tpu.wait_indirect_dma semaphore(%arg14 : memref<!tpu.dma_semaphore, #tpu.memory_space<semaphore_mem>>) src(%arg9 : memref<128x128xf32, #tpu.memory_space<vmem>>) dst(%dma_wait3A_304 : memref<10240x128xf32, #tpu.memory_space<vmem_shared>>)
      %add3A_305 = arith.constant 1 : i32
      %add3A_306 = arith.addi %while3A_40, %add3A_305 : i32
      %lt3A_307 = arith.cmpi slt, %add3A_306, %select_n3A : i32
      %convert_element_type3A_308 = arith.extui %lt3A_307 : i1 to i32
      %cond3A_309 = arith.constant 0 : i32
      %cond3A_310 = arith.cmpi ne, %convert_element_type3A_308, %cond3A_309 : i32
      scf.if %cond3A_310 {
        %dma_start3A_311 = arith.constant 0 : i32
        %dma_start3A_312 = tpu.memref_slice %arg7[%mul3A_74, %dma_start3A_311] : memref<16x128xi32, #tpu.memory_space<vmem>> -> memref<1x128xi32, #tpu.memory_space<vmem>>
        %dma_start3A_313 = tpu.memref_squeeze %dma_start3A_312 : memref<1x128xi32, #tpu.memory_space<vmem>> -> memref<128xi32, #tpu.memory_space<vmem>>
        %dma_start3A_314 = arith.constant 0 : i32
        %dma_start3A_315 = arith.constant 0 : i32
        %dma_start3A_316 = tpu.memref_slice %arg2[%dma_start3A_314, %dma_start3A_315] : memref<10000x128xf32, #tpu.memory_space<hbm>> -> memref<10000x128xf32, #tpu.memory_space<hbm>>
        tpu.enqueue_indirect_dma source(%dma_start3A_316 : memref<10000x128xf32, #tpu.memory_space<hbm>>) target(%arg9 : memref<128x128xf32, #tpu.memory_space<vmem>>) offsets(%dma_start3A_313 : memref<128xi32, #tpu.memory_space<vmem>>) semaphore(%arg12 : memref<!tpu.dma_semaphore, #tpu.memory_space<semaphore_mem>>)
      } else {
      }
    }
    %while3A_29 = arith.constant 1 : i32
    scf.for %while3A_40 = %while3A_27 to %while3A_23 step %while3A_29  : i32 {
      %jit3A_41 = arith.constant 2 : i32
      %eq3A_42 = arith.constant 0 : i32
      %eq3A_43 = arith.cmpi eq, %jit3A_41, %eq3A_42 : i32
      %jit3A_44 = arith.constant 1 : i32
      %select_n3A_45 = arith.select %eq3A_43, %jit3A_44, %jit3A_41 : i32
      %rem3A = arith.remsi %while3A_40, %select_n3A_45 : i32
      %ne3A = arith.constant 0 : i32
      %ne3A_46 = arith.cmpi ne, %rem3A, %ne3A : i32
      %lt3A = arith.constant 0 : i32
      %lt3A_47 = arith.cmpi slt, %rem3A, %lt3A : i32
      %lt3A_48 = arith.constant 0 : i32
      %lt3A_49 = arith.cmpi slt, %select_n3A_45, %lt3A_48 : i32
      %ne3A_50 = arith.xori %lt3A_47, %lt3A_49 : i1
      %and3A = arith.andi %ne3A_50, %ne3A_46 : i1
      %add3A_51 = arith.addi %rem3A, %select_n3A_45 : i32
      %select_n3A_52 = arith.select %and3A, %add3A_51, %rem3A : i32
      %mul3A_53 = arith.constant 8 : i32
      %mul3A_54 = arith.muli %select_n3A_52, %mul3A_53 : i32
      %add3A_55 = arith.constant 1 : i32
      %add3A_56 = arith.addi %while3A_40, %add3A_55 : i32
      %jit3A_57 = arith.constant 2 : i32
      %eq3A_58 = arith.constant 0 : i32
      %eq3A_59 = arith.cmpi eq, %jit3A_57, %eq3A_58 : i32
      %jit3A_60 = arith.constant 1 : i32
      %select_n3A_61 = arith.select %eq3A_59, %jit3A_60, %jit3A_57 : i32
      %rem3A_62 = arith.remsi %add3A_56, %select_n3A_61 : i32
      %ne3A_63 = arith.constant 0 : i32
      %ne3A_64 = arith.cmpi ne, %rem3A_62, %ne3A_63 : i32
      %lt3A_65 = arith.constant 0 : i32
      %lt3A_66 = arith.cmpi slt, %rem3A_62, %lt3A_65 : i32
      %lt3A_67 = arith.constant 0 : i32
      %lt3A_68 = arith.cmpi slt, %select_n3A_61, %lt3A_67 : i32
      %ne3A_69 = arith.xori %lt3A_66, %lt3A_68 : i1
      %and3A_70 = arith.andi %ne3A_69, %ne3A_64 : i1
      %add3A_71 = arith.addi %rem3A_62, %select_n3A_61 : i32
      %select_n3A_72 = arith.select %and3A_70, %add3A_71, %rem3A_62 : i32
      %mul3A_73 = arith.constant 8 : i32
      %mul3A_74 = arith.muli %select_n3A_72, %mul3A_73 : i32
      %add3A_75 = arith.constant 0 : i32
      %add3A_76 = arith.addi %mul3A_54, %add3A_75 : i32
      %add3A_77 = arith.constant 1 : i32
      %add3A_78 = arith.addi %mul3A_54, %add3A_77 : i32
      %dma_wait3A_79 = arith.constant 0 : i32
      %dma_wait3A_80 = tpu.memref_slice %arg7[%add3A_76, %dma_wait3A_79] : memref<16x128xi32, #tpu.memory_space<vmem>> -> memref<1x128xi32, #tpu.memory_space<vmem>>
      %dma_wait3A_81 = tpu.memref_squeeze %dma_wait3A_80 : memref<1x128xi32, #tpu.memory_space<vmem>> -> memref<128xi32, #tpu.memory_space<vmem>>
      %dma_wait3A_82 = arith.constant 0 : i32
      %dma_wait3A_83 = arith.constant 0 : i32
      %dma_wait3A_84 = tpu.memref_slice %arg2[%dma_wait3A_82, %dma_wait3A_83] : memref<10000x128xf32, #tpu.memory_space<hbm>> -> memref<10000x128xf32, #tpu.memory_space<hbm>>
      tpu.wait_indirect_dma semaphore(%arg12 : memref<!tpu.dma_semaphore, #tpu.memory_space<semaphore_mem>>) src(%dma_wait3A_84 : memref<10000x128xf32, #tpu.memory_space<hbm>>) dst(%arg9 : memref<128x128xf32, #tpu.memory_space<vmem>>)
      %dma_start3A_85 = arith.constant 0 : i32
      %dma_start3A_86 = tpu.memref_slice %arg8[%add3A_76, %dma_start3A_85] : memref<16x128xi32, #tpu.memory_space<vmem>> -> memref<1x128xi32, #tpu.memory_space<vmem>>
      %dma_start3A_87 = tpu.memref_squeeze %dma_start3A_86 : memref<1x128xi32, #tpu.memory_space<vmem>> -> memref<128xi32, #tpu.memory_space<vmem>>
      %dma_start3A_88 = arith.constant 0 : i32
      %dma_start3A_89 = arith.constant 0 : i32
      %dma_start3A_90 = tpu.memref_slice %arg11[%dma_start3A_88, %dma_start3A_89] : memref<10240x128xf32, #tpu.memory_space<vmem_shared>> -> memref<10240x128xf32, #tpu.memory_space<vmem_shared>>
      tpu.enqueue_indirect_dma source(%arg9 : memref<128x128xf32, #tpu.memory_space<vmem>>) target(%dma_start3A_90 : memref<10240x128xf32, #tpu.memory_space<vmem_shared>>) offsets(%dma_start3A_87 : memref<128xi32, #tpu.memory_space<vmem>>) semaphore(%arg14 : memref<!tpu.dma_semaphore, #tpu.memory_space<semaphore_mem>>) {add = true}
      %gt3A = arith.constant 0 : i32
      %gt3A_91 = arith.cmpi sgt, %while3A_40, %gt3A : i32
      %convert_element_type3A = arith.extui %gt3A_91 : i1 to i32
      %cond3A = arith.constant 0 : i32
      %cond3A_92 = arith.cmpi ne, %convert_element_type3A, %cond3A : i32
      scf.if %cond3A_92 {
        %dma_wait3A_311 = arith.constant 0 : i32
        %dma_wait3A_312 = tpu.memref_slice %arg8[%add3A_76, %dma_wait3A_311] : memref<16x128xi32, #tpu.memory_space<vmem>> -> memref<1x128xi32, #tpu.memory_space<vmem>>
        %dma_wait3A_313 = tpu.memref_squeeze %dma_wait3A_312 : memref<1x128xi32, #tpu.memory_space<vmem>> -> memref<128xi32, #tpu.memory_space<vmem>>
        %dma_wait3A_314 = arith.constant 0 : i32
        %dma_wait3A_315 = arith.constant 0 : i32
        %dma_wait3A_316 = tpu.memref_slice %arg11[%dma_wait3A_314, %dma_wait3A_315] : memref<10240x128xf32, #tpu.memory_space<vmem_shared>> -> memref<10240x128xf32, #tpu.memory_space<vmem_shared>>
        tpu.wait_indirect_dma semaphore(%arg15 : memref<!tpu.dma_semaphore, #tpu.memory_space<semaphore_mem>>) src(%arg10 : memref<128x128xf32, #tpu.memory_space<vmem>>) dst(%dma_wait3A_316 : memref<10240x128xf32, #tpu.memory_space<vmem_shared>>)
      } else {
      }
      %dma_start3A_93 = arith.constant 0 : i32
      %dma_start3A_94 = tpu.memref_slice %arg7[%add3A_78, %dma_start3A_93] : memref<16x128xi32, #tpu.memory_space<vmem>> -> memref<1x128xi32, #tpu.memory_space<vmem>>
      %dma_start3A_95 = tpu.memref_squeeze %dma_start3A_94 : memref<1x128xi32, #tpu.memory_space<vmem>> -> memref<128xi32, #tpu.memory_space<vmem>>
      %dma_start3A_96 = arith.constant 0 : i32
      %dma_start3A_97 = arith.constant 0 : i32
      %dma_start3A_98 = tpu.memref_slice %arg2[%dma_start3A_96, %dma_start3A_97] : memref<10000x128xf32, #tpu.memory_space<hbm>> -> memref<10000x128xf32, #tpu.memory_space<hbm>>
      tpu.enqueue_indirect_dma source(%dma_start3A_98 : memref<10000x128xf32, #tpu.memory_space<hbm>>) target(%arg10 : memref<128x128xf32, #tpu.memory_space<vmem>>) offsets(%dma_start3A_95 : memref<128xi32, #tpu.memory_space<vmem>>) semaphore(%arg13 : memref<!tpu.dma_semaphore, #tpu.memory_space<semaphore_mem>>)
      %add3A_99 = arith.constant 1 : i32
      %add3A_100 = arith.addi %while3A_40, %add3A_99 : i32
      %lt3A_101 = arith.cmpi slt, %add3A_100, %select_n3A : i32
      %convert_element_type3A_102 = arith.extui %lt3A_101 : i1 to i32
      %cond3A_103 = arith.constant 0 : i32
      %cond3A_104 = arith.cmpi ne, %convert_element_type3A_102, %cond3A_103 : i32
      scf.if %cond3A_104 {
        %add3A_311 = arith.addi %select_n3A_10, %while3A_40 : i32
        %add3A_312 = arith.constant 1 : i32
        %add3A_313 = arith.addi %add3A_311, %add3A_312 : i32
        %mul3A_314 = arith.constant 8 : i32
        %mul3A_315 = arith.muli %add3A_313, %mul3A_314 : i32
        "tpu.region"() ({
          %run_scoped3A = tpu.sem_alloc : memref<!tpu.dma_semaphore, #tpu.memory_space<semaphore_mem>>
          %dma_start3A_321 = arith.constant 0 : i32
          %dma_start3A_322 = tpu.memref_slice %arg7[%mul3A_74, %dma_start3A_321] : memref<16x128xi32, #tpu.memory_space<vmem>> -> memref<8x128xi32, #tpu.memory_space<vmem>>
          %dma_start3A_323 = arith.constant 0 : i32
          %dma_start3A_324 = tpu.memref_slice %arg3[%mul3A_315, %dma_start3A_323] : memref<2560x128xi32, #tpu.memory_space<hbm>> -> memref<8x128xi32, #tpu.memory_space<hbm>>
          %dma_start3A_325 = arith.constant 0 : i32
          %dma_start3A_326 = tpu.memref_slice %arg7[%mul3A_74, %dma_start3A_325] : memref<16x128xi32, #tpu.memory_space<vmem>> -> memref<8x128xi32, #tpu.memory_space<vmem>>
          %dma_start3A_327 = arith.constant 0 : i32
          %dma_start3A_328 = tpu.memref_slice %arg3[%mul3A_315, %dma_start3A_327] : memref<2560x128xi32, #tpu.memory_space<hbm>> -> memref<8x128xi32, #tpu.memory_space<hbm>>
          tpu.enqueue_dma source(%dma_start3A_328 : memref<8x128xi32, #tpu.memory_space<hbm>>) target(%dma_start3A_326 : memref<8x128xi32, #tpu.memory_space<vmem>>) target_semaphore(%run_scoped3A : memref<!tpu.dma_semaphore, #tpu.memory_space<semaphore_mem>>)
          %dma_wait3A_329 = arith.constant 0 : i32
          %dma_wait3A_330 = tpu.memref_slice %arg7[%mul3A_74, %dma_wait3A_329] : memref<16x128xi32, #tpu.memory_space<vmem>> -> memref<8x128xi32, #tpu.memory_space<vmem>>
          %dma_wait3A_331 = arith.constant 0 : i32
          %dma_wait3A_332 = tpu.memref_slice %arg3[%mul3A_315, %dma_wait3A_331] : memref<2560x128xi32, #tpu.memory_space<hbm>> -> memref<8x128xi32, #tpu.memory_space<hbm>>
          %dma_wait3A_333 = arith.constant 0 : i32
          %dma_wait3A_334 = tpu.memref_slice %arg7[%mul3A_74, %dma_wait3A_333] : memref<16x128xi32, #tpu.memory_space<vmem>> -> memref<8x128xi32, #tpu.memory_space<vmem>>
          %dma_wait3A_335 = arith.constant 0 : i32
          %dma_wait3A_336 = tpu.memref_slice %arg3[%mul3A_315, %dma_wait3A_335] : memref<2560x128xi32, #tpu.memory_space<hbm>> -> memref<8x128xi32, #tpu.memory_space<hbm>>
          tpu.wait_dma2 semaphore(%run_scoped3A : memref<!tpu.dma_semaphore, #tpu.memory_space<semaphore_mem>>) src(%dma_wait3A_336 : memref<8x128xi32, #tpu.memory_space<hbm>>) dst(%dma_wait3A_334 : memref<8x128xi32, #tpu.memory_space<vmem>>)
          tpu.yield
        }) : () -> ()
        %add3A_316 = arith.addi %select_n3A_10, %while3A_40 : i32
        %add3A_317 = arith.constant 1 : i32
        %add3A_318 = arith.addi %add3A_316, %add3A_317 : i32
        %mul3A_319 = arith.constant 8 : i32
        %mul3A_320 = arith.muli %add3A_318, %mul3A_319 : i32
        "tpu.region"() ({
          %run_scoped3A = tpu.sem_alloc : memref<!tpu.dma_semaphore, #tpu.memory_space<semaphore_mem>>
          %dma_start3A_321 = arith.constant 0 : i32
          %dma_start3A_322 = tpu.memref_slice %arg8[%mul3A_74, %dma_start3A_321] : memref<16x128xi32, #tpu.memory_space<vmem>> -> memref<8x128xi32, #tpu.memory_space<vmem>>
          %dma_start3A_323 = arith.constant 0 : i32
          %dma_start3A_324 = tpu.memref_slice %arg4[%mul3A_320, %dma_start3A_323] : memref<2560x128xi32, #tpu.memory_space<hbm>> -> memref<8x128xi32, #tpu.memory_space<hbm>>
          %dma_start3A_325 = arith.constant 0 : i32
          %dma_start3A_326 = tpu.memref_slice %arg8[%mul3A_74, %dma_start3A_325] : memref<16x128xi32, #tpu.memory_space<vmem>> -> memref<8x128xi32, #tpu.memory_space<vmem>>
          %dma_start3A_327 = arith.constant 0 : i32
          %dma_start3A_328 = tpu.memref_slice %arg4[%mul3A_320, %dma_start3A_327] : memref<2560x128xi32, #tpu.memory_space<hbm>> -> memref<8x128xi32, #tpu.memory_space<hbm>>
          tpu.enqueue_dma source(%dma_start3A_328 : memref<8x128xi32, #tpu.memory_space<hbm>>) target(%dma_start3A_326 : memref<8x128xi32, #tpu.memory_space<vmem>>) target_semaphore(%run_scoped3A : memref<!tpu.dma_semaphore, #tpu.memory_space<semaphore_mem>>)
          %dma_wait3A_329 = arith.constant 0 : i32
          %dma_wait3A_330 = tpu.memref_slice %arg8[%mul3A_74, %dma_wait3A_329] : memref<16x128xi32, #tpu.memory_space<vmem>> -> memref<8x128xi32, #tpu.memory_space<vmem>>
          %dma_wait3A_331 = arith.constant 0 : i32
          %dma_wait3A_332 = tpu.memref_slice %arg4[%mul3A_320, %dma_wait3A_331] : memref<2560x128xi32, #tpu.memory_space<hbm>> -> memref<8x128xi32, #tpu.memory_space<hbm>>
          %dma_wait3A_333 = arith.constant 0 : i32
          %dma_wait3A_334 = tpu.memref_slice %arg8[%mul3A_74, %dma_wait3A_333] : memref<16x128xi32, #tpu.memory_space<vmem>> -> memref<8x128xi32, #tpu.memory_space<vmem>>
          %dma_wait3A_335 = arith.constant 0 : i32
          %dma_wait3A_336 = tpu.memref_slice %arg4[%mul3A_320, %dma_wait3A_335] : memref<2560x128xi32, #tpu.memory_space<hbm>> -> memref<8x128xi32, #tpu.memory_space<hbm>>
          tpu.wait_dma2 semaphore(%run_scoped3A : memref<!tpu.dma_semaphore, #tpu.memory_space<semaphore_mem>>) src(%dma_wait3A_336 : memref<8x128xi32, #tpu.memory_space<hbm>>) dst(%dma_wait3A_334 : memref<8x128xi32, #tpu.memory_space<vmem>>)
          tpu.yield
        }) : () -> ()
      } else {
      }
      %add3A_105 = arith.constant 1 : i32
      %add3A_106 = arith.addi %mul3A_54, %add3A_105 : i32
      %add3A_107 = arith.constant 1 : i32
      %add3A_108 = arith.addi %add3A_106, %add3A_107 : i32
      %add3A_109 = arith.constant 1 : i32
      %add3A_110 = arith.addi %mul3A_54, %add3A_109 : i32
      %dma_wait3A_111 = arith.constant 0 : i32
      %dma_wait3A_112 = tpu.memref_slice %arg7[%add3A_110, %dma_wait3A_111] : memref<16x128xi32, #tpu.memory_space<vmem>> -> memref<1x128xi32, #tpu.memory_space<vmem>>
      %dma_wait3A_113 = tpu.memref_squeeze %dma_wait3A_112 : memref<1x128xi32, #tpu.memory_space<vmem>> -> memref<128xi32, #tpu.memory_space<vmem>>
      %dma_wait3A_114 = arith.constant 0 : i32
      %dma_wait3A_115 = arith.constant 0 : i32
      %dma_wait3A_116 = tpu.memref_slice %arg2[%dma_wait3A_114, %dma_wait3A_115] : memref<10000x128xf32, #tpu.memory_space<hbm>> -> memref<10000x128xf32, #tpu.memory_space<hbm>>
      tpu.wait_indirect_dma semaphore(%arg13 : memref<!tpu.dma_semaphore, #tpu.memory_space<semaphore_mem>>) src(%dma_wait3A_116 : memref<10000x128xf32, #tpu.memory_space<hbm>>) dst(%arg10 : memref<128x128xf32, #tpu.memory_space<vmem>>)
      %dma_start3A_117 = arith.constant 0 : i32
      %dma_start3A_118 = tpu.memref_slice %arg8[%add3A_110, %dma_start3A_117] : memref<16x128xi32, #tpu.memory_space<vmem>> -> memref<1x128xi32, #tpu.memory_space<vmem>>
      %dma_start3A_119 = tpu.memref_squeeze %dma_start3A_118 : memref<1x128xi32, #tpu.memory_space<vmem>> -> memref<128xi32, #tpu.memory_space<vmem>>
      %dma_start3A_120 = arith.constant 0 : i32
      %dma_start3A_121 = arith.constant 0 : i32
      %dma_start3A_122 = tpu.memref_slice %arg11[%dma_start3A_120, %dma_start3A_121] : memref<10240x128xf32, #tpu.memory_space<vmem_shared>> -> memref<10240x128xf32, #tpu.memory_space<vmem_shared>>
      tpu.enqueue_indirect_dma source(%arg10 : memref<128x128xf32, #tpu.memory_space<vmem>>) target(%dma_start3A_122 : memref<10240x128xf32, #tpu.memory_space<vmem_shared>>) offsets(%dma_start3A_119 : memref<128xi32, #tpu.memory_space<vmem>>) semaphore(%arg15 : memref<!tpu.dma_semaphore, #tpu.memory_space<semaphore_mem>>) {add = true}
      %dma_wait3A_123 = arith.constant 0 : i32
      %dma_wait3A_124 = tpu.memref_slice %arg8[%add3A_110, %dma_wait3A_123] : memref<16x128xi32, #tpu.memory_space<vmem>> -> memref<1x128xi32, #tpu.memory_space<vmem>>
      %dma_wait3A_125 = tpu.memref_squeeze %dma_wait3A_124 : memref<1x128xi32, #tpu.memory_space<vmem>> -> memref<128xi32, #tpu.memory_space<vmem>>
      %dma_wait3A_126 = arith.constant 0 : i32
      %dma_wait3A_127 = arith.constant 0 : i32
      %dma_wait3A_128 = tpu.memref_slice %arg11[%dma_wait3A_126, %dma_wait3A_127] : memref<10240x128xf32, #tpu.memory_space<vmem_shared>> -> memref<10240x128xf32, #tpu.memory_space<vmem_shared>>
      tpu.wait_indirect_dma semaphore(%arg14 : memref<!tpu.dma_semaphore, #tpu.memory_space<semaphore_mem>>) src(%arg9 : memref<128x128xf32, #tpu.memory_space<vmem>>) dst(%dma_wait3A_128 : memref<10240x128xf32, #tpu.memory_space<vmem_shared>>)
      %dma_start3A_129 = arith.constant 0 : i32
      %dma_start3A_130 = tpu.memref_slice %arg7[%add3A_108, %dma_start3A_129] : memref<16x128xi32, #tpu.memory_space<vmem>> -> memref<1x128xi32, #tpu.memory_space<vmem>>
      %dma_start3A_131 = tpu.memref_squeeze %dma_start3A_130 : memref<1x128xi32, #tpu.memory_space<vmem>> -> memref<128xi32, #tpu.memory_space<vmem>>
      %dma_start3A_132 = arith.constant 0 : i32
      %dma_start3A_133 = arith.constant 0 : i32
      %dma_start3A_134 = tpu.memref_slice %arg2[%dma_start3A_132, %dma_start3A_133] : memref<10000x128xf32, #tpu.memory_space<hbm>> -> memref<10000x128xf32, #tpu.memory_space<hbm>>
      tpu.enqueue_indirect_dma source(%dma_start3A_134 : memref<10000x128xf32, #tpu.memory_space<hbm>>) target(%arg9 : memref<128x128xf32, #tpu.memory_space<vmem>>) offsets(%dma_start3A_131 : memref<128xi32, #tpu.memory_space<vmem>>) semaphore(%arg12 : memref<!tpu.dma_semaphore, #tpu.memory_space<semaphore_mem>>)
      %add3A_135 = arith.constant 2 : i32
      %add3A_136 = arith.addi %mul3A_54, %add3A_135 : i32
      %add3A_137 = arith.constant 1 : i32
      %add3A_138 = arith.addi %add3A_136, %add3A_137 : i32
      %add3A_139 = arith.constant 2 : i32
      %add3A_140 = arith.addi %mul3A_54, %add3A_139 : i32
      %dma_wait3A_141 = arith.constant 0 : i32
      %dma_wait3A_142 = tpu.memref_slice %arg7[%add3A_140, %dma_wait3A_141] : memref<16x128xi32, #tpu.memory_space<vmem>> -> memref<1x128xi32, #tpu.memory_space<vmem>>
      %dma_wait3A_143 = tpu.memref_squeeze %dma_wait3A_142 : memref<1x128xi32, #tpu.memory_space<vmem>> -> memref<128xi32, #tpu.memory_space<vmem>>
      %dma_wait3A_144 = arith.constant 0 : i32
      %dma_wait3A_145 = arith.constant 0 : i32
      %dma_wait3A_146 = tpu.memref_slice %arg2[%dma_wait3A_144, %dma_wait3A_145] : memref<10000x128xf32, #tpu.memory_space<hbm>> -> memref<10000x128xf32, #tpu.memory_space<hbm>>
      tpu.wait_indirect_dma semaphore(%arg12 : memref<!tpu.dma_semaphore, #tpu.memory_space<semaphore_mem>>) src(%dma_wait3A_146 : memref<10000x128xf32, #tpu.memory_space<hbm>>) dst(%arg9 : memref<128x128xf32, #tpu.memory_space<vmem>>)
      %dma_start3A_147 = arith.constant 0 : i32
      %dma_start3A_148 = tpu.memref_slice %arg8[%add3A_140, %dma_start3A_147] : memref<16x128xi32, #tpu.memory_space<vmem>> -> memref<1x128xi32, #tpu.memory_space<vmem>>
      %dma_start3A_149 = tpu.memref_squeeze %dma_start3A_148 : memref<1x128xi32, #tpu.memory_space<vmem>> -> memref<128xi32, #tpu.memory_space<vmem>>
      %dma_start3A_150 = arith.constant 0 : i32
      %dma_start3A_151 = arith.constant 0 : i32
      %dma_start3A_152 = tpu.memref_slice %arg11[%dma_start3A_150, %dma_start3A_151] : memref<10240x128xf32, #tpu.memory_space<vmem_shared>> -> memref<10240x128xf32, #tpu.memory_space<vmem_shared>>
      tpu.enqueue_indirect_dma source(%arg9 : memref<128x128xf32, #tpu.memory_space<vmem>>) target(%dma_start3A_152 : memref<10240x128xf32, #tpu.memory_space<vmem_shared>>) offsets(%dma_start3A_149 : memref<128xi32, #tpu.memory_space<vmem>>) semaphore(%arg14 : memref<!tpu.dma_semaphore, #tpu.memory_space<semaphore_mem>>) {add = true}
      %dma_wait3A_153 = arith.constant 0 : i32
      %dma_wait3A_154 = tpu.memref_slice %arg8[%add3A_140, %dma_wait3A_153] : memref<16x128xi32, #tpu.memory_space<vmem>> -> memref<1x128xi32, #tpu.memory_space<vmem>>
      %dma_wait3A_155 = tpu.memref_squeeze %dma_wait3A_154 : memref<1x128xi32, #tpu.memory_space<vmem>> -> memref<128xi32, #tpu.memory_space<vmem>>
      %dma_wait3A_156 = arith.constant 0 : i32
      %dma_wait3A_157 = arith.constant 0 : i32
      %dma_wait3A_158 = tpu.memref_slice %arg11[%dma_wait3A_156, %dma_wait3A_157] : memref<10240x128xf32, #tpu.memory_space<vmem_shared>> -> memref<10240x128xf32, #tpu.memory_space<vmem_shared>>
      tpu.wait_indirect_dma semaphore(%arg15 : memref<!tpu.dma_semaphore, #tpu.memory_space<semaphore_mem>>) src(%arg10 : memref<128x128xf32, #tpu.memory_space<vmem>>) dst(%dma_wait3A_158 : memref<10240x128xf32, #tpu.memory_space<vmem_shared>>)
      %dma_start3A_159 = arith.constant 0 : i32
      %dma_start3A_160 = tpu.memref_slice %arg7[%add3A_138, %dma_start3A_159] : memref<16x128xi32, #tpu.memory_space<vmem>> -> memref<1x128xi32, #tpu.memory_space<vmem>>
      %dma_start3A_161 = tpu.memref_squeeze %dma_start3A_160 : memref<1x128xi32, #tpu.memory_space<vmem>> -> memref<128xi32, #tpu.memory_space<vmem>>
      %dma_start3A_162 = arith.constant 0 : i32
      %dma_start3A_163 = arith.constant 0 : i32
      %dma_start3A_164 = tpu.memref_slice %arg2[%dma_start3A_162, %dma_start3A_163] : memref<10000x128xf32, #tpu.memory_space<hbm>> -> memref<10000x128xf32, #tpu.memory_space<hbm>>
      tpu.enqueue_indirect_dma source(%dma_start3A_164 : memref<10000x128xf32, #tpu.memory_space<hbm>>) target(%arg10 : memref<128x128xf32, #tpu.memory_space<vmem>>) offsets(%dma_start3A_161 : memref<128xi32, #tpu.memory_space<vmem>>) semaphore(%arg13 : memref<!tpu.dma_semaphore, #tpu.memory_space<semaphore_mem>>)
      %add3A_165 = arith.constant 3 : i32
      %add3A_166 = arith.addi %mul3A_54, %add3A_165 : i32
      %add3A_167 = arith.constant 1 : i32
      %add3A_168 = arith.addi %add3A_166, %add3A_167 : i32
      %add3A_169 = arith.constant 3 : i32
      %add3A_170 = arith.addi %mul3A_54, %add3A_169 : i32
      %dma_wait3A_171 = arith.constant 0 : i32
      %dma_wait3A_172 = tpu.memref_slice %arg7[%add3A_170, %dma_wait3A_171] : memref<16x128xi32, #tpu.memory_space<vmem>> -> memref<1x128xi32, #tpu.memory_space<vmem>>
      %dma_wait3A_173 = tpu.memref_squeeze %dma_wait3A_172 : memref<1x128xi32, #tpu.memory_space<vmem>> -> memref<128xi32, #tpu.memory_space<vmem>>
      %dma_wait3A_174 = arith.constant 0 : i32
      %dma_wait3A_175 = arith.constant 0 : i32
      %dma_wait3A_176 = tpu.memref_slice %arg2[%dma_wait3A_174, %dma_wait3A_175] : memref<10000x128xf32, #tpu.memory_space<hbm>> -> memref<10000x128xf32, #tpu.memory_space<hbm>>
      tpu.wait_indirect_dma semaphore(%arg13 : memref<!tpu.dma_semaphore, #tpu.memory_space<semaphore_mem>>) src(%dma_wait3A_176 : memref<10000x128xf32, #tpu.memory_space<hbm>>) dst(%arg10 : memref<128x128xf32, #tpu.memory_space<vmem>>)
      %dma_start3A_177 = arith.constant 0 : i32
      %dma_start3A_178 = tpu.memref_slice %arg8[%add3A_170, %dma_start3A_177] : memref<16x128xi32, #tpu.memory_space<vmem>> -> memref<1x128xi32, #tpu.memory_space<vmem>>
      %dma_start3A_179 = tpu.memref_squeeze %dma_start3A_178 : memref<1x128xi32, #tpu.memory_space<vmem>> -> memref<128xi32, #tpu.memory_space<vmem>>
      %dma_start3A_180 = arith.constant 0 : i32
      %dma_start3A_181 = arith.constant 0 : i32
      %dma_start3A_182 = tpu.memref_slice %arg11[%dma_start3A_180, %dma_start3A_181] : memref<10240x128xf32, #tpu.memory_space<vmem_shared>> -> memref<10240x128xf32, #tpu.memory_space<vmem_shared>>
      tpu.enqueue_indirect_dma source(%arg10 : memref<128x128xf32, #tpu.memory_space<vmem>>) target(%dma_start3A_182 : memref<10240x128xf32, #tpu.memory_space<vmem_shared>>) offsets(%dma_start3A_179 : memref<128xi32, #tpu.memory_space<vmem>>) semaphore(%arg15 : memref<!tpu.dma_semaphore, #tpu.memory_space<semaphore_mem>>) {add = true}
      %dma_wait3A_183 = arith.constant 0 : i32
      %dma_wait3A_184 = tpu.memref_slice %arg8[%add3A_170, %dma_wait3A_183] : memref<16x128xi32, #tpu.memory_space<vmem>> -> memref<1x128xi32, #tpu.memory_space<vmem>>
      %dma_wait3A_185 = tpu.memref_squeeze %dma_wait3A_184 : memref<1x128xi32, #tpu.memory_space<vmem>> -> memref<128xi32, #tpu.memory_space<vmem>>
      %dma_wait3A_186 = arith.constant 0 : i32
      %dma_wait3A_187 = arith.constant 0 : i32
      %dma_wait3A_188 = tpu.memref_slice %arg11[%dma_wait3A_186, %dma_wait3A_187] : memref<10240x128xf32, #tpu.memory_space<vmem_shared>> -> memref<10240x128xf32, #tpu.memory_space<vmem_shared>>
      tpu.wait_indirect_dma semaphore(%arg14 : memref<!tpu.dma_semaphore, #tpu.memory_space<semaphore_mem>>) src(%arg9 : memref<128x128xf32, #tpu.memory_space<vmem>>) dst(%dma_wait3A_188 : memref<10240x128xf32, #tpu.memory_space<vmem_shared>>)
      %dma_start3A_189 = arith.constant 0 : i32
      %dma_start3A_190 = tpu.memref_slice %arg7[%add3A_168, %dma_start3A_189] : memref<16x128xi32, #tpu.memory_space<vmem>> -> memref<1x128xi32, #tpu.memory_space<vmem>>
      %dma_start3A_191 = tpu.memref_squeeze %dma_start3A_190 : memref<1x128xi32, #tpu.memory_space<vmem>> -> memref<128xi32, #tpu.memory_space<vmem>>
      %dma_start3A_192 = arith.constant 0 : i32
      %dma_start3A_193 = arith.constant 0 : i32
      %dma_start3A_194 = tpu.memref_slice %arg2[%dma_start3A_192, %dma_start3A_193] : memref<10000x128xf32, #tpu.memory_space<hbm>> -> memref<10000x128xf32, #tpu.memory_space<hbm>>
      tpu.enqueue_indirect_dma source(%dma_start3A_194 : memref<10000x128xf32, #tpu.memory_space<hbm>>) target(%arg9 : memref<128x128xf32, #tpu.memory_space<vmem>>) offsets(%dma_start3A_191 : memref<128xi32, #tpu.memory_space<vmem>>) semaphore(%arg12 : memref<!tpu.dma_semaphore, #tpu.memory_space<semaphore_mem>>)
      %add3A_195 = arith.constant 4 : i32
      %add3A_196 = arith.addi %mul3A_54, %add3A_195 : i32
      %add3A_197 = arith.constant 1 : i32
      %add3A_198 = arith.addi %add3A_196, %add3A_197 : i32
      %add3A_199 = arith.constant 4 : i32
      %add3A_200 = arith.addi %mul3A_54, %add3A_199 : i32
      %dma_wait3A_201 = arith.constant 0 : i32
      %dma_wait3A_202 = tpu.memref_slice %arg7[%add3A_200, %dma_wait3A_201] : memref<16x128xi32, #tpu.memory_space<vmem>> -> memref<1x128xi32, #tpu.memory_space<vmem>>
      %dma_wait3A_203 = tpu.memref_squeeze %dma_wait3A_202 : memref<1x128xi32, #tpu.memory_space<vmem>> -> memref<128xi32, #tpu.memory_space<vmem>>
      %dma_wait3A_204 = arith.constant 0 : i32
      %dma_wait3A_205 = arith.constant 0 : i32
      %dma_wait3A_206 = tpu.memref_slice %arg2[%dma_wait3A_204, %dma_wait3A_205] : memref<10000x128xf32, #tpu.memory_space<hbm>> -> memref<10000x128xf32, #tpu.memory_space<hbm>>
      tpu.wait_indirect_dma semaphore(%arg12 : memref<!tpu.dma_semaphore, #tpu.memory_space<semaphore_mem>>) src(%dma_wait3A_206 : memref<10000x128xf32, #tpu.memory_space<hbm>>) dst(%arg9 : memref<128x128xf32, #tpu.memory_space<vmem>>)
      %dma_start3A_207 = arith.constant 0 : i32
      %dma_start3A_208 = tpu.memref_slice %arg8[%add3A_200, %dma_start3A_207] : memref<16x128xi32, #tpu.memory_space<vmem>> -> memref<1x128xi32, #tpu.memory_space<vmem>>
      %dma_start3A_209 = tpu.memref_squeeze %dma_start3A_208 : memref<1x128xi32, #tpu.memory_space<vmem>> -> memref<128xi32, #tpu.memory_space<vmem>>
      %dma_start3A_210 = arith.constant 0 : i32
      %dma_start3A_211 = arith.constant 0 : i32
      %dma_start3A_212 = tpu.memref_slice %arg11[%dma_start3A_210, %dma_start3A_211] : memref<10240x128xf32, #tpu.memory_space<vmem_shared>> -> memref<10240x128xf32, #tpu.memory_space<vmem_shared>>
      tpu.enqueue_indirect_dma source(%arg9 : memref<128x128xf32, #tpu.memory_space<vmem>>) target(%dma_start3A_212 : memref<10240x128xf32, #tpu.memory_space<vmem_shared>>) offsets(%dma_start3A_209 : memref<128xi32, #tpu.memory_space<vmem>>) semaphore(%arg14 : memref<!tpu.dma_semaphore, #tpu.memory_space<semaphore_mem>>) {add = true}
      %dma_wait3A_213 = arith.constant 0 : i32
      %dma_wait3A_214 = tpu.memref_slice %arg8[%add3A_200, %dma_wait3A_213] : memref<16x128xi32, #tpu.memory_space<vmem>> -> memref<1x128xi32, #tpu.memory_space<vmem>>
      %dma_wait3A_215 = tpu.memref_squeeze %dma_wait3A_214 : memref<1x128xi32, #tpu.memory_space<vmem>> -> memref<128xi32, #tpu.memory_space<vmem>>
      %dma_wait3A_216 = arith.constant 0 : i32
      %dma_wait3A_217 = arith.constant 0 : i32
      %dma_wait3A_218 = tpu.memref_slice %arg11[%dma_wait3A_216, %dma_wait3A_217] : memref<10240x128xf32, #tpu.memory_space<vmem_shared>> -> memref<10240x128xf32, #tpu.memory_space<vmem_shared>>
      tpu.wait_indirect_dma semaphore(%arg15 : memref<!tpu.dma_semaphore, #tpu.memory_space<semaphore_mem>>) src(%arg10 : memref<128x128xf32, #tpu.memory_space<vmem>>) dst(%dma_wait3A_218 : memref<10240x128xf32, #tpu.memory_space<vmem_shared>>)
      %dma_start3A_219 = arith.constant 0 : i32
      %dma_start3A_220 = tpu.memref_slice %arg7[%add3A_198, %dma_start3A_219] : memref<16x128xi32, #tpu.memory_space<vmem>> -> memref<1x128xi32, #tpu.memory_space<vmem>>
      %dma_start3A_221 = tpu.memref_squeeze %dma_start3A_220 : memref<1x128xi32, #tpu.memory_space<vmem>> -> memref<128xi32, #tpu.memory_space<vmem>>
      %dma_start3A_222 = arith.constant 0 : i32
      %dma_start3A_223 = arith.constant 0 : i32
      %dma_start3A_224 = tpu.memref_slice %arg2[%dma_start3A_222, %dma_start3A_223] : memref<10000x128xf32, #tpu.memory_space<hbm>> -> memref<10000x128xf32, #tpu.memory_space<hbm>>
      tpu.enqueue_indirect_dma source(%dma_start3A_224 : memref<10000x128xf32, #tpu.memory_space<hbm>>) target(%arg10 : memref<128x128xf32, #tpu.memory_space<vmem>>) offsets(%dma_start3A_221 : memref<128xi32, #tpu.memory_space<vmem>>) semaphore(%arg13 : memref<!tpu.dma_semaphore, #tpu.memory_space<semaphore_mem>>)
      %add3A_225 = arith.constant 5 : i32
      %add3A_226 = arith.addi %mul3A_54, %add3A_225 : i32
      %add3A_227 = arith.constant 1 : i32
      %add3A_228 = arith.addi %add3A_226, %add3A_227 : i32
      %add3A_229 = arith.constant 5 : i32
      %add3A_230 = arith.addi %mul3A_54, %add3A_229 : i32
      %dma_wait3A_231 = arith.constant 0 : i32
      %dma_wait3A_232 = tpu.memref_slice %arg7[%add3A_230, %dma_wait3A_231] : memref<16x128xi32, #tpu.memory_space<vmem>> -> memref<1x128xi32, #tpu.memory_space<vmem>>
      %dma_wait3A_233 = tpu.memref_squeeze %dma_wait3A_232 : memref<1x128xi32, #tpu.memory_space<vmem>> -> memref<128xi32, #tpu.memory_space<vmem>>
      %dma_wait3A_234 = arith.constant 0 : i32
      %dma_wait3A_235 = arith.constant 0 : i32
      %dma_wait3A_236 = tpu.memref_slice %arg2[%dma_wait3A_234, %dma_wait3A_235] : memref<10000x128xf32, #tpu.memory_space<hbm>> -> memref<10000x128xf32, #tpu.memory_space<hbm>>
      tpu.wait_indirect_dma semaphore(%arg13 : memref<!tpu.dma_semaphore, #tpu.memory_space<semaphore_mem>>) src(%dma_wait3A_236 : memref<10000x128xf32, #tpu.memory_space<hbm>>) dst(%arg10 : memref<128x128xf32, #tpu.memory_space<vmem>>)
      %dma_start3A_237 = arith.constant 0 : i32
      %dma_start3A_238 = tpu.memref_slice %arg8[%add3A_230, %dma_start3A_237] : memref<16x128xi32, #tpu.memory_space<vmem>> -> memref<1x128xi32, #tpu.memory_space<vmem>>
      %dma_start3A_239 = tpu.memref_squeeze %dma_start3A_238 : memref<1x128xi32, #tpu.memory_space<vmem>> -> memref<128xi32, #tpu.memory_space<vmem>>
      %dma_start3A_240 = arith.constant 0 : i32
      %dma_start3A_241 = arith.constant 0 : i32
      %dma_start3A_242 = tpu.memref_slice %arg11[%dma_start3A_240, %dma_start3A_241] : memref<10240x128xf32, #tpu.memory_space<vmem_shared>> -> memref<10240x128xf32, #tpu.memory_space<vmem_shared>>
      tpu.enqueue_indirect_dma source(%arg10 : memref<128x128xf32, #tpu.memory_space<vmem>>) target(%dma_start3A_242 : memref<10240x128xf32, #tpu.memory_space<vmem_shared>>) offsets(%dma_start3A_239 : memref<128xi32, #tpu.memory_space<vmem>>) semaphore(%arg15 : memref<!tpu.dma_semaphore, #tpu.memory_space<semaphore_mem>>) {add = true}
      %dma_wait3A_243 = arith.constant 0 : i32
      %dma_wait3A_244 = tpu.memref_slice %arg8[%add3A_230, %dma_wait3A_243] : memref<16x128xi32, #tpu.memory_space<vmem>> -> memref<1x128xi32, #tpu.memory_space<vmem>>
      %dma_wait3A_245 = tpu.memref_squeeze %dma_wait3A_244 : memref<1x128xi32, #tpu.memory_space<vmem>> -> memref<128xi32, #tpu.memory_space<vmem>>
      %dma_wait3A_246 = arith.constant 0 : i32
      %dma_wait3A_247 = arith.constant 0 : i32
      %dma_wait3A_248 = tpu.memref_slice %arg11[%dma_wait3A_246, %dma_wait3A_247] : memref<10240x128xf32, #tpu.memory_space<vmem_shared>> -> memref<10240x128xf32, #tpu.memory_space<vmem_shared>>
      tpu.wait_indirect_dma semaphore(%arg14 : memref<!tpu.dma_semaphore, #tpu.memory_space<semaphore_mem>>) src(%arg9 : memref<128x128xf32, #tpu.memory_space<vmem>>) dst(%dma_wait3A_248 : memref<10240x128xf32, #tpu.memory_space<vmem_shared>>)
      %dma_start3A_249 = arith.constant 0 : i32
      %dma_start3A_250 = tpu.memref_slice %arg7[%add3A_228, %dma_start3A_249] : memref<16x128xi32, #tpu.memory_space<vmem>> -> memref<1x128xi32, #tpu.memory_space<vmem>>
      %dma_start3A_251 = tpu.memref_squeeze %dma_start3A_250 : memref<1x128xi32, #tpu.memory_space<vmem>> -> memref<128xi32, #tpu.memory_space<vmem>>
      %dma_start3A_252 = arith.constant 0 : i32
      %dma_start3A_253 = arith.constant 0 : i32
      %dma_start3A_254 = tpu.memref_slice %arg2[%dma_start3A_252, %dma_start3A_253] : memref<10000x128xf32, #tpu.memory_space<hbm>> -> memref<10000x128xf32, #tpu.memory_space<hbm>>
      tpu.enqueue_indirect_dma source(%dma_start3A_254 : memref<10000x128xf32, #tpu.memory_space<hbm>>) target(%arg9 : memref<128x128xf32, #tpu.memory_space<vmem>>) offsets(%dma_start3A_251 : memref<128xi32, #tpu.memory_space<vmem>>) semaphore(%arg12 : memref<!tpu.dma_semaphore, #tpu.memory_space<semaphore_mem>>)
      %add3A_255 = arith.constant 6 : i32
      %add3A_256 = arith.addi %mul3A_54, %add3A_255 : i32
      %add3A_257 = arith.constant 1 : i32
      %add3A_258 = arith.addi %add3A_256, %add3A_257 : i32
      %add3A_259 = arith.constant 6 : i32
      %add3A_260 = arith.addi %mul3A_54, %add3A_259 : i32
      %dma_wait3A_261 = arith.constant 0 : i32
      %dma_wait3A_262 = tpu.memref_slice %arg7[%add3A_260, %dma_wait3A_261] : memref<16x128xi32, #tpu.memory_space<vmem>> -> memref<1x128xi32, #tpu.memory_space<vmem>>
      %dma_wait3A_263 = tpu.memref_squeeze %dma_wait3A_262 : memref<1x128xi32, #tpu.memory_space<vmem>> -> memref<128xi32, #tpu.memory_space<vmem>>
      %dma_wait3A_264 = arith.constant 0 : i32
      %dma_wait3A_265 = arith.constant 0 : i32
      %dma_wait3A_266 = tpu.memref_slice %arg2[%dma_wait3A_264, %dma_wait3A_265] : memref<10000x128xf32, #tpu.memory_space<hbm>> -> memref<10000x128xf32, #tpu.memory_space<hbm>>
      tpu.wait_indirect_dma semaphore(%arg12 : memref<!tpu.dma_semaphore, #tpu.memory_space<semaphore_mem>>) src(%dma_wait3A_266 : memref<10000x128xf32, #tpu.memory_space<hbm>>) dst(%arg9 : memref<128x128xf32, #tpu.memory_space<vmem>>)
      %dma_start3A_267 = arith.constant 0 : i32
      %dma_start3A_268 = tpu.memref_slice %arg8[%add3A_260, %dma_start3A_267] : memref<16x128xi32, #tpu.memory_space<vmem>> -> memref<1x128xi32, #tpu.memory_space<vmem>>
      %dma_start3A_269 = tpu.memref_squeeze %dma_start3A_268 : memref<1x128xi32, #tpu.memory_space<vmem>> -> memref<128xi32, #tpu.memory_space<vmem>>
      %dma_start3A_270 = arith.constant 0 : i32
      %dma_start3A_271 = arith.constant 0 : i32
      %dma_start3A_272 = tpu.memref_slice %arg11[%dma_start3A_270, %dma_start3A_271] : memref<10240x128xf32, #tpu.memory_space<vmem_shared>> -> memref<10240x128xf32, #tpu.memory_space<vmem_shared>>
      tpu.enqueue_indirect_dma source(%arg9 : memref<128x128xf32, #tpu.memory_space<vmem>>) target(%dma_start3A_272 : memref<10240x128xf32, #tpu.memory_space<vmem_shared>>) offsets(%dma_start3A_269 : memref<128xi32, #tpu.memory_space<vmem>>) semaphore(%arg14 : memref<!tpu.dma_semaphore, #tpu.memory_space<semaphore_mem>>) {add = true}
      %dma_wait3A_273 = arith.constant 0 : i32
      %dma_wait3A_274 = tpu.memref_slice %arg8[%add3A_260, %dma_wait3A_273] : memref<16x128xi32, #tpu.memory_space<vmem>> -> memref<1x128xi32, #tpu.memory_space<vmem>>
      %dma_wait3A_275 = tpu.memref_squeeze %dma_wait3A_274 : memref<1x128xi32, #tpu.memory_space<vmem>> -> memref<128xi32, #tpu.memory_space<vmem>>
      %dma_wait3A_276 = arith.constant 0 : i32
      %dma_wait3A_277 = arith.constant 0 : i32
      %dma_wait3A_278 = tpu.memref_slice %arg11[%dma_wait3A_276, %dma_wait3A_277] : memref<10240x128xf32, #tpu.memory_space<vmem_shared>> -> memref<10240x128xf32, #tpu.memory_space<vmem_shared>>
      tpu.wait_indirect_dma semaphore(%arg15 : memref<!tpu.dma_semaphore, #tpu.memory_space<semaphore_mem>>) src(%arg10 : memref<128x128xf32, #tpu.memory_space<vmem>>) dst(%dma_wait3A_278 : memref<10240x128xf32, #tpu.memory_space<vmem_shared>>)
      %dma_start3A_279 = arith.constant 0 : i32
      %dma_start3A_280 = tpu.memref_slice %arg7[%add3A_258, %dma_start3A_279] : memref<16x128xi32, #tpu.memory_space<vmem>> -> memref<1x128xi32, #tpu.memory_space<vmem>>
      %dma_start3A_281 = tpu.memref_squeeze %dma_start3A_280 : memref<1x128xi32, #tpu.memory_space<vmem>> -> memref<128xi32, #tpu.memory_space<vmem>>
      %dma_start3A_282 = arith.constant 0 : i32
      %dma_start3A_283 = arith.constant 0 : i32
      %dma_start3A_284 = tpu.memref_slice %arg2[%dma_start3A_282, %dma_start3A_283] : memref<10000x128xf32, #tpu.memory_space<hbm>> -> memref<10000x128xf32, #tpu.memory_space<hbm>>
      tpu.enqueue_indirect_dma source(%dma_start3A_284 : memref<10000x128xf32, #tpu.memory_space<hbm>>) target(%arg10 : memref<128x128xf32, #tpu.memory_space<vmem>>) offsets(%dma_start3A_281 : memref<128xi32, #tpu.memory_space<vmem>>) semaphore(%arg13 : memref<!tpu.dma_semaphore, #tpu.memory_space<semaphore_mem>>)
      %add3A_285 = arith.constant 7 : i32
      %add3A_286 = arith.addi %mul3A_54, %add3A_285 : i32
      %dma_wait3A_287 = arith.constant 0 : i32
      %dma_wait3A_288 = tpu.memref_slice %arg7[%add3A_286, %dma_wait3A_287] : memref<16x128xi32, #tpu.memory_space<vmem>> -> memref<1x128xi32, #tpu.memory_space<vmem>>
      %dma_wait3A_289 = tpu.memref_squeeze %dma_wait3A_288 : memref<1x128xi32, #tpu.memory_space<vmem>> -> memref<128xi32, #tpu.memory_space<vmem>>
      %dma_wait3A_290 = arith.constant 0 : i32
      %dma_wait3A_291 = arith.constant 0 : i32
      %dma_wait3A_292 = tpu.memref_slice %arg2[%dma_wait3A_290, %dma_wait3A_291] : memref<10000x128xf32, #tpu.memory_space<hbm>> -> memref<10000x128xf32, #tpu.memory_space<hbm>>
      tpu.wait_indirect_dma semaphore(%arg13 : memref<!tpu.dma_semaphore, #tpu.memory_space<semaphore_mem>>) src(%dma_wait3A_292 : memref<10000x128xf32, #tpu.memory_space<hbm>>) dst(%arg10 : memref<128x128xf32, #tpu.memory_space<vmem>>)
      %dma_start3A_293 = arith.constant 0 : i32
      %dma_start3A_294 = tpu.memref_slice %arg8[%add3A_286, %dma_start3A_293] : memref<16x128xi32, #tpu.memory_space<vmem>> -> memref<1x128xi32, #tpu.memory_space<vmem>>
      %dma_start3A_295 = tpu.memref_squeeze %dma_start3A_294 : memref<1x128xi32, #tpu.memory_space<vmem>> -> memref<128xi32, #tpu.memory_space<vmem>>
      %dma_start3A_296 = arith.constant 0 : i32
      %dma_start3A_297 = arith.constant 0 : i32
      %dma_start3A_298 = tpu.memref_slice %arg11[%dma_start3A_296, %dma_start3A_297] : memref<10240x128xf32, #tpu.memory_space<vmem_shared>> -> memref<10240x128xf32, #tpu.memory_space<vmem_shared>>
      tpu.enqueue_indirect_dma source(%arg10 : memref<128x128xf32, #tpu.memory_space<vmem>>) target(%dma_start3A_298 : memref<10240x128xf32, #tpu.memory_space<vmem_shared>>) offsets(%dma_start3A_295 : memref<128xi32, #tpu.memory_space<vmem>>) semaphore(%arg15 : memref<!tpu.dma_semaphore, #tpu.memory_space<semaphore_mem>>) {add = true}
      %dma_wait3A_299 = arith.constant 0 : i32
      %dma_wait3A_300 = tpu.memref_slice %arg8[%add3A_286, %dma_wait3A_299] : memref<16x128xi32, #tpu.memory_space<vmem>> -> memref<1x128xi32, #tpu.memory_space<vmem>>
      %dma_wait3A_301 = tpu.memref_squeeze %dma_wait3A_300 : memref<1x128xi32, #tpu.memory_space<vmem>> -> memref<128xi32, #tpu.memory_space<vmem>>
      %dma_wait3A_302 = arith.constant 0 : i32
      %dma_wait3A_303 = arith.constant 0 : i32
      %dma_wait3A_304 = tpu.memref_slice %arg11[%dma_wait3A_302, %dma_wait3A_303] : memref<10240x128xf32, #tpu.memory_space<vmem_shared>> -> memref<10240x128xf32, #tpu.memory_space<vmem_shared>>
      tpu.wait_indirect_dma semaphore(%arg14 : memref<!tpu.dma_semaphore, #tpu.memory_space<semaphore_mem>>) src(%arg9 : memref<128x128xf32, #tpu.memory_space<vmem>>) dst(%dma_wait3A_304 : memref<10240x128xf32, #tpu.memory_space<vmem_shared>>)
      %add3A_305 = arith.constant 1 : i32
      %add3A_306 = arith.addi %while3A_40, %add3A_305 : i32
      %lt3A_307 = arith.cmpi slt, %add3A_306, %select_n3A : i32
      %convert_element_type3A_308 = arith.extui %lt3A_307 : i1 to i32
      %cond3A_309 = arith.constant 0 : i32
      %cond3A_310 = arith.cmpi ne, %convert_element_type3A_308, %cond3A_309 : i32
      scf.if %cond3A_310 {
        %dma_start3A_311 = arith.constant 0 : i32
        %dma_start3A_312 = tpu.memref_slice %arg7[%mul3A_74, %dma_start3A_311] : memref<16x128xi32, #tpu.memory_space<vmem>> -> memref<1x128xi32, #tpu.memory_space<vmem>>
        %dma_start3A_313 = tpu.memref_squeeze %dma_start3A_312 : memref<1x128xi32, #tpu.memory_space<vmem>> -> memref<128xi32, #tpu.memory_space<vmem>>
        %dma_start3A_314 = arith.constant 0 : i32
        %dma_start3A_315 = arith.constant 0 : i32
        %dma_start3A_316 = tpu.memref_slice %arg2[%dma_start3A_314, %dma_start3A_315] : memref<10000x128xf32, #tpu.memory_space<hbm>> -> memref<10000x128xf32, #tpu.memory_space<hbm>>
        tpu.enqueue_indirect_dma source(%dma_start3A_316 : memref<10000x128xf32, #tpu.memory_space<hbm>>) target(%arg9 : memref<128x128xf32, #tpu.memory_space<vmem>>) offsets(%dma_start3A_313 : memref<128xi32, #tpu.memory_space<vmem>>) semaphore(%arg12 : memref<!tpu.dma_semaphore, #tpu.memory_space<semaphore_mem>>)
      } else {
      }
    }
    %dma_wait3A = arith.constant 0 : i32
    %dma_wait3A_30 = arith.constant 0 : i32
    %dma_wait3A_31 = tpu.memref_slice %arg8[%dma_wait3A, %dma_wait3A_30] : memref<16x128xi32, #tpu.memory_space<vmem>> -> memref<1x128xi32, #tpu.memory_space<vmem>>
    %dma_wait3A_32 = tpu.memref_squeeze %dma_wait3A_31 : memref<1x128xi32, #tpu.memory_space<vmem>> -> memref<128xi32, #tpu.memory_space<vmem>>
    %dma_wait3A_33 = arith.constant 0 : i32
    %dma_wait3A_34 = arith.constant 0 : i32
    %dma_wait3A_35 = tpu.memref_slice %arg11[%dma_wait3A_33, %dma_wait3A_34] : memref<10240x128xf32, #tpu.memory_space<vmem_shared>> -> memref<10240x128xf32, #tpu.memory_space<vmem_shared>>
    tpu.wait_indirect_dma semaphore(%arg15 : memref<!tpu.dma_semaphore, #tpu.memory_space<semaphore_mem>>) src(%arg10 : memref<128x128xf32, #tpu.memory_space<vmem>>) dst(%dma_wait3A_35 : memref<10240x128xf32, #tpu.memory_space<vmem_shared>>)
    %barrier3A_36 = arith.constant 0 : index
    tpu.barrier barrier_id(%barrier3A_36)
    %mul3A_37 = arith.constant 10240 : i32
    %mul3A_38 = arith.muli %arg0, %mul3A_37 : i32
    %add3A_39 = arith.addi %mul3A_38, %mul3A_0 : i32
    "tpu.region"() ({
      %run_scoped3A = tpu.sem_alloc : memref<!tpu.dma_semaphore, #tpu.memory_space<semaphore_mem>>
      %dma_start3A_40 = arith.constant 0 : i32
      %dma_start3A_41 = tpu.memref_slice %arg6[%add3A_39, %dma_start3A_40] : memref<20480x128xf32, #tpu.memory_space<hbm>> -> memref<640x128xf32, #tpu.memory_space<hbm>>
      %dma_start3A_42 = arith.constant 0 : i32
      %dma_start3A_43 = tpu.memref_slice %arg11[%mul3A_0, %dma_start3A_42] : memref<10240x128xf32, #tpu.memory_space<vmem_shared>> -> memref<640x128xf32, #tpu.memory_space<vmem_shared>>
      tpu.enqueue_dma source(%dma_start3A_43 : memref<640x128xf32, #tpu.memory_space<vmem_shared>>) target(%dma_start3A_41 : memref<640x128xf32, #tpu.memory_space<hbm>>) target_semaphore(%run_scoped3A : memref<!tpu.dma_semaphore, #tpu.memory_space<semaphore_mem>>)
      %dma_wait3A_44 = arith.constant 0 : i32
      %dma_wait3A_45 = tpu.memref_slice %arg6[%add3A_39, %dma_wait3A_44] : memref<20480x128xf32, #tpu.memory_space<hbm>> -> memref<640x128xf32, #tpu.memory_space<hbm>>
      %dma_wait3A_46 = arith.constant 0 : i32
      %dma_wait3A_47 = tpu.memref_slice %arg11[%mul3A_0, %dma_wait3A_46] : memref<10240x128xf32, #tpu.memory_space<vmem_shared>> -> memref<640x128xf32, #tpu.memory_space<vmem_shared>>
      tpu.wait_dma2 semaphore(%run_scoped3A : memref<!tpu.dma_semaphore, #tpu.memory_space<semaphore_mem>>) src(%dma_wait3A_47 : memref<640x128xf32, #tpu.memory_space<vmem_shared>>) dst(%dma_wait3A_45 : memref<640x128xf32, #tpu.memory_space<hbm>>)
      tpu.yield
    }) : () -> ()
    return
  }
}

#map = affine_map<(d0, d1) -> (0, 0)>
module attributes {stable_mosaic.version = 14 : i64} {
  func.func @_sc_segsum_body(%arg0: i32, %arg1: i32, %arg2: memref<10000x128xf32, #tpu.memory_space<hbm>>, %arg3: memref<2560x128xi32, #tpu.memory_space<hbm>>, %arg4: memref<2560x128xi32, #tpu.memory_space<hbm>>, %arg5: memref<10240x128xf32, #tpu.memory_space<hbm>>, %arg6: memref<20480x128xf32, #tpu.memory_space<hbm>>, %arg7: memref<16x128xi32, #tpu.memory_space<vmem>>, %arg8: memref<16x128xi32, #tpu.memory_space<vmem>>, %arg9: memref<128x128xf32, #tpu.memory_space<vmem>>, %arg10: memref<128x128xf32, #tpu.memory_space<vmem>>, %arg11: memref<10240x128xf32, #tpu.memory_space<vmem_shared>>, %arg12: memref<!tpu.dma_semaphore, #tpu.memory_space<semaphore_mem>>, %arg13: memref<!tpu.dma_semaphore, #tpu.memory_space<semaphore_mem>>, %arg14: memref<!tpu.dma_semaphore, #tpu.memory_space<semaphore_mem>>, %arg15: memref<!tpu.dma_semaphore, #tpu.memory_space<semaphore_mem>>) attributes {dimension_semantics = [#tpu.dimension_semantics<core_parallel>, #tpu.dimension_semantics<subcore_parallel>], iteration_bounds = array<i64: 2, 16>, scalar_prefetch = 0 : i64, scratch_operands = 9 : i64, tpu.core_type = #tpu.core_type<sc_vector_subcore>, window_params = [{transform_indices = #map}, {transform_indices = #map}, {transform_indices = #map}, {transform_indices = #map}, {transform_indices = #map}]} {
    %mul3A = arith.constant 640 : i32
    %mul3A_0 = arith.muli %arg1, %mul3A : i32
    %eq3A = arith.constant 1 : i32
    %eq3A_1 = arith.cmpi eq, %arg0, %eq3A : i32
    %jit3A = arith.constant 15 : i32
    %jit3A_2 = arith.constant 5 : i32
    %select_n3A = arith.select %eq3A_1, %jit3A, %jit3A_2 : i32
    %eq3A_3 = arith.constant 1 : i32
    %eq3A_4 = arith.cmpi eq, %arg0, %eq3A_3 : i32
    %mul3A_5 = arith.constant 15 : i32
    %mul3A_6 = arith.muli %arg1, %mul3A_5 : i32
    %mul3A_7 = arith.constant 5 : i32
    %mul3A_8 = arith.muli %arg1, %mul3A_7 : i32
    %add3A = arith.constant 240 : i32
    %add3A_9 = arith.addi %add3A, %mul3A_8 : i32
    %select_n3A_10 = arith.select %eq3A_4, %mul3A_6, %add3A_9 : i32
    "tpu.region"() ({
      %run_scoped3A = tpu.sem_alloc : memref<!tpu.dma_semaphore, #tpu.memory_space<semaphore_mem>>
      %dma_start3A_40 = arith.constant 0 : i32
      %dma_start3A_41 = tpu.memref_slice %arg11[%mul3A_0, %dma_start3A_40] : memref<10240x128xf32, #tpu.memory_space<vmem_shared>> -> memref<640x128xf32, #tpu.memory_space<vmem_shared>>
      %dma_start3A_42 = arith.constant 0 : i32
      %dma_start3A_43 = tpu.memref_slice %arg5[%mul3A_0, %dma_start3A_42] : memref<10240x128xf32, #tpu.memory_space<hbm>> -> memref<640x128xf32, #tpu.memory_space<hbm>>
      tpu.enqueue_dma source(%dma_start3A_43 : memref<640x128xf32, #tpu.memory_space<hbm>>) target(%dma_start3A_41 : memref<640x128xf32, #tpu.memory_space<vmem_shared>>) target_semaphore(%run_scoped3A : memref<!tpu.dma_semaphore, #tpu.memory_space<semaphore_mem>>)
      %dma_wait3A_44 = arith.constant 0 : i32
      %dma_wait3A_45 = tpu.memref_slice %arg11[%mul3A_0, %dma_wait3A_44] : memref<10240x128xf32, #tpu.memory_space<vmem_shared>> -> memref<640x128xf32, #tpu.memory_space<vmem_shared>>
      %dma_wait3A_46 = arith.constant 0 : i32
      %dma_wait3A_47 = tpu.memref_slice %arg5[%mul3A_0, %dma_wait3A_46] : memref<10240x128xf32, #tpu.memory_space<hbm>> -> memref<640x128xf32, #tpu.memory_space<hbm>>
      tpu.wait_dma2 semaphore(%run_scoped3A : memref<!tpu.dma_semaphore, #tpu.memory_space<semaphore_mem>>) src(%dma_wait3A_47 : memref<640x128xf32, #tpu.memory_space<hbm>>) dst(%dma_wait3A_45 : memref<640x128xf32, #tpu.memory_space<vmem_shared>>)
      tpu.yield
    }) : () -> ()
    %mul3A_11 = arith.constant 8 : i32
    %mul3A_12 = arith.muli %select_n3A_10, %mul3A_11 : i32
    "tpu.region"() ({
      %run_scoped3A = tpu.sem_alloc : memref<!tpu.dma_semaphore, #tpu.memory_space<semaphore_mem>>
      %dma_start3A_40 = arith.constant 0 : i32
      %dma_start3A_41 = arith.constant 0 : i32
      %dma_start3A_42 = tpu.memref_slice %arg7[%dma_start3A_40, %dma_start3A_41] : memref<16x128xi32, #tpu.memory_space<vmem>> -> memref<8x128xi32, #tpu.memory_space<vmem>>
      %dma_start3A_43 = arith.constant 0 : i32
      %dma_start3A_44 = tpu.memref_slice %arg3[%mul3A_12, %dma_start3A_43] : memref<2560x128xi32, #tpu.memory_space<hbm>> -> memref<8x128xi32, #tpu.memory_space<hbm>>
      %dma_start3A_45 = arith.constant 0 : i32
      %dma_start3A_46 = arith.constant 0 : i32
      %dma_start3A_47 = tpu.memref_slice %arg7[%dma_start3A_45, %dma_start3A_46] : memref<16x128xi32, #tpu.memory_space<vmem>> -> memref<8x128xi32, #tpu.memory_space<vmem>>
      %dma_start3A_48 = arith.constant 0 : i32
      %dma_start3A_49 = tpu.memref_slice %arg3[%mul3A_12, %dma_start3A_48] : memref<2560x128xi32, #tpu.memory_space<hbm>> -> memref<8x128xi32, #tpu.memory_space<hbm>>
      tpu.enqueue_dma source(%dma_start3A_49 : memref<8x128xi32, #tpu.memory_space<hbm>>) target(%dma_start3A_47 : memref<8x128xi32, #tpu.memory_space<vmem>>) target_semaphore(%run_scoped3A : memref<!tpu.dma_semaphore, #tpu.memory_space<semaphore_mem>>)
      %dma_wait3A_50 = arith.constant 0 : i32
      %dma_wait3A_51 = arith.constant 0 : i32
      %dma_wait3A_52 = tpu.memref_slice %arg7[%dma_wait3A_50, %dma_wait3A_51] : memref<16x128xi32, #tpu.memory_space<vmem>> -> memref<8x128xi32, #tpu.memory_space<vmem>>
      %dma_wait3A_53 = arith.constant 0 : i32
      %dma_wait3A_54 = tpu.memref_slice %arg3[%mul3A_12, %dma_wait3A_53] : memref<2560x128xi32, #tpu.memory_space<hbm>> -> memref<8x128xi32, #tpu.memory_space<hbm>>
      %dma_wait3A_55 = arith.constant 0 : i32
      %dma_wait3A_56 = arith.constant 0 : i32
      %dma_wait3A_57 = tpu.memref_slice %arg7[%dma_wait3A_55, %dma_wait3A_56] : memref<16x128xi32, #tpu.memory_space<vmem>> -> memref<8x128xi32, #tpu.memory_space<vmem>>
      %dma_wait3A_58 = arith.constant 0 : i32
      %dma_wait3A_59 = tpu.memref_slice %arg3[%mul3A_12, %dma_wait3A_58] : memref<2560x128xi32, #tpu.memory_space<hbm>> -> memref<8x128xi32, #tpu.memory_space<hbm>>
      tpu.wait_dma2 semaphore(%run_scoped3A : memref<!tpu.dma_semaphore, #tpu.memory_space<semaphore_mem>>) src(%dma_wait3A_59 : memref<8x128xi32, #tpu.memory_space<hbm>>) dst(%dma_wait3A_57 : memref<8x128xi32, #tpu.memory_space<vmem>>)
      tpu.yield
    }) : () -> ()
    %mul3A_13 = arith.constant 8 : i32
    %mul3A_14 = arith.muli %select_n3A_10, %mul3A_13 : i32
    "tpu.region"() ({
      %run_scoped3A = tpu.sem_alloc : memref<!tpu.dma_semaphore, #tpu.memory_space<semaphore_mem>>
      %dma_start3A_40 = arith.constant 0 : i32
      %dma_start3A_41 = arith.constant 0 : i32
      %dma_start3A_42 = tpu.memref_slice %arg8[%dma_start3A_40, %dma_start3A_41] : memref<16x128xi32, #tpu.memory_space<vmem>> -> memref<8x128xi32, #tpu.memory_space<vmem>>
      %dma_start3A_43 = arith.constant 0 : i32
      %dma_start3A_44 = tpu.memref_slice %arg4[%mul3A_14, %dma_start3A_43] : memref<2560x128xi32, #tpu.memory_space<hbm>> -> memref<8x128xi32, #tpu.memory_space<hbm>>
      %dma_start3A_45 = arith.constant 0 : i32
      %dma_start3A_46 = arith.constant 0 : i32
      %dma_start3A_47 = tpu.memref_slice %arg8[%dma_start3A_45, %dma_start3A_46] : memref<16x128xi32, #tpu.memory_space<vmem>> -> memref<8x128xi32, #tpu.memory_space<vmem>>
      %dma_start3A_48 = arith.constant 0 : i32
      %dma_start3A_49 = tpu.memref_slice %arg4[%mul3A_14, %dma_start3A_48] : memref<2560x128xi32, #tpu.memory_space<hbm>> -> memref<8x128xi32, #tpu.memory_space<hbm>>
      tpu.enqueue_dma source(%dma_start3A_49 : memref<8x128xi32, #tpu.memory_space<hbm>>) target(%dma_start3A_47 : memref<8x128xi32, #tpu.memory_space<vmem>>) target_semaphore(%run_scoped3A : memref<!tpu.dma_semaphore, #tpu.memory_space<semaphore_mem>>)
      %dma_wait3A_50 = arith.constant 0 : i32
      %dma_wait3A_51 = arith.constant 0 : i32
      %dma_wait3A_52 = tpu.memref_slice %arg8[%dma_wait3A_50, %dma_wait3A_51] : memref<16x128xi32, #tpu.memory_space<vmem>> -> memref<8x128xi32, #tpu.memory_space<vmem>>
      %dma_wait3A_53 = arith.constant 0 : i32
      %dma_wait3A_54 = tpu.memref_slice %arg4[%mul3A_14, %dma_wait3A_53] : memref<2560x128xi32, #tpu.memory_space<hbm>> -> memref<8x128xi32, #tpu.memory_space<hbm>>
      %dma_wait3A_55 = arith.constant 0 : i32
      %dma_wait3A_56 = arith.constant 0 : i32
      %dma_wait3A_57 = tpu.memref_slice %arg8[%dma_wait3A_55, %dma_wait3A_56] : memref<16x128xi32, #tpu.memory_space<vmem>> -> memref<8x128xi32, #tpu.memory_space<vmem>>
      %dma_wait3A_58 = arith.constant 0 : i32
      %dma_wait3A_59 = tpu.memref_slice %arg4[%mul3A_14, %dma_wait3A_58] : memref<2560x128xi32, #tpu.memory_space<hbm>> -> memref<8x128xi32, #tpu.memory_space<hbm>>
      tpu.wait_dma2 semaphore(%run_scoped3A : memref<!tpu.dma_semaphore, #tpu.memory_space<semaphore_mem>>) src(%dma_wait3A_59 : memref<8x128xi32, #tpu.memory_space<hbm>>) dst(%dma_wait3A_57 : memref<8x128xi32, #tpu.memory_space<vmem>>)
      tpu.yield
    }) : () -> ()
    %barrier3A = arith.constant 0 : index
    tpu.barrier barrier_id(%barrier3A)
    %dma_start3A = arith.constant 0 : i32
    %dma_start3A_15 = arith.constant 0 : i32
    %dma_start3A_16 = tpu.memref_slice %arg7[%dma_start3A, %dma_start3A_15] : memref<16x128xi32, #tpu.memory_space<vmem>> -> memref<1x128xi32, #tpu.memory_space<vmem>>
    %dma_start3A_17 = tpu.memref_squeeze %dma_start3A_16 : memref<1x128xi32, #tpu.memory_space<vmem>> -> memref<128xi32, #tpu.memory_space<vmem>>
    %dma_start3A_18 = arith.constant 0 : i32
    %dma_start3A_19 = arith.constant 0 : i32
    %dma_start3A_20 = tpu.memref_slice %arg2[%dma_start3A_18, %dma_start3A_19] : memref<10000x128xf32, #tpu.memory_space<hbm>> -> memref<10000x128xf32, #tpu.memory_space<hbm>>
    tpu.enqueue_indirect_dma source(%dma_start3A_20 : memref<10000x128xf32, #tpu.memory_space<hbm>>) target(%arg9 : memref<128x128xf32, #tpu.memory_space<vmem>>) offsets(%dma_start3A_17 : memref<128xi32, #tpu.memory_space<vmem>>) semaphore(%arg12 : memref<!tpu.dma_semaphore, #tpu.memory_space<semaphore_mem>>)
    %while3A = arith.constant 0 : i32
    %while3A_21 = arith.constant 0 : i32
    %while3A_22 = arith.subi %select_n3A, %while3A_21 : i32
    %while3A_23 = arith.addi %while3A_21, %while3A_22 : i32
    %while3A_24 = arith.constant 1 : i32
    %while3A_25 = arith.divsi %while3A_22, %while3A_24 : i32
    %while3A_26 = arith.muli %while3A_25, %while3A_24 : i32
    %while3A_27 = arith.addi %while3A_21, %while3A_26 : i32
    %while3A_28 = arith.constant 1 : i32
    scf.for %while3A_40 = %while3A_21 to %while3A_27 step %while3A_28  : i32 {
      %jit3A_41 = arith.constant 2 : i32
      %eq3A_42 = arith.constant 0 : i32
      %eq3A_43 = arith.cmpi eq, %jit3A_41, %eq3A_42 : i32
      %jit3A_44 = arith.constant 1 : i32
      %select_n3A_45 = arith.select %eq3A_43, %jit3A_44, %jit3A_41 : i32
      %rem3A = arith.remsi %while3A_40, %select_n3A_45 : i32
      %ne3A = arith.constant 0 : i32
      %ne3A_46 = arith.cmpi ne, %rem3A, %ne3A : i32
      %lt3A = arith.constant 0 : i32
      %lt3A_47 = arith.cmpi slt, %rem3A, %lt3A : i32
      %lt3A_48 = arith.constant 0 : i32
      %lt3A_49 = arith.cmpi slt, %select_n3A_45, %lt3A_48 : i32
      %ne3A_50 = arith.xori %lt3A_47, %lt3A_49 : i1
      %and3A = arith.andi %ne3A_50, %ne3A_46 : i1
      %add3A_51 = arith.addi %rem3A, %select_n3A_45 : i32
      %select_n3A_52 = arith.select %and3A, %add3A_51, %rem3A : i32
      %mul3A_53 = arith.constant 8 : i32
      %mul3A_54 = arith.muli %select_n3A_52, %mul3A_53 : i32
      %add3A_55 = arith.constant 1 : i32
      %add3A_56 = arith.addi %while3A_40, %add3A_55 : i32
      %jit3A_57 = arith.constant 2 : i32
      %eq3A_58 = arith.constant 0 : i32
      %eq3A_59 = arith.cmpi eq, %jit3A_57, %eq3A_58 : i32
      %jit3A_60 = arith.constant 1 : i32
      %select_n3A_61 = arith.select %eq3A_59, %jit3A_60, %jit3A_57 : i32
      %rem3A_62 = arith.remsi %add3A_56, %select_n3A_61 : i32
      %ne3A_63 = arith.constant 0 : i32
      %ne3A_64 = arith.cmpi ne, %rem3A_62, %ne3A_63 : i32
      %lt3A_65 = arith.constant 0 : i32
      %lt3A_66 = arith.cmpi slt, %rem3A_62, %lt3A_65 : i32
      %lt3A_67 = arith.constant 0 : i32
      %lt3A_68 = arith.cmpi slt, %select_n3A_61, %lt3A_67 : i32
      %ne3A_69 = arith.xori %lt3A_66, %lt3A_68 : i1
      %and3A_70 = arith.andi %ne3A_69, %ne3A_64 : i1
      %add3A_71 = arith.addi %rem3A_62, %select_n3A_61 : i32
      %select_n3A_72 = arith.select %and3A_70, %add3A_71, %rem3A_62 : i32
      %mul3A_73 = arith.constant 8 : i32
      %mul3A_74 = arith.muli %select_n3A_72, %mul3A_73 : i32
      %add3A_75 = arith.constant 0 : i32
      %add3A_76 = arith.addi %mul3A_54, %add3A_75 : i32
      %add3A_77 = arith.constant 1 : i32
      %add3A_78 = arith.addi %mul3A_54, %add3A_77 : i32
      %dma_wait3A_79 = arith.constant 0 : i32
      %dma_wait3A_80 = tpu.memref_slice %arg7[%add3A_76, %dma_wait3A_79] : memref<16x128xi32, #tpu.memory_space<vmem>> -> memref<1x128xi32, #tpu.memory_space<vmem>>
      %dma_wait3A_81 = tpu.memref_squeeze %dma_wait3A_80 : memref<1x128xi32, #tpu.memory_space<vmem>> -> memref<128xi32, #tpu.memory_space<vmem>>
      %dma_wait3A_82 = arith.constant 0 : i32
      %dma_wait3A_83 = arith.constant 0 : i32
      %dma_wait3A_84 = tpu.memref_slice %arg2[%dma_wait3A_82, %dma_wait3A_83] : memref<10000x128xf32, #tpu.memory_space<hbm>> -> memref<10000x128xf32, #tpu.memory_space<hbm>>
      tpu.wait_indirect_dma semaphore(%arg12 : memref<!tpu.dma_semaphore, #tpu.memory_space<semaphore_mem>>) src(%dma_wait3A_84 : memref<10000x128xf32, #tpu.memory_space<hbm>>) dst(%arg9 : memref<128x128xf32, #tpu.memory_space<vmem>>)
      %dma_start3A_85 = arith.constant 0 : i32
      %dma_start3A_86 = tpu.memref_slice %arg8[%add3A_76, %dma_start3A_85] : memref<16x128xi32, #tpu.memory_space<vmem>> -> memref<1x128xi32, #tpu.memory_space<vmem>>
      %dma_start3A_87 = tpu.memref_squeeze %dma_start3A_86 : memref<1x128xi32, #tpu.memory_space<vmem>> -> memref<128xi32, #tpu.memory_space<vmem>>
      %dma_start3A_88 = arith.constant 0 : i32
      %dma_start3A_89 = arith.constant 0 : i32
      %dma_start3A_90 = tpu.memref_slice %arg11[%dma_start3A_88, %dma_start3A_89] : memref<10240x128xf32, #tpu.memory_space<vmem_shared>> -> memref<10240x128xf32, #tpu.memory_space<vmem_shared>>
      tpu.enqueue_indirect_dma source(%arg9 : memref<128x128xf32, #tpu.memory_space<vmem>>) target(%dma_start3A_90 : memref<10240x128xf32, #tpu.memory_space<vmem_shared>>) offsets(%dma_start3A_87 : memref<128xi32, #tpu.memory_space<vmem>>) semaphore(%arg14 : memref<!tpu.dma_semaphore, #tpu.memory_space<semaphore_mem>>) {add = true}
      %gt3A = arith.constant 0 : i32
      %gt3A_91 = arith.cmpi sgt, %while3A_40, %gt3A : i32
      %convert_element_type3A = arith.extui %gt3A_91 : i1 to i32
      %cond3A = arith.constant 0 : i32
      %cond3A_92 = arith.cmpi ne, %convert_element_type3A, %cond3A : i32
      scf.if %cond3A_92 {
        %dma_wait3A_311 = arith.constant 0 : i32
        %dma_wait3A_312 = tpu.memref_slice %arg8[%add3A_76, %dma_wait3A_311] : memref<16x128xi32, #tpu.memory_space<vmem>> -> memref<1x128xi32, #tpu.memory_space<vmem>>
        %dma_wait3A_313 = tpu.memref_squeeze %dma_wait3A_312 : memref<1x128xi32, #tpu.memory_space<vmem>> -> memref<128xi32, #tpu.memory_space<vmem>>
        %dma_wait3A_314 = arith.constant 0 : i32
        %dma_wait3A_315 = arith.constant 0 : i32
        %dma_wait3A_316 = tpu.memref_slice %arg11[%dma_wait3A_314, %dma_wait3A_315] : memref<10240x128xf32, #tpu.memory_space<vmem_shared>> -> memref<10240x128xf32, #tpu.memory_space<vmem_shared>>
        tpu.wait_indirect_dma semaphore(%arg15 : memref<!tpu.dma_semaphore, #tpu.memory_space<semaphore_mem>>) src(%arg10 : memref<128x128xf32, #tpu.memory_space<vmem>>) dst(%dma_wait3A_316 : memref<10240x128xf32, #tpu.memory_space<vmem_shared>>)
      } else {
      }
      %dma_start3A_93 = arith.constant 0 : i32
      %dma_start3A_94 = tpu.memref_slice %arg7[%add3A_78, %dma_start3A_93] : memref<16x128xi32, #tpu.memory_space<vmem>> -> memref<1x128xi32, #tpu.memory_space<vmem>>
      %dma_start3A_95 = tpu.memref_squeeze %dma_start3A_94 : memref<1x128xi32, #tpu.memory_space<vmem>> -> memref<128xi32, #tpu.memory_space<vmem>>
      %dma_start3A_96 = arith.constant 0 : i32
      %dma_start3A_97 = arith.constant 0 : i32
      %dma_start3A_98 = tpu.memref_slice %arg2[%dma_start3A_96, %dma_start3A_97] : memref<10000x128xf32, #tpu.memory_space<hbm>> -> memref<10000x128xf32, #tpu.memory_space<hbm>>
      tpu.enqueue_indirect_dma source(%dma_start3A_98 : memref<10000x128xf32, #tpu.memory_space<hbm>>) target(%arg10 : memref<128x128xf32, #tpu.memory_space<vmem>>) offsets(%dma_start3A_95 : memref<128xi32, #tpu.memory_space<vmem>>) semaphore(%arg13 : memref<!tpu.dma_semaphore, #tpu.memory_space<semaphore_mem>>)
      %add3A_99 = arith.constant 1 : i32
      %add3A_100 = arith.addi %while3A_40, %add3A_99 : i32
      %lt3A_101 = arith.cmpi slt, %add3A_100, %select_n3A : i32
      %convert_element_type3A_102 = arith.extui %lt3A_101 : i1 to i32
      %cond3A_103 = arith.constant 0 : i32
      %cond3A_104 = arith.cmpi ne, %convert_element_type3A_102, %cond3A_103 : i32
      scf.if %cond3A_104 {
        %add3A_311 = arith.addi %select_n3A_10, %while3A_40 : i32
        %add3A_312 = arith.constant 1 : i32
        %add3A_313 = arith.addi %add3A_311, %add3A_312 : i32
        %mul3A_314 = arith.constant 8 : i32
        %mul3A_315 = arith.muli %add3A_313, %mul3A_314 : i32
        "tpu.region"() ({
          %run_scoped3A = tpu.sem_alloc : memref<!tpu.dma_semaphore, #tpu.memory_space<semaphore_mem>>
          %dma_start3A_321 = arith.constant 0 : i32
          %dma_start3A_322 = tpu.memref_slice %arg7[%mul3A_74, %dma_start3A_321] : memref<16x128xi32, #tpu.memory_space<vmem>> -> memref<8x128xi32, #tpu.memory_space<vmem>>
          %dma_start3A_323 = arith.constant 0 : i32
          %dma_start3A_324 = tpu.memref_slice %arg3[%mul3A_315, %dma_start3A_323] : memref<2560x128xi32, #tpu.memory_space<hbm>> -> memref<8x128xi32, #tpu.memory_space<hbm>>
          %dma_start3A_325 = arith.constant 0 : i32
          %dma_start3A_326 = tpu.memref_slice %arg7[%mul3A_74, %dma_start3A_325] : memref<16x128xi32, #tpu.memory_space<vmem>> -> memref<8x128xi32, #tpu.memory_space<vmem>>
          %dma_start3A_327 = arith.constant 0 : i32
          %dma_start3A_328 = tpu.memref_slice %arg3[%mul3A_315, %dma_start3A_327] : memref<2560x128xi32, #tpu.memory_space<hbm>> -> memref<8x128xi32, #tpu.memory_space<hbm>>
          tpu.enqueue_dma source(%dma_start3A_328 : memref<8x128xi32, #tpu.memory_space<hbm>>) target(%dma_start3A_326 : memref<8x128xi32, #tpu.memory_space<vmem>>) target_semaphore(%run_scoped3A : memref<!tpu.dma_semaphore, #tpu.memory_space<semaphore_mem>>)
          %dma_wait3A_329 = arith.constant 0 : i32
          %dma_wait3A_330 = tpu.memref_slice %arg7[%mul3A_74, %dma_wait3A_329] : memref<16x128xi32, #tpu.memory_space<vmem>> -> memref<8x128xi32, #tpu.memory_space<vmem>>
          %dma_wait3A_331 = arith.constant 0 : i32
          %dma_wait3A_332 = tpu.memref_slice %arg3[%mul3A_315, %dma_wait3A_331] : memref<2560x128xi32, #tpu.memory_space<hbm>> -> memref<8x128xi32, #tpu.memory_space<hbm>>
          %dma_wait3A_333 = arith.constant 0 : i32
          %dma_wait3A_334 = tpu.memref_slice %arg7[%mul3A_74, %dma_wait3A_333] : memref<16x128xi32, #tpu.memory_space<vmem>> -> memref<8x128xi32, #tpu.memory_space<vmem>>
          %dma_wait3A_335 = arith.constant 0 : i32
          %dma_wait3A_336 = tpu.memref_slice %arg3[%mul3A_315, %dma_wait3A_335] : memref<2560x128xi32, #tpu.memory_space<hbm>> -> memref<8x128xi32, #tpu.memory_space<hbm>>
          tpu.wait_dma2 semaphore(%run_scoped3A : memref<!tpu.dma_semaphore, #tpu.memory_space<semaphore_mem>>) src(%dma_wait3A_336 : memref<8x128xi32, #tpu.memory_space<hbm>>) dst(%dma_wait3A_334 : memref<8x128xi32, #tpu.memory_space<vmem>>)
          tpu.yield
        }) : () -> ()
        %add3A_316 = arith.addi %select_n3A_10, %while3A_40 : i32
        %add3A_317 = arith.constant 1 : i32
        %add3A_318 = arith.addi %add3A_316, %add3A_317 : i32
        %mul3A_319 = arith.constant 8 : i32
        %mul3A_320 = arith.muli %add3A_318, %mul3A_319 : i32
        "tpu.region"() ({
          %run_scoped3A = tpu.sem_alloc : memref<!tpu.dma_semaphore, #tpu.memory_space<semaphore_mem>>
          %dma_start3A_321 = arith.constant 0 : i32
          %dma_start3A_322 = tpu.memref_slice %arg8[%mul3A_74, %dma_start3A_321] : memref<16x128xi32, #tpu.memory_space<vmem>> -> memref<8x128xi32, #tpu.memory_space<vmem>>
          %dma_start3A_323 = arith.constant 0 : i32
          %dma_start3A_324 = tpu.memref_slice %arg4[%mul3A_320, %dma_start3A_323] : memref<2560x128xi32, #tpu.memory_space<hbm>> -> memref<8x128xi32, #tpu.memory_space<hbm>>
          %dma_start3A_325 = arith.constant 0 : i32
          %dma_start3A_326 = tpu.memref_slice %arg8[%mul3A_74, %dma_start3A_325] : memref<16x128xi32, #tpu.memory_space<vmem>> -> memref<8x128xi32, #tpu.memory_space<vmem>>
          %dma_start3A_327 = arith.constant 0 : i32
          %dma_start3A_328 = tpu.memref_slice %arg4[%mul3A_320, %dma_start3A_327] : memref<2560x128xi32, #tpu.memory_space<hbm>> -> memref<8x128xi32, #tpu.memory_space<hbm>>
          tpu.enqueue_dma source(%dma_start3A_328 : memref<8x128xi32, #tpu.memory_space<hbm>>) target(%dma_start3A_326 : memref<8x128xi32, #tpu.memory_space<vmem>>) target_semaphore(%run_scoped3A : memref<!tpu.dma_semaphore, #tpu.memory_space<semaphore_mem>>)
          %dma_wait3A_329 = arith.constant 0 : i32
          %dma_wait3A_330 = tpu.memref_slice %arg8[%mul3A_74, %dma_wait3A_329] : memref<16x128xi32, #tpu.memory_space<vmem>> -> memref<8x128xi32, #tpu.memory_space<vmem>>
          %dma_wait3A_331 = arith.constant 0 : i32
          %dma_wait3A_332 = tpu.memref_slice %arg4[%mul3A_320, %dma_wait3A_331] : memref<2560x128xi32, #tpu.memory_space<hbm>> -> memref<8x128xi32, #tpu.memory_space<hbm>>
          %dma_wait3A_333 = arith.constant 0 : i32
          %dma_wait3A_334 = tpu.memref_slice %arg8[%mul3A_74, %dma_wait3A_333] : memref<16x128xi32, #tpu.memory_space<vmem>> -> memref<8x128xi32, #tpu.memory_space<vmem>>
          %dma_wait3A_335 = arith.constant 0 : i32
          %dma_wait3A_336 = tpu.memref_slice %arg4[%mul3A_320, %dma_wait3A_335] : memref<2560x128xi32, #tpu.memory_space<hbm>> -> memref<8x128xi32, #tpu.memory_space<hbm>>
          tpu.wait_dma2 semaphore(%run_scoped3A : memref<!tpu.dma_semaphore, #tpu.memory_space<semaphore_mem>>) src(%dma_wait3A_336 : memref<8x128xi32, #tpu.memory_space<hbm>>) dst(%dma_wait3A_334 : memref<8x128xi32, #tpu.memory_space<vmem>>)
          tpu.yield
        }) : () -> ()
      } else {
      }
      %add3A_105 = arith.constant 1 : i32
      %add3A_106 = arith.addi %mul3A_54, %add3A_105 : i32
      %add3A_107 = arith.constant 1 : i32
      %add3A_108 = arith.addi %add3A_106, %add3A_107 : i32
      %add3A_109 = arith.constant 1 : i32
      %add3A_110 = arith.addi %mul3A_54, %add3A_109 : i32
      %dma_wait3A_111 = arith.constant 0 : i32
      %dma_wait3A_112 = tpu.memref_slice %arg7[%add3A_110, %dma_wait3A_111] : memref<16x128xi32, #tpu.memory_space<vmem>> -> memref<1x128xi32, #tpu.memory_space<vmem>>
      %dma_wait3A_113 = tpu.memref_squeeze %dma_wait3A_112 : memref<1x128xi32, #tpu.memory_space<vmem>> -> memref<128xi32, #tpu.memory_space<vmem>>
      %dma_wait3A_114 = arith.constant 0 : i32
      %dma_wait3A_115 = arith.constant 0 : i32
      %dma_wait3A_116 = tpu.memref_slice %arg2[%dma_wait3A_114, %dma_wait3A_115] : memref<10000x128xf32, #tpu.memory_space<hbm>> -> memref<10000x128xf32, #tpu.memory_space<hbm>>
      tpu.wait_indirect_dma semaphore(%arg13 : memref<!tpu.dma_semaphore, #tpu.memory_space<semaphore_mem>>) src(%dma_wait3A_116 : memref<10000x128xf32, #tpu.memory_space<hbm>>) dst(%arg10 : memref<128x128xf32, #tpu.memory_space<vmem>>)
      %dma_start3A_117 = arith.constant 0 : i32
      %dma_start3A_118 = tpu.memref_slice %arg8[%add3A_110, %dma_start3A_117] : memref<16x128xi32, #tpu.memory_space<vmem>> -> memref<1x128xi32, #tpu.memory_space<vmem>>
      %dma_start3A_119 = tpu.memref_squeeze %dma_start3A_118 : memref<1x128xi32, #tpu.memory_space<vmem>> -> memref<128xi32, #tpu.memory_space<vmem>>
      %dma_start3A_120 = arith.constant 0 : i32
      %dma_start3A_121 = arith.constant 0 : i32
      %dma_start3A_122 = tpu.memref_slice %arg11[%dma_start3A_120, %dma_start3A_121] : memref<10240x128xf32, #tpu.memory_space<vmem_shared>> -> memref<10240x128xf32, #tpu.memory_space<vmem_shared>>
      tpu.enqueue_indirect_dma source(%arg10 : memref<128x128xf32, #tpu.memory_space<vmem>>) target(%dma_start3A_122 : memref<10240x128xf32, #tpu.memory_space<vmem_shared>>) offsets(%dma_start3A_119 : memref<128xi32, #tpu.memory_space<vmem>>) semaphore(%arg15 : memref<!tpu.dma_semaphore, #tpu.memory_space<semaphore_mem>>) {add = true}
      %dma_wait3A_123 = arith.constant 0 : i32
      %dma_wait3A_124 = tpu.memref_slice %arg8[%add3A_110, %dma_wait3A_123] : memref<16x128xi32, #tpu.memory_space<vmem>> -> memref<1x128xi32, #tpu.memory_space<vmem>>
      %dma_wait3A_125 = tpu.memref_squeeze %dma_wait3A_124 : memref<1x128xi32, #tpu.memory_space<vmem>> -> memref<128xi32, #tpu.memory_space<vmem>>
      %dma_wait3A_126 = arith.constant 0 : i32
      %dma_wait3A_127 = arith.constant 0 : i32
      %dma_wait3A_128 = tpu.memref_slice %arg11[%dma_wait3A_126, %dma_wait3A_127] : memref<10240x128xf32, #tpu.memory_space<vmem_shared>> -> memref<10240x128xf32, #tpu.memory_space<vmem_shared>>
      tpu.wait_indirect_dma semaphore(%arg14 : memref<!tpu.dma_semaphore, #tpu.memory_space<semaphore_mem>>) src(%arg9 : memref<128x128xf32, #tpu.memory_space<vmem>>) dst(%dma_wait3A_128 : memref<10240x128xf32, #tpu.memory_space<vmem_shared>>)
      %dma_start3A_129 = arith.constant 0 : i32
      %dma_start3A_130 = tpu.memref_slice %arg7[%add3A_108, %dma_start3A_129] : memref<16x128xi32, #tpu.memory_space<vmem>> -> memref<1x128xi32, #tpu.memory_space<vmem>>
      %dma_start3A_131 = tpu.memref_squeeze %dma_start3A_130 : memref<1x128xi32, #tpu.memory_space<vmem>> -> memref<128xi32, #tpu.memory_space<vmem>>
      %dma_start3A_132 = arith.constant 0 : i32
      %dma_start3A_133 = arith.constant 0 : i32
      %dma_start3A_134 = tpu.memref_slice %arg2[%dma_start3A_132, %dma_start3A_133] : memref<10000x128xf32, #tpu.memory_space<hbm>> -> memref<10000x128xf32, #tpu.memory_space<hbm>>
      tpu.enqueue_indirect_dma source(%dma_start3A_134 : memref<10000x128xf32, #tpu.memory_space<hbm>>) target(%arg9 : memref<128x128xf32, #tpu.memory_space<vmem>>) offsets(%dma_start3A_131 : memref<128xi32, #tpu.memory_space<vmem>>) semaphore(%arg12 : memref<!tpu.dma_semaphore, #tpu.memory_space<semaphore_mem>>)
      %add3A_135 = arith.constant 2 : i32
      %add3A_136 = arith.addi %mul3A_54, %add3A_135 : i32
      %add3A_137 = arith.constant 1 : i32
      %add3A_138 = arith.addi %add3A_136, %add3A_137 : i32
      %add3A_139 = arith.constant 2 : i32
      %add3A_140 = arith.addi %mul3A_54, %add3A_139 : i32
      %dma_wait3A_141 = arith.constant 0 : i32
      %dma_wait3A_142 = tpu.memref_slice %arg7[%add3A_140, %dma_wait3A_141] : memref<16x128xi32, #tpu.memory_space<vmem>> -> memref<1x128xi32, #tpu.memory_space<vmem>>
      %dma_wait3A_143 = tpu.memref_squeeze %dma_wait3A_142 : memref<1x128xi32, #tpu.memory_space<vmem>> -> memref<128xi32, #tpu.memory_space<vmem>>
      %dma_wait3A_144 = arith.constant 0 : i32
      %dma_wait3A_145 = arith.constant 0 : i32
      %dma_wait3A_146 = tpu.memref_slice %arg2[%dma_wait3A_144, %dma_wait3A_145] : memref<10000x128xf32, #tpu.memory_space<hbm>> -> memref<10000x128xf32, #tpu.memory_space<hbm>>
      tpu.wait_indirect_dma semaphore(%arg12 : memref<!tpu.dma_semaphore, #tpu.memory_space<semaphore_mem>>) src(%dma_wait3A_146 : memref<10000x128xf32, #tpu.memory_space<hbm>>) dst(%arg9 : memref<128x128xf32, #tpu.memory_space<vmem>>)
      %dma_start3A_147 = arith.constant 0 : i32
      %dma_start3A_148 = tpu.memref_slice %arg8[%add3A_140, %dma_start3A_147] : memref<16x128xi32, #tpu.memory_space<vmem>> -> memref<1x128xi32, #tpu.memory_space<vmem>>
      %dma_start3A_149 = tpu.memref_squeeze %dma_start3A_148 : memref<1x128xi32, #tpu.memory_space<vmem>> -> memref<128xi32, #tpu.memory_space<vmem>>
      %dma_start3A_150 = arith.constant 0 : i32
      %dma_start3A_151 = arith.constant 0 : i32
      %dma_start3A_152 = tpu.memref_slice %arg11[%dma_start3A_150, %dma_start3A_151] : memref<10240x128xf32, #tpu.memory_space<vmem_shared>> -> memref<10240x128xf32, #tpu.memory_space<vmem_shared>>
      tpu.enqueue_indirect_dma source(%arg9 : memref<128x128xf32, #tpu.memory_space<vmem>>) target(%dma_start3A_152 : memref<10240x128xf32, #tpu.memory_space<vmem_shared>>) offsets(%dma_start3A_149 : memref<128xi32, #tpu.memory_space<vmem>>) semaphore(%arg14 : memref<!tpu.dma_semaphore, #tpu.memory_space<semaphore_mem>>) {add = true}
      %dma_wait3A_153 = arith.constant 0 : i32
      %dma_wait3A_154 = tpu.memref_slice %arg8[%add3A_140, %dma_wait3A_153] : memref<16x128xi32, #tpu.memory_space<vmem>> -> memref<1x128xi32, #tpu.memory_space<vmem>>
      %dma_wait3A_155 = tpu.memref_squeeze %dma_wait3A_154 : memref<1x128xi32, #tpu.memory_space<vmem>> -> memref<128xi32, #tpu.memory_space<vmem>>
      %dma_wait3A_156 = arith.constant 0 : i32
      %dma_wait3A_157 = arith.constant 0 : i32
      %dma_wait3A_158 = tpu.memref_slice %arg11[%dma_wait3A_156, %dma_wait3A_157] : memref<10240x128xf32, #tpu.memory_space<vmem_shared>> -> memref<10240x128xf32, #tpu.memory_space<vmem_shared>>
      tpu.wait_indirect_dma semaphore(%arg15 : memref<!tpu.dma_semaphore, #tpu.memory_space<semaphore_mem>>) src(%arg10 : memref<128x128xf32, #tpu.memory_space<vmem>>) dst(%dma_wait3A_158 : memref<10240x128xf32, #tpu.memory_space<vmem_shared>>)
      %dma_start3A_159 = arith.constant 0 : i32
      %dma_start3A_160 = tpu.memref_slice %arg7[%add3A_138, %dma_start3A_159] : memref<16x128xi32, #tpu.memory_space<vmem>> -> memref<1x128xi32, #tpu.memory_space<vmem>>
      %dma_start3A_161 = tpu.memref_squeeze %dma_start3A_160 : memref<1x128xi32, #tpu.memory_space<vmem>> -> memref<128xi32, #tpu.memory_space<vmem>>
      %dma_start3A_162 = arith.constant 0 : i32
      %dma_start3A_163 = arith.constant 0 : i32
      %dma_start3A_164 = tpu.memref_slice %arg2[%dma_start3A_162, %dma_start3A_163] : memref<10000x128xf32, #tpu.memory_space<hbm>> -> memref<10000x128xf32, #tpu.memory_space<hbm>>
      tpu.enqueue_indirect_dma source(%dma_start3A_164 : memref<10000x128xf32, #tpu.memory_space<hbm>>) target(%arg10 : memref<128x128xf32, #tpu.memory_space<vmem>>) offsets(%dma_start3A_161 : memref<128xi32, #tpu.memory_space<vmem>>) semaphore(%arg13 : memref<!tpu.dma_semaphore, #tpu.memory_space<semaphore_mem>>)
      %add3A_165 = arith.constant 3 : i32
      %add3A_166 = arith.addi %mul3A_54, %add3A_165 : i32
      %add3A_167 = arith.constant 1 : i32
      %add3A_168 = arith.addi %add3A_166, %add3A_167 : i32
      %add3A_169 = arith.constant 3 : i32
      %add3A_170 = arith.addi %mul3A_54, %add3A_169 : i32
      %dma_wait3A_171 = arith.constant 0 : i32
      %dma_wait3A_172 = tpu.memref_slice %arg7[%add3A_170, %dma_wait3A_171] : memref<16x128xi32, #tpu.memory_space<vmem>> -> memref<1x128xi32, #tpu.memory_space<vmem>>
      %dma_wait3A_173 = tpu.memref_squeeze %dma_wait3A_172 : memref<1x128xi32, #tpu.memory_space<vmem>> -> memref<128xi32, #tpu.memory_space<vmem>>
      %dma_wait3A_174 = arith.constant 0 : i32
      %dma_wait3A_175 = arith.constant 0 : i32
      %dma_wait3A_176 = tpu.memref_slice %arg2[%dma_wait3A_174, %dma_wait3A_175] : memref<10000x128xf32, #tpu.memory_space<hbm>> -> memref<10000x128xf32, #tpu.memory_space<hbm>>
      tpu.wait_indirect_dma semaphore(%arg13 : memref<!tpu.dma_semaphore, #tpu.memory_space<semaphore_mem>>) src(%dma_wait3A_176 : memref<10000x128xf32, #tpu.memory_space<hbm>>) dst(%arg10 : memref<128x128xf32, #tpu.memory_space<vmem>>)
      %dma_start3A_177 = arith.constant 0 : i32
      %dma_start3A_178 = tpu.memref_slice %arg8[%add3A_170, %dma_start3A_177] : memref<16x128xi32, #tpu.memory_space<vmem>> -> memref<1x128xi32, #tpu.memory_space<vmem>>
      %dma_start3A_179 = tpu.memref_squeeze %dma_start3A_178 : memref<1x128xi32, #tpu.memory_space<vmem>> -> memref<128xi32, #tpu.memory_space<vmem>>
      %dma_start3A_180 = arith.constant 0 : i32
      %dma_start3A_181 = arith.constant 0 : i32
      %dma_start3A_182 = tpu.memref_slice %arg11[%dma_start3A_180, %dma_start3A_181] : memref<10240x128xf32, #tpu.memory_space<vmem_shared>> -> memref<10240x128xf32, #tpu.memory_space<vmem_shared>>
      tpu.enqueue_indirect_dma source(%arg10 : memref<128x128xf32, #tpu.memory_space<vmem>>) target(%dma_start3A_182 : memref<10240x128xf32, #tpu.memory_space<vmem_shared>>) offsets(%dma_start3A_179 : memref<128xi32, #tpu.memory_space<vmem>>) semaphore(%arg15 : memref<!tpu.dma_semaphore, #tpu.memory_space<semaphore_mem>>) {add = true}
      %dma_wait3A_183 = arith.constant 0 : i32
      %dma_wait3A_184 = tpu.memref_slice %arg8[%add3A_170, %dma_wait3A_183] : memref<16x128xi32, #tpu.memory_space<vmem>> -> memref<1x128xi32, #tpu.memory_space<vmem>>
      %dma_wait3A_185 = tpu.memref_squeeze %dma_wait3A_184 : memref<1x128xi32, #tpu.memory_space<vmem>> -> memref<128xi32, #tpu.memory_space<vmem>>
      %dma_wait3A_186 = arith.constant 0 : i32
      %dma_wait3A_187 = arith.constant 0 : i32
      %dma_wait3A_188 = tpu.memref_slice %arg11[%dma_wait3A_186, %dma_wait3A_187] : memref<10240x128xf32, #tpu.memory_space<vmem_shared>> -> memref<10240x128xf32, #tpu.memory_space<vmem_shared>>
      tpu.wait_indirect_dma semaphore(%arg14 : memref<!tpu.dma_semaphore, #tpu.memory_space<semaphore_mem>>) src(%arg9 : memref<128x128xf32, #tpu.memory_space<vmem>>) dst(%dma_wait3A_188 : memref<10240x128xf32, #tpu.memory_space<vmem_shared>>)
      %dma_start3A_189 = arith.constant 0 : i32
      %dma_start3A_190 = tpu.memref_slice %arg7[%add3A_168, %dma_start3A_189] : memref<16x128xi32, #tpu.memory_space<vmem>> -> memref<1x128xi32, #tpu.memory_space<vmem>>
      %dma_start3A_191 = tpu.memref_squeeze %dma_start3A_190 : memref<1x128xi32, #tpu.memory_space<vmem>> -> memref<128xi32, #tpu.memory_space<vmem>>
      %dma_start3A_192 = arith.constant 0 : i32
      %dma_start3A_193 = arith.constant 0 : i32
      %dma_start3A_194 = tpu.memref_slice %arg2[%dma_start3A_192, %dma_start3A_193] : memref<10000x128xf32, #tpu.memory_space<hbm>> -> memref<10000x128xf32, #tpu.memory_space<hbm>>
      tpu.enqueue_indirect_dma source(%dma_start3A_194 : memref<10000x128xf32, #tpu.memory_space<hbm>>) target(%arg9 : memref<128x128xf32, #tpu.memory_space<vmem>>) offsets(%dma_start3A_191 : memref<128xi32, #tpu.memory_space<vmem>>) semaphore(%arg12 : memref<!tpu.dma_semaphore, #tpu.memory_space<semaphore_mem>>)
      %add3A_195 = arith.constant 4 : i32
      %add3A_196 = arith.addi %mul3A_54, %add3A_195 : i32
      %add3A_197 = arith.constant 1 : i32
      %add3A_198 = arith.addi %add3A_196, %add3A_197 : i32
      %add3A_199 = arith.constant 4 : i32
      %add3A_200 = arith.addi %mul3A_54, %add3A_199 : i32
      %dma_wait3A_201 = arith.constant 0 : i32
      %dma_wait3A_202 = tpu.memref_slice %arg7[%add3A_200, %dma_wait3A_201] : memref<16x128xi32, #tpu.memory_space<vmem>> -> memref<1x128xi32, #tpu.memory_space<vmem>>
      %dma_wait3A_203 = tpu.memref_squeeze %dma_wait3A_202 : memref<1x128xi32, #tpu.memory_space<vmem>> -> memref<128xi32, #tpu.memory_space<vmem>>
      %dma_wait3A_204 = arith.constant 0 : i32
      %dma_wait3A_205 = arith.constant 0 : i32
      %dma_wait3A_206 = tpu.memref_slice %arg2[%dma_wait3A_204, %dma_wait3A_205] : memref<10000x128xf32, #tpu.memory_space<hbm>> -> memref<10000x128xf32, #tpu.memory_space<hbm>>
      tpu.wait_indirect_dma semaphore(%arg12 : memref<!tpu.dma_semaphore, #tpu.memory_space<semaphore_mem>>) src(%dma_wait3A_206 : memref<10000x128xf32, #tpu.memory_space<hbm>>) dst(%arg9 : memref<128x128xf32, #tpu.memory_space<vmem>>)
      %dma_start3A_207 = arith.constant 0 : i32
      %dma_start3A_208 = tpu.memref_slice %arg8[%add3A_200, %dma_start3A_207] : memref<16x128xi32, #tpu.memory_space<vmem>> -> memref<1x128xi32, #tpu.memory_space<vmem>>
      %dma_start3A_209 = tpu.memref_squeeze %dma_start3A_208 : memref<1x128xi32, #tpu.memory_space<vmem>> -> memref<128xi32, #tpu.memory_space<vmem>>
      %dma_start3A_210 = arith.constant 0 : i32
      %dma_start3A_211 = arith.constant 0 : i32
      %dma_start3A_212 = tpu.memref_slice %arg11[%dma_start3A_210, %dma_start3A_211] : memref<10240x128xf32, #tpu.memory_space<vmem_shared>> -> memref<10240x128xf32, #tpu.memory_space<vmem_shared>>
      tpu.enqueue_indirect_dma source(%arg9 : memref<128x128xf32, #tpu.memory_space<vmem>>) target(%dma_start3A_212 : memref<10240x128xf32, #tpu.memory_space<vmem_shared>>) offsets(%dma_start3A_209 : memref<128xi32, #tpu.memory_space<vmem>>) semaphore(%arg14 : memref<!tpu.dma_semaphore, #tpu.memory_space<semaphore_mem>>) {add = true}
      %dma_wait3A_213 = arith.constant 0 : i32
      %dma_wait3A_214 = tpu.memref_slice %arg8[%add3A_200, %dma_wait3A_213] : memref<16x128xi32, #tpu.memory_space<vmem>> -> memref<1x128xi32, #tpu.memory_space<vmem>>
      %dma_wait3A_215 = tpu.memref_squeeze %dma_wait3A_214 : memref<1x128xi32, #tpu.memory_space<vmem>> -> memref<128xi32, #tpu.memory_space<vmem>>
      %dma_wait3A_216 = arith.constant 0 : i32
      %dma_wait3A_217 = arith.constant 0 : i32
      %dma_wait3A_218 = tpu.memref_slice %arg11[%dma_wait3A_216, %dma_wait3A_217] : memref<10240x128xf32, #tpu.memory_space<vmem_shared>> -> memref<10240x128xf32, #tpu.memory_space<vmem_shared>>
      tpu.wait_indirect_dma semaphore(%arg15 : memref<!tpu.dma_semaphore, #tpu.memory_space<semaphore_mem>>) src(%arg10 : memref<128x128xf32, #tpu.memory_space<vmem>>) dst(%dma_wait3A_218 : memref<10240x128xf32, #tpu.memory_space<vmem_shared>>)
      %dma_start3A_219 = arith.constant 0 : i32
      %dma_start3A_220 = tpu.memref_slice %arg7[%add3A_198, %dma_start3A_219] : memref<16x128xi32, #tpu.memory_space<vmem>> -> memref<1x128xi32, #tpu.memory_space<vmem>>
      %dma_start3A_221 = tpu.memref_squeeze %dma_start3A_220 : memref<1x128xi32, #tpu.memory_space<vmem>> -> memref<128xi32, #tpu.memory_space<vmem>>
      %dma_start3A_222 = arith.constant 0 : i32
      %dma_start3A_223 = arith.constant 0 : i32
      %dma_start3A_224 = tpu.memref_slice %arg2[%dma_start3A_222, %dma_start3A_223] : memref<10000x128xf32, #tpu.memory_space<hbm>> -> memref<10000x128xf32, #tpu.memory_space<hbm>>
      tpu.enqueue_indirect_dma source(%dma_start3A_224 : memref<10000x128xf32, #tpu.memory_space<hbm>>) target(%arg10 : memref<128x128xf32, #tpu.memory_space<vmem>>) offsets(%dma_start3A_221 : memref<128xi32, #tpu.memory_space<vmem>>) semaphore(%arg13 : memref<!tpu.dma_semaphore, #tpu.memory_space<semaphore_mem>>)
      %add3A_225 = arith.constant 5 : i32
      %add3A_226 = arith.addi %mul3A_54, %add3A_225 : i32
      %add3A_227 = arith.constant 1 : i32
      %add3A_228 = arith.addi %add3A_226, %add3A_227 : i32
      %add3A_229 = arith.constant 5 : i32
      %add3A_230 = arith.addi %mul3A_54, %add3A_229 : i32
      %dma_wait3A_231 = arith.constant 0 : i32
      %dma_wait3A_232 = tpu.memref_slice %arg7[%add3A_230, %dma_wait3A_231] : memref<16x128xi32, #tpu.memory_space<vmem>> -> memref<1x128xi32, #tpu.memory_space<vmem>>
      %dma_wait3A_233 = tpu.memref_squeeze %dma_wait3A_232 : memref<1x128xi32, #tpu.memory_space<vmem>> -> memref<128xi32, #tpu.memory_space<vmem>>
      %dma_wait3A_234 = arith.constant 0 : i32
      %dma_wait3A_235 = arith.constant 0 : i32
      %dma_wait3A_236 = tpu.memref_slice %arg2[%dma_wait3A_234, %dma_wait3A_235] : memref<10000x128xf32, #tpu.memory_space<hbm>> -> memref<10000x128xf32, #tpu.memory_space<hbm>>
      tpu.wait_indirect_dma semaphore(%arg13 : memref<!tpu.dma_semaphore, #tpu.memory_space<semaphore_mem>>) src(%dma_wait3A_236 : memref<10000x128xf32, #tpu.memory_space<hbm>>) dst(%arg10 : memref<128x128xf32, #tpu.memory_space<vmem>>)
      %dma_start3A_237 = arith.constant 0 : i32
      %dma_start3A_238 = tpu.memref_slice %arg8[%add3A_230, %dma_start3A_237] : memref<16x128xi32, #tpu.memory_space<vmem>> -> memref<1x128xi32, #tpu.memory_space<vmem>>
      %dma_start3A_239 = tpu.memref_squeeze %dma_start3A_238 : memref<1x128xi32, #tpu.memory_space<vmem>> -> memref<128xi32, #tpu.memory_space<vmem>>
      %dma_start3A_240 = arith.constant 0 : i32
      %dma_start3A_241 = arith.constant 0 : i32
      %dma_start3A_242 = tpu.memref_slice %arg11[%dma_start3A_240, %dma_start3A_241] : memref<10240x128xf32, #tpu.memory_space<vmem_shared>> -> memref<10240x128xf32, #tpu.memory_space<vmem_shared>>
      tpu.enqueue_indirect_dma source(%arg10 : memref<128x128xf32, #tpu.memory_space<vmem>>) target(%dma_start3A_242 : memref<10240x128xf32, #tpu.memory_space<vmem_shared>>) offsets(%dma_start3A_239 : memref<128xi32, #tpu.memory_space<vmem>>) semaphore(%arg15 : memref<!tpu.dma_semaphore, #tpu.memory_space<semaphore_mem>>) {add = true}
      %dma_wait3A_243 = arith.constant 0 : i32
      %dma_wait3A_244 = tpu.memref_slice %arg8[%add3A_230, %dma_wait3A_243] : memref<16x128xi32, #tpu.memory_space<vmem>> -> memref<1x128xi32, #tpu.memory_space<vmem>>
      %dma_wait3A_245 = tpu.memref_squeeze %dma_wait3A_244 : memref<1x128xi32, #tpu.memory_space<vmem>> -> memref<128xi32, #tpu.memory_space<vmem>>
      %dma_wait3A_246 = arith.constant 0 : i32
      %dma_wait3A_247 = arith.constant 0 : i32
      %dma_wait3A_248 = tpu.memref_slice %arg11[%dma_wait3A_246, %dma_wait3A_247] : memref<10240x128xf32, #tpu.memory_space<vmem_shared>> -> memref<10240x128xf32, #tpu.memory_space<vmem_shared>>
      tpu.wait_indirect_dma semaphore(%arg14 : memref<!tpu.dma_semaphore, #tpu.memory_space<semaphore_mem>>) src(%arg9 : memref<128x128xf32, #tpu.memory_space<vmem>>) dst(%dma_wait3A_248 : memref<10240x128xf32, #tpu.memory_space<vmem_shared>>)
      %dma_start3A_249 = arith.constant 0 : i32
      %dma_start3A_250 = tpu.memref_slice %arg7[%add3A_228, %dma_start3A_249] : memref<16x128xi32, #tpu.memory_space<vmem>> -> memref<1x128xi32, #tpu.memory_space<vmem>>
      %dma_start3A_251 = tpu.memref_squeeze %dma_start3A_250 : memref<1x128xi32, #tpu.memory_space<vmem>> -> memref<128xi32, #tpu.memory_space<vmem>>
      %dma_start3A_252 = arith.constant 0 : i32
      %dma_start3A_253 = arith.constant 0 : i32
      %dma_start3A_254 = tpu.memref_slice %arg2[%dma_start3A_252, %dma_start3A_253] : memref<10000x128xf32, #tpu.memory_space<hbm>> -> memref<10000x128xf32, #tpu.memory_space<hbm>>
      tpu.enqueue_indirect_dma source(%dma_start3A_254 : memref<10000x128xf32, #tpu.memory_space<hbm>>) target(%arg9 : memref<128x128xf32, #tpu.memory_space<vmem>>) offsets(%dma_start3A_251 : memref<128xi32, #tpu.memory_space<vmem>>) semaphore(%arg12 : memref<!tpu.dma_semaphore, #tpu.memory_space<semaphore_mem>>)
      %add3A_255 = arith.constant 6 : i32
      %add3A_256 = arith.addi %mul3A_54, %add3A_255 : i32
      %add3A_257 = arith.constant 1 : i32
      %add3A_258 = arith.addi %add3A_256, %add3A_257 : i32
      %add3A_259 = arith.constant 6 : i32
      %add3A_260 = arith.addi %mul3A_54, %add3A_259 : i32
      %dma_wait3A_261 = arith.constant 0 : i32
      %dma_wait3A_262 = tpu.memref_slice %arg7[%add3A_260, %dma_wait3A_261] : memref<16x128xi32, #tpu.memory_space<vmem>> -> memref<1x128xi32, #tpu.memory_space<vmem>>
      %dma_wait3A_263 = tpu.memref_squeeze %dma_wait3A_262 : memref<1x128xi32, #tpu.memory_space<vmem>> -> memref<128xi32, #tpu.memory_space<vmem>>
      %dma_wait3A_264 = arith.constant 0 : i32
      %dma_wait3A_265 = arith.constant 0 : i32
      %dma_wait3A_266 = tpu.memref_slice %arg2[%dma_wait3A_264, %dma_wait3A_265] : memref<10000x128xf32, #tpu.memory_space<hbm>> -> memref<10000x128xf32, #tpu.memory_space<hbm>>
      tpu.wait_indirect_dma semaphore(%arg12 : memref<!tpu.dma_semaphore, #tpu.memory_space<semaphore_mem>>) src(%dma_wait3A_266 : memref<10000x128xf32, #tpu.memory_space<hbm>>) dst(%arg9 : memref<128x128xf32, #tpu.memory_space<vmem>>)
      %dma_start3A_267 = arith.constant 0 : i32
      %dma_start3A_268 = tpu.memref_slice %arg8[%add3A_260, %dma_start3A_267] : memref<16x128xi32, #tpu.memory_space<vmem>> -> memref<1x128xi32, #tpu.memory_space<vmem>>
      %dma_start3A_269 = tpu.memref_squeeze %dma_start3A_268 : memref<1x128xi32, #tpu.memory_space<vmem>> -> memref<128xi32, #tpu.memory_space<vmem>>
      %dma_start3A_270 = arith.constant 0 : i32
      %dma_start3A_271 = arith.constant 0 : i32
      %dma_start3A_272 = tpu.memref_slice %arg11[%dma_start3A_270, %dma_start3A_271] : memref<10240x128xf32, #tpu.memory_space<vmem_shared>> -> memref<10240x128xf32, #tpu.memory_space<vmem_shared>>
      tpu.enqueue_indirect_dma source(%arg9 : memref<128x128xf32, #tpu.memory_space<vmem>>) target(%dma_start3A_272 : memref<10240x128xf32, #tpu.memory_space<vmem_shared>>) offsets(%dma_start3A_269 : memref<128xi32, #tpu.memory_space<vmem>>) semaphore(%arg14 : memref<!tpu.dma_semaphore, #tpu.memory_space<semaphore_mem>>) {add = true}
      %dma_wait3A_273 = arith.constant 0 : i32
      %dma_wait3A_274 = tpu.memref_slice %arg8[%add3A_260, %dma_wait3A_273] : memref<16x128xi32, #tpu.memory_space<vmem>> -> memref<1x128xi32, #tpu.memory_space<vmem>>
      %dma_wait3A_275 = tpu.memref_squeeze %dma_wait3A_274 : memref<1x128xi32, #tpu.memory_space<vmem>> -> memref<128xi32, #tpu.memory_space<vmem>>
      %dma_wait3A_276 = arith.constant 0 : i32
      %dma_wait3A_277 = arith.constant 0 : i32
      %dma_wait3A_278 = tpu.memref_slice %arg11[%dma_wait3A_276, %dma_wait3A_277] : memref<10240x128xf32, #tpu.memory_space<vmem_shared>> -> memref<10240x128xf32, #tpu.memory_space<vmem_shared>>
      tpu.wait_indirect_dma semaphore(%arg15 : memref<!tpu.dma_semaphore, #tpu.memory_space<semaphore_mem>>) src(%arg10 : memref<128x128xf32, #tpu.memory_space<vmem>>) dst(%dma_wait3A_278 : memref<10240x128xf32, #tpu.memory_space<vmem_shared>>)
      %dma_start3A_279 = arith.constant 0 : i32
      %dma_start3A_280 = tpu.memref_slice %arg7[%add3A_258, %dma_start3A_279] : memref<16x128xi32, #tpu.memory_space<vmem>> -> memref<1x128xi32, #tpu.memory_space<vmem>>
      %dma_start3A_281 = tpu.memref_squeeze %dma_start3A_280 : memref<1x128xi32, #tpu.memory_space<vmem>> -> memref<128xi32, #tpu.memory_space<vmem>>
      %dma_start3A_282 = arith.constant 0 : i32
      %dma_start3A_283 = arith.constant 0 : i32
      %dma_start3A_284 = tpu.memref_slice %arg2[%dma_start3A_282, %dma_start3A_283] : memref<10000x128xf32, #tpu.memory_space<hbm>> -> memref<10000x128xf32, #tpu.memory_space<hbm>>
      tpu.enqueue_indirect_dma source(%dma_start3A_284 : memref<10000x128xf32, #tpu.memory_space<hbm>>) target(%arg10 : memref<128x128xf32, #tpu.memory_space<vmem>>) offsets(%dma_start3A_281 : memref<128xi32, #tpu.memory_space<vmem>>) semaphore(%arg13 : memref<!tpu.dma_semaphore, #tpu.memory_space<semaphore_mem>>)
      %add3A_285 = arith.constant 7 : i32
      %add3A_286 = arith.addi %mul3A_54, %add3A_285 : i32
      %dma_wait3A_287 = arith.constant 0 : i32
      %dma_wait3A_288 = tpu.memref_slice %arg7[%add3A_286, %dma_wait3A_287] : memref<16x128xi32, #tpu.memory_space<vmem>> -> memref<1x128xi32, #tpu.memory_space<vmem>>
      %dma_wait3A_289 = tpu.memref_squeeze %dma_wait3A_288 : memref<1x128xi32, #tpu.memory_space<vmem>> -> memref<128xi32, #tpu.memory_space<vmem>>
      %dma_wait3A_290 = arith.constant 0 : i32
      %dma_wait3A_291 = arith.constant 0 : i32
      %dma_wait3A_292 = tpu.memref_slice %arg2[%dma_wait3A_290, %dma_wait3A_291] : memref<10000x128xf32, #tpu.memory_space<hbm>> -> memref<10000x128xf32, #tpu.memory_space<hbm>>
      tpu.wait_indirect_dma semaphore(%arg13 : memref<!tpu.dma_semaphore, #tpu.memory_space<semaphore_mem>>) src(%dma_wait3A_292 : memref<10000x128xf32, #tpu.memory_space<hbm>>) dst(%arg10 : memref<128x128xf32, #tpu.memory_space<vmem>>)
      %dma_start3A_293 = arith.constant 0 : i32
      %dma_start3A_294 = tpu.memref_slice %arg8[%add3A_286, %dma_start3A_293] : memref<16x128xi32, #tpu.memory_space<vmem>> -> memref<1x128xi32, #tpu.memory_space<vmem>>
      %dma_start3A_295 = tpu.memref_squeeze %dma_start3A_294 : memref<1x128xi32, #tpu.memory_space<vmem>> -> memref<128xi32, #tpu.memory_space<vmem>>
      %dma_start3A_296 = arith.constant 0 : i32
      %dma_start3A_297 = arith.constant 0 : i32
      %dma_start3A_298 = tpu.memref_slice %arg11[%dma_start3A_296, %dma_start3A_297] : memref<10240x128xf32, #tpu.memory_space<vmem_shared>> -> memref<10240x128xf32, #tpu.memory_space<vmem_shared>>
      tpu.enqueue_indirect_dma source(%arg10 : memref<128x128xf32, #tpu.memory_space<vmem>>) target(%dma_start3A_298 : memref<10240x128xf32, #tpu.memory_space<vmem_shared>>) offsets(%dma_start3A_295 : memref<128xi32, #tpu.memory_space<vmem>>) semaphore(%arg15 : memref<!tpu.dma_semaphore, #tpu.memory_space<semaphore_mem>>) {add = true}
      %dma_wait3A_299 = arith.constant 0 : i32
      %dma_wait3A_300 = tpu.memref_slice %arg8[%add3A_286, %dma_wait3A_299] : memref<16x128xi32, #tpu.memory_space<vmem>> -> memref<1x128xi32, #tpu.memory_space<vmem>>
      %dma_wait3A_301 = tpu.memref_squeeze %dma_wait3A_300 : memref<1x128xi32, #tpu.memory_space<vmem>> -> memref<128xi32, #tpu.memory_space<vmem>>
      %dma_wait3A_302 = arith.constant 0 : i32
      %dma_wait3A_303 = arith.constant 0 : i32
      %dma_wait3A_304 = tpu.memref_slice %arg11[%dma_wait3A_302, %dma_wait3A_303] : memref<10240x128xf32, #tpu.memory_space<vmem_shared>> -> memref<10240x128xf32, #tpu.memory_space<vmem_shared>>
      tpu.wait_indirect_dma semaphore(%arg14 : memref<!tpu.dma_semaphore, #tpu.memory_space<semaphore_mem>>) src(%arg9 : memref<128x128xf32, #tpu.memory_space<vmem>>) dst(%dma_wait3A_304 : memref<10240x128xf32, #tpu.memory_space<vmem_shared>>)
      %add3A_305 = arith.constant 1 : i32
      %add3A_306 = arith.addi %while3A_40, %add3A_305 : i32
      %lt3A_307 = arith.cmpi slt, %add3A_306, %select_n3A : i32
      %convert_element_type3A_308 = arith.extui %lt3A_307 : i1 to i32
      %cond3A_309 = arith.constant 0 : i32
      %cond3A_310 = arith.cmpi ne, %convert_element_type3A_308, %cond3A_309 : i32
      scf.if %cond3A_310 {
        %dma_start3A_311 = arith.constant 0 : i32
        %dma_start3A_312 = tpu.memref_slice %arg7[%mul3A_74, %dma_start3A_311] : memref<16x128xi32, #tpu.memory_space<vmem>> -> memref<1x128xi32, #tpu.memory_space<vmem>>
        %dma_start3A_313 = tpu.memref_squeeze %dma_start3A_312 : memref<1x128xi32, #tpu.memory_space<vmem>> -> memref<128xi32, #tpu.memory_space<vmem>>
        %dma_start3A_314 = arith.constant 0 : i32
        %dma_start3A_315 = arith.constant 0 : i32
        %dma_start3A_316 = tpu.memref_slice %arg2[%dma_start3A_314, %dma_start3A_315] : memref<10000x128xf32, #tpu.memory_space<hbm>> -> memref<10000x128xf32, #tpu.memory_space<hbm>>
        tpu.enqueue_indirect_dma source(%dma_start3A_316 : memref<10000x128xf32, #tpu.memory_space<hbm>>) target(%arg9 : memref<128x128xf32, #tpu.memory_space<vmem>>) offsets(%dma_start3A_313 : memref<128xi32, #tpu.memory_space<vmem>>) semaphore(%arg12 : memref<!tpu.dma_semaphore, #tpu.memory_space<semaphore_mem>>)
      } else {
      }
    }
    %while3A_29 = arith.constant 1 : i32
    scf.for %while3A_40 = %while3A_27 to %while3A_23 step %while3A_29  : i32 {
      %jit3A_41 = arith.constant 2 : i32
      %eq3A_42 = arith.constant 0 : i32
      %eq3A_43 = arith.cmpi eq, %jit3A_41, %eq3A_42 : i32
      %jit3A_44 = arith.constant 1 : i32
      %select_n3A_45 = arith.select %eq3A_43, %jit3A_44, %jit3A_41 : i32
      %rem3A = arith.remsi %while3A_40, %select_n3A_45 : i32
      %ne3A = arith.constant 0 : i32
      %ne3A_46 = arith.cmpi ne, %rem3A, %ne3A : i32
      %lt3A = arith.constant 0 : i32
      %lt3A_47 = arith.cmpi slt, %rem3A, %lt3A : i32
      %lt3A_48 = arith.constant 0 : i32
      %lt3A_49 = arith.cmpi slt, %select_n3A_45, %lt3A_48 : i32
      %ne3A_50 = arith.xori %lt3A_47, %lt3A_49 : i1
      %and3A = arith.andi %ne3A_50, %ne3A_46 : i1
      %add3A_51 = arith.addi %rem3A, %select_n3A_45 : i32
      %select_n3A_52 = arith.select %and3A, %add3A_51, %rem3A : i32
      %mul3A_53 = arith.constant 8 : i32
      %mul3A_54 = arith.muli %select_n3A_52, %mul3A_53 : i32
      %add3A_55 = arith.constant 1 : i32
      %add3A_56 = arith.addi %while3A_40, %add3A_55 : i32
      %jit3A_57 = arith.constant 2 : i32
      %eq3A_58 = arith.constant 0 : i32
      %eq3A_59 = arith.cmpi eq, %jit3A_57, %eq3A_58 : i32
      %jit3A_60 = arith.constant 1 : i32
      %select_n3A_61 = arith.select %eq3A_59, %jit3A_60, %jit3A_57 : i32
      %rem3A_62 = arith.remsi %add3A_56, %select_n3A_61 : i32
      %ne3A_63 = arith.constant 0 : i32
      %ne3A_64 = arith.cmpi ne, %rem3A_62, %ne3A_63 : i32
      %lt3A_65 = arith.constant 0 : i32
      %lt3A_66 = arith.cmpi slt, %rem3A_62, %lt3A_65 : i32
      %lt3A_67 = arith.constant 0 : i32
      %lt3A_68 = arith.cmpi slt, %select_n3A_61, %lt3A_67 : i32
      %ne3A_69 = arith.xori %lt3A_66, %lt3A_68 : i1
      %and3A_70 = arith.andi %ne3A_69, %ne3A_64 : i1
      %add3A_71 = arith.addi %rem3A_62, %select_n3A_61 : i32
      %select_n3A_72 = arith.select %and3A_70, %add3A_71, %rem3A_62 : i32
      %mul3A_73 = arith.constant 8 : i32
      %mul3A_74 = arith.muli %select_n3A_72, %mul3A_73 : i32
      %add3A_75 = arith.constant 0 : i32
      %add3A_76 = arith.addi %mul3A_54, %add3A_75 : i32
      %add3A_77 = arith.constant 1 : i32
      %add3A_78 = arith.addi %mul3A_54, %add3A_77 : i32
      %dma_wait3A_79 = arith.constant 0 : i32
      %dma_wait3A_80 = tpu.memref_slice %arg7[%add3A_76, %dma_wait3A_79] : memref<16x128xi32, #tpu.memory_space<vmem>> -> memref<1x128xi32, #tpu.memory_space<vmem>>
      %dma_wait3A_81 = tpu.memref_squeeze %dma_wait3A_80 : memref<1x128xi32, #tpu.memory_space<vmem>> -> memref<128xi32, #tpu.memory_space<vmem>>
      %dma_wait3A_82 = arith.constant 0 : i32
      %dma_wait3A_83 = arith.constant 0 : i32
      %dma_wait3A_84 = tpu.memref_slice %arg2[%dma_wait3A_82, %dma_wait3A_83] : memref<10000x128xf32, #tpu.memory_space<hbm>> -> memref<10000x128xf32, #tpu.memory_space<hbm>>
      tpu.wait_indirect_dma semaphore(%arg12 : memref<!tpu.dma_semaphore, #tpu.memory_space<semaphore_mem>>) src(%dma_wait3A_84 : memref<10000x128xf32, #tpu.memory_space<hbm>>) dst(%arg9 : memref<128x128xf32, #tpu.memory_space<vmem>>)
      %dma_start3A_85 = arith.constant 0 : i32
      %dma_start3A_86 = tpu.memref_slice %arg8[%add3A_76, %dma_start3A_85] : memref<16x128xi32, #tpu.memory_space<vmem>> -> memref<1x128xi32, #tpu.memory_space<vmem>>
      %dma_start3A_87 = tpu.memref_squeeze %dma_start3A_86 : memref<1x128xi32, #tpu.memory_space<vmem>> -> memref<128xi32, #tpu.memory_space<vmem>>
      %dma_start3A_88 = arith.constant 0 : i32
      %dma_start3A_89 = arith.constant 0 : i32
      %dma_start3A_90 = tpu.memref_slice %arg11[%dma_start3A_88, %dma_start3A_89] : memref<10240x128xf32, #tpu.memory_space<vmem_shared>> -> memref<10240x128xf32, #tpu.memory_space<vmem_shared>>
      tpu.enqueue_indirect_dma source(%arg9 : memref<128x128xf32, #tpu.memory_space<vmem>>) target(%dma_start3A_90 : memref<10240x128xf32, #tpu.memory_space<vmem_shared>>) offsets(%dma_start3A_87 : memref<128xi32, #tpu.memory_space<vmem>>) semaphore(%arg14 : memref<!tpu.dma_semaphore, #tpu.memory_space<semaphore_mem>>) {add = true}
      %gt3A = arith.constant 0 : i32
      %gt3A_91 = arith.cmpi sgt, %while3A_40, %gt3A : i32
      %convert_element_type3A = arith.extui %gt3A_91 : i1 to i32
      %cond3A = arith.constant 0 : i32
      %cond3A_92 = arith.cmpi ne, %convert_element_type3A, %cond3A : i32
      scf.if %cond3A_92 {
        %dma_wait3A_311 = arith.constant 0 : i32
        %dma_wait3A_312 = tpu.memref_slice %arg8[%add3A_76, %dma_wait3A_311] : memref<16x128xi32, #tpu.memory_space<vmem>> -> memref<1x128xi32, #tpu.memory_space<vmem>>
        %dma_wait3A_313 = tpu.memref_squeeze %dma_wait3A_312 : memref<1x128xi32, #tpu.memory_space<vmem>> -> memref<128xi32, #tpu.memory_space<vmem>>
        %dma_wait3A_314 = arith.constant 0 : i32
        %dma_wait3A_315 = arith.constant 0 : i32
        %dma_wait3A_316 = tpu.memref_slice %arg11[%dma_wait3A_314, %dma_wait3A_315] : memref<10240x128xf32, #tpu.memory_space<vmem_shared>> -> memref<10240x128xf32, #tpu.memory_space<vmem_shared>>
        tpu.wait_indirect_dma semaphore(%arg15 : memref<!tpu.dma_semaphore, #tpu.memory_space<semaphore_mem>>) src(%arg10 : memref<128x128xf32, #tpu.memory_space<vmem>>) dst(%dma_wait3A_316 : memref<10240x128xf32, #tpu.memory_space<vmem_shared>>)
      } else {
      }
      %dma_start3A_93 = arith.constant 0 : i32
      %dma_start3A_94 = tpu.memref_slice %arg7[%add3A_78, %dma_start3A_93] : memref<16x128xi32, #tpu.memory_space<vmem>> -> memref<1x128xi32, #tpu.memory_space<vmem>>
      %dma_start3A_95 = tpu.memref_squeeze %dma_start3A_94 : memref<1x128xi32, #tpu.memory_space<vmem>> -> memref<128xi32, #tpu.memory_space<vmem>>
      %dma_start3A_96 = arith.constant 0 : i32
      %dma_start3A_97 = arith.constant 0 : i32
      %dma_start3A_98 = tpu.memref_slice %arg2[%dma_start3A_96, %dma_start3A_97] : memref<10000x128xf32, #tpu.memory_space<hbm>> -> memref<10000x128xf32, #tpu.memory_space<hbm>>
      tpu.enqueue_indirect_dma source(%dma_start3A_98 : memref<10000x128xf32, #tpu.memory_space<hbm>>) target(%arg10 : memref<128x128xf32, #tpu.memory_space<vmem>>) offsets(%dma_start3A_95 : memref<128xi32, #tpu.memory_space<vmem>>) semaphore(%arg13 : memref<!tpu.dma_semaphore, #tpu.memory_space<semaphore_mem>>)
      %add3A_99 = arith.constant 1 : i32
      %add3A_100 = arith.addi %while3A_40, %add3A_99 : i32
      %lt3A_101 = arith.cmpi slt, %add3A_100, %select_n3A : i32
      %convert_element_type3A_102 = arith.extui %lt3A_101 : i1 to i32
      %cond3A_103 = arith.constant 0 : i32
      %cond3A_104 = arith.cmpi ne, %convert_element_type3A_102, %cond3A_103 : i32
      scf.if %cond3A_104 {
        %add3A_311 = arith.addi %select_n3A_10, %while3A_40 : i32
        %add3A_312 = arith.constant 1 : i32
        %add3A_313 = arith.addi %add3A_311, %add3A_312 : i32
        %mul3A_314 = arith.constant 8 : i32
        %mul3A_315 = arith.muli %add3A_313, %mul3A_314 : i32
        "tpu.region"() ({
          %run_scoped3A = tpu.sem_alloc : memref<!tpu.dma_semaphore, #tpu.memory_space<semaphore_mem>>
          %dma_start3A_321 = arith.constant 0 : i32
          %dma_start3A_322 = tpu.memref_slice %arg7[%mul3A_74, %dma_start3A_321] : memref<16x128xi32, #tpu.memory_space<vmem>> -> memref<8x128xi32, #tpu.memory_space<vmem>>
          %dma_start3A_323 = arith.constant 0 : i32
          %dma_start3A_324 = tpu.memref_slice %arg3[%mul3A_315, %dma_start3A_323] : memref<2560x128xi32, #tpu.memory_space<hbm>> -> memref<8x128xi32, #tpu.memory_space<hbm>>
          %dma_start3A_325 = arith.constant 0 : i32
          %dma_start3A_326 = tpu.memref_slice %arg7[%mul3A_74, %dma_start3A_325] : memref<16x128xi32, #tpu.memory_space<vmem>> -> memref<8x128xi32, #tpu.memory_space<vmem>>
          %dma_start3A_327 = arith.constant 0 : i32
          %dma_start3A_328 = tpu.memref_slice %arg3[%mul3A_315, %dma_start3A_327] : memref<2560x128xi32, #tpu.memory_space<hbm>> -> memref<8x128xi32, #tpu.memory_space<hbm>>
          tpu.enqueue_dma source(%dma_start3A_328 : memref<8x128xi32, #tpu.memory_space<hbm>>) target(%dma_start3A_326 : memref<8x128xi32, #tpu.memory_space<vmem>>) target_semaphore(%run_scoped3A : memref<!tpu.dma_semaphore, #tpu.memory_space<semaphore_mem>>)
          %dma_wait3A_329 = arith.constant 0 : i32
          %dma_wait3A_330 = tpu.memref_slice %arg7[%mul3A_74, %dma_wait3A_329] : memref<16x128xi32, #tpu.memory_space<vmem>> -> memref<8x128xi32, #tpu.memory_space<vmem>>
          %dma_wait3A_331 = arith.constant 0 : i32
          %dma_wait3A_332 = tpu.memref_slice %arg3[%mul3A_315, %dma_wait3A_331] : memref<2560x128xi32, #tpu.memory_space<hbm>> -> memref<8x128xi32, #tpu.memory_space<hbm>>
          %dma_wait3A_333 = arith.constant 0 : i32
          %dma_wait3A_334 = tpu.memref_slice %arg7[%mul3A_74, %dma_wait3A_333] : memref<16x128xi32, #tpu.memory_space<vmem>> -> memref<8x128xi32, #tpu.memory_space<vmem>>
          %dma_wait3A_335 = arith.constant 0 : i32
          %dma_wait3A_336 = tpu.memref_slice %arg3[%mul3A_315, %dma_wait3A_335] : memref<2560x128xi32, #tpu.memory_space<hbm>> -> memref<8x128xi32, #tpu.memory_space<hbm>>
          tpu.wait_dma2 semaphore(%run_scoped3A : memref<!tpu.dma_semaphore, #tpu.memory_space<semaphore_mem>>) src(%dma_wait3A_336 : memref<8x128xi32, #tpu.memory_space<hbm>>) dst(%dma_wait3A_334 : memref<8x128xi32, #tpu.memory_space<vmem>>)
          tpu.yield
        }) : () -> ()
        %add3A_316 = arith.addi %select_n3A_10, %while3A_40 : i32
        %add3A_317 = arith.constant 1 : i32
        %add3A_318 = arith.addi %add3A_316, %add3A_317 : i32
        %mul3A_319 = arith.constant 8 : i32
        %mul3A_320 = arith.muli %add3A_318, %mul3A_319 : i32
        "tpu.region"() ({
          %run_scoped3A = tpu.sem_alloc : memref<!tpu.dma_semaphore, #tpu.memory_space<semaphore_mem>>
          %dma_start3A_321 = arith.constant 0 : i32
          %dma_start3A_322 = tpu.memref_slice %arg8[%mul3A_74, %dma_start3A_321] : memref<16x128xi32, #tpu.memory_space<vmem>> -> memref<8x128xi32, #tpu.memory_space<vmem>>
          %dma_start3A_323 = arith.constant 0 : i32
          %dma_start3A_324 = tpu.memref_slice %arg4[%mul3A_320, %dma_start3A_323] : memref<2560x128xi32, #tpu.memory_space<hbm>> -> memref<8x128xi32, #tpu.memory_space<hbm>>
          %dma_start3A_325 = arith.constant 0 : i32
          %dma_start3A_326 = tpu.memref_slice %arg8[%mul3A_74, %dma_start3A_325] : memref<16x128xi32, #tpu.memory_space<vmem>> -> memref<8x128xi32, #tpu.memory_space<vmem>>
          %dma_start3A_327 = arith.constant 0 : i32
          %dma_start3A_328 = tpu.memref_slice %arg4[%mul3A_320, %dma_start3A_327] : memref<2560x128xi32, #tpu.memory_space<hbm>> -> memref<8x128xi32, #tpu.memory_space<hbm>>
          tpu.enqueue_dma source(%dma_start3A_328 : memref<8x128xi32, #tpu.memory_space<hbm>>) target(%dma_start3A_326 : memref<8x128xi32, #tpu.memory_space<vmem>>) target_semaphore(%run_scoped3A : memref<!tpu.dma_semaphore, #tpu.memory_space<semaphore_mem>>)
          %dma_wait3A_329 = arith.constant 0 : i32
          %dma_wait3A_330 = tpu.memref_slice %arg8[%mul3A_74, %dma_wait3A_329] : memref<16x128xi32, #tpu.memory_space<vmem>> -> memref<8x128xi32, #tpu.memory_space<vmem>>
          %dma_wait3A_331 = arith.constant 0 : i32
          %dma_wait3A_332 = tpu.memref_slice %arg4[%mul3A_320, %dma_wait3A_331] : memref<2560x128xi32, #tpu.memory_space<hbm>> -> memref<8x128xi32, #tpu.memory_space<hbm>>
          %dma_wait3A_333 = arith.constant 0 : i32
          %dma_wait3A_334 = tpu.memref_slice %arg8[%mul3A_74, %dma_wait3A_333] : memref<16x128xi32, #tpu.memory_space<vmem>> -> memref<8x128xi32, #tpu.memory_space<vmem>>
          %dma_wait3A_335 = arith.constant 0 : i32
          %dma_wait3A_336 = tpu.memref_slice %arg4[%mul3A_320, %dma_wait3A_335] : memref<2560x128xi32, #tpu.memory_space<hbm>> -> memref<8x128xi32, #tpu.memory_space<hbm>>
          tpu.wait_dma2 semaphore(%run_scoped3A : memref<!tpu.dma_semaphore, #tpu.memory_space<semaphore_mem>>) src(%dma_wait3A_336 : memref<8x128xi32, #tpu.memory_space<hbm>>) dst(%dma_wait3A_334 : memref<8x128xi32, #tpu.memory_space<vmem>>)
          tpu.yield
        }) : () -> ()
      } else {
      }
      %add3A_105 = arith.constant 1 : i32
      %add3A_106 = arith.addi %mul3A_54, %add3A_105 : i32
      %add3A_107 = arith.constant 1 : i32
      %add3A_108 = arith.addi %add3A_106, %add3A_107 : i32
      %add3A_109 = arith.constant 1 : i32
      %add3A_110 = arith.addi %mul3A_54, %add3A_109 : i32
      %dma_wait3A_111 = arith.constant 0 : i32
      %dma_wait3A_112 = tpu.memref_slice %arg7[%add3A_110, %dma_wait3A_111] : memref<16x128xi32, #tpu.memory_space<vmem>> -> memref<1x128xi32, #tpu.memory_space<vmem>>
      %dma_wait3A_113 = tpu.memref_squeeze %dma_wait3A_112 : memref<1x128xi32, #tpu.memory_space<vmem>> -> memref<128xi32, #tpu.memory_space<vmem>>
      %dma_wait3A_114 = arith.constant 0 : i32
      %dma_wait3A_115 = arith.constant 0 : i32
      %dma_wait3A_116 = tpu.memref_slice %arg2[%dma_wait3A_114, %dma_wait3A_115] : memref<10000x128xf32, #tpu.memory_space<hbm>> -> memref<10000x128xf32, #tpu.memory_space<hbm>>
      tpu.wait_indirect_dma semaphore(%arg13 : memref<!tpu.dma_semaphore, #tpu.memory_space<semaphore_mem>>) src(%dma_wait3A_116 : memref<10000x128xf32, #tpu.memory_space<hbm>>) dst(%arg10 : memref<128x128xf32, #tpu.memory_space<vmem>>)
      %dma_start3A_117 = arith.constant 0 : i32
      %dma_start3A_118 = tpu.memref_slice %arg8[%add3A_110, %dma_start3A_117] : memref<16x128xi32, #tpu.memory_space<vmem>> -> memref<1x128xi32, #tpu.memory_space<vmem>>
      %dma_start3A_119 = tpu.memref_squeeze %dma_start3A_118 : memref<1x128xi32, #tpu.memory_space<vmem>> -> memref<128xi32, #tpu.memory_space<vmem>>
      %dma_start3A_120 = arith.constant 0 : i32
      %dma_start3A_121 = arith.constant 0 : i32
      %dma_start3A_122 = tpu.memref_slice %arg11[%dma_start3A_120, %dma_start3A_121] : memref<10240x128xf32, #tpu.memory_space<vmem_shared>> -> memref<10240x128xf32, #tpu.memory_space<vmem_shared>>
      tpu.enqueue_indirect_dma source(%arg10 : memref<128x128xf32, #tpu.memory_space<vmem>>) target(%dma_start3A_122 : memref<10240x128xf32, #tpu.memory_space<vmem_shared>>) offsets(%dma_start3A_119 : memref<128xi32, #tpu.memory_space<vmem>>) semaphore(%arg15 : memref<!tpu.dma_semaphore, #tpu.memory_space<semaphore_mem>>) {add = true}
      %dma_wait3A_123 = arith.constant 0 : i32
      %dma_wait3A_124 = tpu.memref_slice %arg8[%add3A_110, %dma_wait3A_123] : memref<16x128xi32, #tpu.memory_space<vmem>> -> memref<1x128xi32, #tpu.memory_space<vmem>>
      %dma_wait3A_125 = tpu.memref_squeeze %dma_wait3A_124 : memref<1x128xi32, #tpu.memory_space<vmem>> -> memref<128xi32, #tpu.memory_space<vmem>>
      %dma_wait3A_126 = arith.constant 0 : i32
      %dma_wait3A_127 = arith.constant 0 : i32
      %dma_wait3A_128 = tpu.memref_slice %arg11[%dma_wait3A_126, %dma_wait3A_127] : memref<10240x128xf32, #tpu.memory_space<vmem_shared>> -> memref<10240x128xf32, #tpu.memory_space<vmem_shared>>
      tpu.wait_indirect_dma semaphore(%arg14 : memref<!tpu.dma_semaphore, #tpu.memory_space<semaphore_mem>>) src(%arg9 : memref<128x128xf32, #tpu.memory_space<vmem>>) dst(%dma_wait3A_128 : memref<10240x128xf32, #tpu.memory_space<vmem_shared>>)
      %dma_start3A_129 = arith.constant 0 : i32
      %dma_start3A_130 = tpu.memref_slice %arg7[%add3A_108, %dma_start3A_129] : memref<16x128xi32, #tpu.memory_space<vmem>> -> memref<1x128xi32, #tpu.memory_space<vmem>>
      %dma_start3A_131 = tpu.memref_squeeze %dma_start3A_130 : memref<1x128xi32, #tpu.memory_space<vmem>> -> memref<128xi32, #tpu.memory_space<vmem>>
      %dma_start3A_132 = arith.constant 0 : i32
      %dma_start3A_133 = arith.constant 0 : i32
      %dma_start3A_134 = tpu.memref_slice %arg2[%dma_start3A_132, %dma_start3A_133] : memref<10000x128xf32, #tpu.memory_space<hbm>> -> memref<10000x128xf32, #tpu.memory_space<hbm>>
      tpu.enqueue_indirect_dma source(%dma_start3A_134 : memref<10000x128xf32, #tpu.memory_space<hbm>>) target(%arg9 : memref<128x128xf32, #tpu.memory_space<vmem>>) offsets(%dma_start3A_131 : memref<128xi32, #tpu.memory_space<vmem>>) semaphore(%arg12 : memref<!tpu.dma_semaphore, #tpu.memory_space<semaphore_mem>>)
      %add3A_135 = arith.constant 2 : i32
      %add3A_136 = arith.addi %mul3A_54, %add3A_135 : i32
      %add3A_137 = arith.constant 1 : i32
      %add3A_138 = arith.addi %add3A_136, %add3A_137 : i32
      %add3A_139 = arith.constant 2 : i32
      %add3A_140 = arith.addi %mul3A_54, %add3A_139 : i32
      %dma_wait3A_141 = arith.constant 0 : i32
      %dma_wait3A_142 = tpu.memref_slice %arg7[%add3A_140, %dma_wait3A_141] : memref<16x128xi32, #tpu.memory_space<vmem>> -> memref<1x128xi32, #tpu.memory_space<vmem>>
      %dma_wait3A_143 = tpu.memref_squeeze %dma_wait3A_142 : memref<1x128xi32, #tpu.memory_space<vmem>> -> memref<128xi32, #tpu.memory_space<vmem>>
      %dma_wait3A_144 = arith.constant 0 : i32
      %dma_wait3A_145 = arith.constant 0 : i32
      %dma_wait3A_146 = tpu.memref_slice %arg2[%dma_wait3A_144, %dma_wait3A_145] : memref<10000x128xf32, #tpu.memory_space<hbm>> -> memref<10000x128xf32, #tpu.memory_space<hbm>>
      tpu.wait_indirect_dma semaphore(%arg12 : memref<!tpu.dma_semaphore, #tpu.memory_space<semaphore_mem>>) src(%dma_wait3A_146 : memref<10000x128xf32, #tpu.memory_space<hbm>>) dst(%arg9 : memref<128x128xf32, #tpu.memory_space<vmem>>)
      %dma_start3A_147 = arith.constant 0 : i32
      %dma_start3A_148 = tpu.memref_slice %arg8[%add3A_140, %dma_start3A_147] : memref<16x128xi32, #tpu.memory_space<vmem>> -> memref<1x128xi32, #tpu.memory_space<vmem>>
      %dma_start3A_149 = tpu.memref_squeeze %dma_start3A_148 : memref<1x128xi32, #tpu.memory_space<vmem>> -> memref<128xi32, #tpu.memory_space<vmem>>
      %dma_start3A_150 = arith.constant 0 : i32
      %dma_start3A_151 = arith.constant 0 : i32
      %dma_start3A_152 = tpu.memref_slice %arg11[%dma_start3A_150, %dma_start3A_151] : memref<10240x128xf32, #tpu.memory_space<vmem_shared>> -> memref<10240x128xf32, #tpu.memory_space<vmem_shared>>
      tpu.enqueue_indirect_dma source(%arg9 : memref<128x128xf32, #tpu.memory_space<vmem>>) target(%dma_start3A_152 : memref<10240x128xf32, #tpu.memory_space<vmem_shared>>) offsets(%dma_start3A_149 : memref<128xi32, #tpu.memory_space<vmem>>) semaphore(%arg14 : memref<!tpu.dma_semaphore, #tpu.memory_space<semaphore_mem>>) {add = true}
      %dma_wait3A_153 = arith.constant 0 : i32
      %dma_wait3A_154 = tpu.memref_slice %arg8[%add3A_140, %dma_wait3A_153] : memref<16x128xi32, #tpu.memory_space<vmem>> -> memref<1x128xi32, #tpu.memory_space<vmem>>
      %dma_wait3A_155 = tpu.memref_squeeze %dma_wait3A_154 : memref<1x128xi32, #tpu.memory_space<vmem>> -> memref<128xi32, #tpu.memory_space<vmem>>
      %dma_wait3A_156 = arith.constant 0 : i32
      %dma_wait3A_157 = arith.constant 0 : i32
      %dma_wait3A_158 = tpu.memref_slice %arg11[%dma_wait3A_156, %dma_wait3A_157] : memref<10240x128xf32, #tpu.memory_space<vmem_shared>> -> memref<10240x128xf32, #tpu.memory_space<vmem_shared>>
      tpu.wait_indirect_dma semaphore(%arg15 : memref<!tpu.dma_semaphore, #tpu.memory_space<semaphore_mem>>) src(%arg10 : memref<128x128xf32, #tpu.memory_space<vmem>>) dst(%dma_wait3A_158 : memref<10240x128xf32, #tpu.memory_space<vmem_shared>>)
      %dma_start3A_159 = arith.constant 0 : i32
      %dma_start3A_160 = tpu.memref_slice %arg7[%add3A_138, %dma_start3A_159] : memref<16x128xi32, #tpu.memory_space<vmem>> -> memref<1x128xi32, #tpu.memory_space<vmem>>
      %dma_start3A_161 = tpu.memref_squeeze %dma_start3A_160 : memref<1x128xi32, #tpu.memory_space<vmem>> -> memref<128xi32, #tpu.memory_space<vmem>>
      %dma_start3A_162 = arith.constant 0 : i32
      %dma_start3A_163 = arith.constant 0 : i32
      %dma_start3A_164 = tpu.memref_slice %arg2[%dma_start3A_162, %dma_start3A_163] : memref<10000x128xf32, #tpu.memory_space<hbm>> -> memref<10000x128xf32, #tpu.memory_space<hbm>>
      tpu.enqueue_indirect_dma source(%dma_start3A_164 : memref<10000x128xf32, #tpu.memory_space<hbm>>) target(%arg10 : memref<128x128xf32, #tpu.memory_space<vmem>>) offsets(%dma_start3A_161 : memref<128xi32, #tpu.memory_space<vmem>>) semaphore(%arg13 : memref<!tpu.dma_semaphore, #tpu.memory_space<semaphore_mem>>)
      %add3A_165 = arith.constant 3 : i32
      %add3A_166 = arith.addi %mul3A_54, %add3A_165 : i32
      %add3A_167 = arith.constant 1 : i32
      %add3A_168 = arith.addi %add3A_166, %add3A_167 : i32
      %add3A_169 = arith.constant 3 : i32
      %add3A_170 = arith.addi %mul3A_54, %add3A_169 : i32
      %dma_wait3A_171 = arith.constant 0 : i32
      %dma_wait3A_172 = tpu.memref_slice %arg7[%add3A_170, %dma_wait3A_171] : memref<16x128xi32, #tpu.memory_space<vmem>> -> memref<1x128xi32, #tpu.memory_space<vmem>>
      %dma_wait3A_173 = tpu.memref_squeeze %dma_wait3A_172 : memref<1x128xi32, #tpu.memory_space<vmem>> -> memref<128xi32, #tpu.memory_space<vmem>>
      %dma_wait3A_174 = arith.constant 0 : i32
      %dma_wait3A_175 = arith.constant 0 : i32
      %dma_wait3A_176 = tpu.memref_slice %arg2[%dma_wait3A_174, %dma_wait3A_175] : memref<10000x128xf32, #tpu.memory_space<hbm>> -> memref<10000x128xf32, #tpu.memory_space<hbm>>
      tpu.wait_indirect_dma semaphore(%arg13 : memref<!tpu.dma_semaphore, #tpu.memory_space<semaphore_mem>>) src(%dma_wait3A_176 : memref<10000x128xf32, #tpu.memory_space<hbm>>) dst(%arg10 : memref<128x128xf32, #tpu.memory_space<vmem>>)
      %dma_start3A_177 = arith.constant 0 : i32
      %dma_start3A_178 = tpu.memref_slice %arg8[%add3A_170, %dma_start3A_177] : memref<16x128xi32, #tpu.memory_space<vmem>> -> memref<1x128xi32, #tpu.memory_space<vmem>>
      %dma_start3A_179 = tpu.memref_squeeze %dma_start3A_178 : memref<1x128xi32, #tpu.memory_space<vmem>> -> memref<128xi32, #tpu.memory_space<vmem>>
      %dma_start3A_180 = arith.constant 0 : i32
      %dma_start3A_181 = arith.constant 0 : i32
      %dma_start3A_182 = tpu.memref_slice %arg11[%dma_start3A_180, %dma_start3A_181] : memref<10240x128xf32, #tpu.memory_space<vmem_shared>> -> memref<10240x128xf32, #tpu.memory_space<vmem_shared>>
      tpu.enqueue_indirect_dma source(%arg10 : memref<128x128xf32, #tpu.memory_space<vmem>>) target(%dma_start3A_182 : memref<10240x128xf32, #tpu.memory_space<vmem_shared>>) offsets(%dma_start3A_179 : memref<128xi32, #tpu.memory_space<vmem>>) semaphore(%arg15 : memref<!tpu.dma_semaphore, #tpu.memory_space<semaphore_mem>>) {add = true}
      %dma_wait3A_183 = arith.constant 0 : i32
      %dma_wait3A_184 = tpu.memref_slice %arg8[%add3A_170, %dma_wait3A_183] : memref<16x128xi32, #tpu.memory_space<vmem>> -> memref<1x128xi32, #tpu.memory_space<vmem>>
      %dma_wait3A_185 = tpu.memref_squeeze %dma_wait3A_184 : memref<1x128xi32, #tpu.memory_space<vmem>> -> memref<128xi32, #tpu.memory_space<vmem>>
      %dma_wait3A_186 = arith.constant 0 : i32
      %dma_wait3A_187 = arith.constant 0 : i32
      %dma_wait3A_188 = tpu.memref_slice %arg11[%dma_wait3A_186, %dma_wait3A_187] : memref<10240x128xf32, #tpu.memory_space<vmem_shared>> -> memref<10240x128xf32, #tpu.memory_space<vmem_shared>>
      tpu.wait_indirect_dma semaphore(%arg14 : memref<!tpu.dma_semaphore, #tpu.memory_space<semaphore_mem>>) src(%arg9 : memref<128x128xf32, #tpu.memory_space<vmem>>) dst(%dma_wait3A_188 : memref<10240x128xf32, #tpu.memory_space<vmem_shared>>)
      %dma_start3A_189 = arith.constant 0 : i32
      %dma_start3A_190 = tpu.memref_slice %arg7[%add3A_168, %dma_start3A_189] : memref<16x128xi32, #tpu.memory_space<vmem>> -> memref<1x128xi32, #tpu.memory_space<vmem>>
      %dma_start3A_191 = tpu.memref_squeeze %dma_start3A_190 : memref<1x128xi32, #tpu.memory_space<vmem>> -> memref<128xi32, #tpu.memory_space<vmem>>
      %dma_start3A_192 = arith.constant 0 : i32
      %dma_start3A_193 = arith.constant 0 : i32
      %dma_start3A_194 = tpu.memref_slice %arg2[%dma_start3A_192, %dma_start3A_193] : memref<10000x128xf32, #tpu.memory_space<hbm>> -> memref<10000x128xf32, #tpu.memory_space<hbm>>
      tpu.enqueue_indirect_dma source(%dma_start3A_194 : memref<10000x128xf32, #tpu.memory_space<hbm>>) target(%arg9 : memref<128x128xf32, #tpu.memory_space<vmem>>) offsets(%dma_start3A_191 : memref<128xi32, #tpu.memory_space<vmem>>) semaphore(%arg12 : memref<!tpu.dma_semaphore, #tpu.memory_space<semaphore_mem>>)
      %add3A_195 = arith.constant 4 : i32
      %add3A_196 = arith.addi %mul3A_54, %add3A_195 : i32
      %add3A_197 = arith.constant 1 : i32
      %add3A_198 = arith.addi %add3A_196, %add3A_197 : i32
      %add3A_199 = arith.constant 4 : i32
      %add3A_200 = arith.addi %mul3A_54, %add3A_199 : i32
      %dma_wait3A_201 = arith.constant 0 : i32
      %dma_wait3A_202 = tpu.memref_slice %arg7[%add3A_200, %dma_wait3A_201] : memref<16x128xi32, #tpu.memory_space<vmem>> -> memref<1x128xi32, #tpu.memory_space<vmem>>
      %dma_wait3A_203 = tpu.memref_squeeze %dma_wait3A_202 : memref<1x128xi32, #tpu.memory_space<vmem>> -> memref<128xi32, #tpu.memory_space<vmem>>
      %dma_wait3A_204 = arith.constant 0 : i32
      %dma_wait3A_205 = arith.constant 0 : i32
      %dma_wait3A_206 = tpu.memref_slice %arg2[%dma_wait3A_204, %dma_wait3A_205] : memref<10000x128xf32, #tpu.memory_space<hbm>> -> memref<10000x128xf32, #tpu.memory_space<hbm>>
      tpu.wait_indirect_dma semaphore(%arg12 : memref<!tpu.dma_semaphore, #tpu.memory_space<semaphore_mem>>) src(%dma_wait3A_206 : memref<10000x128xf32, #tpu.memory_space<hbm>>) dst(%arg9 : memref<128x128xf32, #tpu.memory_space<vmem>>)
      %dma_start3A_207 = arith.constant 0 : i32
      %dma_start3A_208 = tpu.memref_slice %arg8[%add3A_200, %dma_start3A_207] : memref<16x128xi32, #tpu.memory_space<vmem>> -> memref<1x128xi32, #tpu.memory_space<vmem>>
      %dma_start3A_209 = tpu.memref_squeeze %dma_start3A_208 : memref<1x128xi32, #tpu.memory_space<vmem>> -> memref<128xi32, #tpu.memory_space<vmem>>
      %dma_start3A_210 = arith.constant 0 : i32
      %dma_start3A_211 = arith.constant 0 : i32
      %dma_start3A_212 = tpu.memref_slice %arg11[%dma_start3A_210, %dma_start3A_211] : memref<10240x128xf32, #tpu.memory_space<vmem_shared>> -> memref<10240x128xf32, #tpu.memory_space<vmem_shared>>
      tpu.enqueue_indirect_dma source(%arg9 : memref<128x128xf32, #tpu.memory_space<vmem>>) target(%dma_start3A_212 : memref<10240x128xf32, #tpu.memory_space<vmem_shared>>) offsets(%dma_start3A_209 : memref<128xi32, #tpu.memory_space<vmem>>) semaphore(%arg14 : memref<!tpu.dma_semaphore, #tpu.memory_space<semaphore_mem>>) {add = true}
      %dma_wait3A_213 = arith.constant 0 : i32
      %dma_wait3A_214 = tpu.memref_slice %arg8[%add3A_200, %dma_wait3A_213] : memref<16x128xi32, #tpu.memory_space<vmem>> -> memref<1x128xi32, #tpu.memory_space<vmem>>
      %dma_wait3A_215 = tpu.memref_squeeze %dma_wait3A_214 : memref<1x128xi32, #tpu.memory_space<vmem>> -> memref<128xi32, #tpu.memory_space<vmem>>
      %dma_wait3A_216 = arith.constant 0 : i32
      %dma_wait3A_217 = arith.constant 0 : i32
      %dma_wait3A_218 = tpu.memref_slice %arg11[%dma_wait3A_216, %dma_wait3A_217] : memref<10240x128xf32, #tpu.memory_space<vmem_shared>> -> memref<10240x128xf32, #tpu.memory_space<vmem_shared>>
      tpu.wait_indirect_dma semaphore(%arg15 : memref<!tpu.dma_semaphore, #tpu.memory_space<semaphore_mem>>) src(%arg10 : memref<128x128xf32, #tpu.memory_space<vmem>>) dst(%dma_wait3A_218 : memref<10240x128xf32, #tpu.memory_space<vmem_shared>>)
      %dma_start3A_219 = arith.constant 0 : i32
      %dma_start3A_220 = tpu.memref_slice %arg7[%add3A_198, %dma_start3A_219] : memref<16x128xi32, #tpu.memory_space<vmem>> -> memref<1x128xi32, #tpu.memory_space<vmem>>
      %dma_start3A_221 = tpu.memref_squeeze %dma_start3A_220 : memref<1x128xi32, #tpu.memory_space<vmem>> -> memref<128xi32, #tpu.memory_space<vmem>>
      %dma_start3A_222 = arith.constant 0 : i32
      %dma_start3A_223 = arith.constant 0 : i32
      %dma_start3A_224 = tpu.memref_slice %arg2[%dma_start3A_222, %dma_start3A_223] : memref<10000x128xf32, #tpu.memory_space<hbm>> -> memref<10000x128xf32, #tpu.memory_space<hbm>>
      tpu.enqueue_indirect_dma source(%dma_start3A_224 : memref<10000x128xf32, #tpu.memory_space<hbm>>) target(%arg10 : memref<128x128xf32, #tpu.memory_space<vmem>>) offsets(%dma_start3A_221 : memref<128xi32, #tpu.memory_space<vmem>>) semaphore(%arg13 : memref<!tpu.dma_semaphore, #tpu.memory_space<semaphore_mem>>)
      %add3A_225 = arith.constant 5 : i32
      %add3A_226 = arith.addi %mul3A_54, %add3A_225 : i32
      %add3A_227 = arith.constant 1 : i32
      %add3A_228 = arith.addi %add3A_226, %add3A_227 : i32
      %add3A_229 = arith.constant 5 : i32
      %add3A_230 = arith.addi %mul3A_54, %add3A_229 : i32
      %dma_wait3A_231 = arith.constant 0 : i32
      %dma_wait3A_232 = tpu.memref_slice %arg7[%add3A_230, %dma_wait3A_231] : memref<16x128xi32, #tpu.memory_space<vmem>> -> memref<1x128xi32, #tpu.memory_space<vmem>>
      %dma_wait3A_233 = tpu.memref_squeeze %dma_wait3A_232 : memref<1x128xi32, #tpu.memory_space<vmem>> -> memref<128xi32, #tpu.memory_space<vmem>>
      %dma_wait3A_234 = arith.constant 0 : i32
      %dma_wait3A_235 = arith.constant 0 : i32
      %dma_wait3A_236 = tpu.memref_slice %arg2[%dma_wait3A_234, %dma_wait3A_235] : memref<10000x128xf32, #tpu.memory_space<hbm>> -> memref<10000x128xf32, #tpu.memory_space<hbm>>
      tpu.wait_indirect_dma semaphore(%arg13 : memref<!tpu.dma_semaphore, #tpu.memory_space<semaphore_mem>>) src(%dma_wait3A_236 : memref<10000x128xf32, #tpu.memory_space<hbm>>) dst(%arg10 : memref<128x128xf32, #tpu.memory_space<vmem>>)
      %dma_start3A_237 = arith.constant 0 : i32
      %dma_start3A_238 = tpu.memref_slice %arg8[%add3A_230, %dma_start3A_237] : memref<16x128xi32, #tpu.memory_space<vmem>> -> memref<1x128xi32, #tpu.memory_space<vmem>>
      %dma_start3A_239 = tpu.memref_squeeze %dma_start3A_238 : memref<1x128xi32, #tpu.memory_space<vmem>> -> memref<128xi32, #tpu.memory_space<vmem>>
      %dma_start3A_240 = arith.constant 0 : i32
      %dma_start3A_241 = arith.constant 0 : i32
      %dma_start3A_242 = tpu.memref_slice %arg11[%dma_start3A_240, %dma_start3A_241] : memref<10240x128xf32, #tpu.memory_space<vmem_shared>> -> memref<10240x128xf32, #tpu.memory_space<vmem_shared>>
      tpu.enqueue_indirect_dma source(%arg10 : memref<128x128xf32, #tpu.memory_space<vmem>>) target(%dma_start3A_242 : memref<10240x128xf32, #tpu.memory_space<vmem_shared>>) offsets(%dma_start3A_239 : memref<128xi32, #tpu.memory_space<vmem>>) semaphore(%arg15 : memref<!tpu.dma_semaphore, #tpu.memory_space<semaphore_mem>>) {add = true}
      %dma_wait3A_243 = arith.constant 0 : i32
      %dma_wait3A_244 = tpu.memref_slice %arg8[%add3A_230, %dma_wait3A_243] : memref<16x128xi32, #tpu.memory_space<vmem>> -> memref<1x128xi32, #tpu.memory_space<vmem>>
      %dma_wait3A_245 = tpu.memref_squeeze %dma_wait3A_244 : memref<1x128xi32, #tpu.memory_space<vmem>> -> memref<128xi32, #tpu.memory_space<vmem>>
      %dma_wait3A_246 = arith.constant 0 : i32
      %dma_wait3A_247 = arith.constant 0 : i32
      %dma_wait3A_248 = tpu.memref_slice %arg11[%dma_wait3A_246, %dma_wait3A_247] : memref<10240x128xf32, #tpu.memory_space<vmem_shared>> -> memref<10240x128xf32, #tpu.memory_space<vmem_shared>>
      tpu.wait_indirect_dma semaphore(%arg14 : memref<!tpu.dma_semaphore, #tpu.memory_space<semaphore_mem>>) src(%arg9 : memref<128x128xf32, #tpu.memory_space<vmem>>) dst(%dma_wait3A_248 : memref<10240x128xf32, #tpu.memory_space<vmem_shared>>)
      %dma_start3A_249 = arith.constant 0 : i32
      %dma_start3A_250 = tpu.memref_slice %arg7[%add3A_228, %dma_start3A_249] : memref<16x128xi32, #tpu.memory_space<vmem>> -> memref<1x128xi32, #tpu.memory_space<vmem>>
      %dma_start3A_251 = tpu.memref_squeeze %dma_start3A_250 : memref<1x128xi32, #tpu.memory_space<vmem>> -> memref<128xi32, #tpu.memory_space<vmem>>
      %dma_start3A_252 = arith.constant 0 : i32
      %dma_start3A_253 = arith.constant 0 : i32
      %dma_start3A_254 = tpu.memref_slice %arg2[%dma_start3A_252, %dma_start3A_253] : memref<10000x128xf32, #tpu.memory_space<hbm>> -> memref<10000x128xf32, #tpu.memory_space<hbm>>
      tpu.enqueue_indirect_dma source(%dma_start3A_254 : memref<10000x128xf32, #tpu.memory_space<hbm>>) target(%arg9 : memref<128x128xf32, #tpu.memory_space<vmem>>) offsets(%dma_start3A_251 : memref<128xi32, #tpu.memory_space<vmem>>) semaphore(%arg12 : memref<!tpu.dma_semaphore, #tpu.memory_space<semaphore_mem>>)
      %add3A_255 = arith.constant 6 : i32
      %add3A_256 = arith.addi %mul3A_54, %add3A_255 : i32
      %add3A_257 = arith.constant 1 : i32
      %add3A_258 = arith.addi %add3A_256, %add3A_257 : i32
      %add3A_259 = arith.constant 6 : i32
      %add3A_260 = arith.addi %mul3A_54, %add3A_259 : i32
      %dma_wait3A_261 = arith.constant 0 : i32
      %dma_wait3A_262 = tpu.memref_slice %arg7[%add3A_260, %dma_wait3A_261] : memref<16x128xi32, #tpu.memory_space<vmem>> -> memref<1x128xi32, #tpu.memory_space<vmem>>
      %dma_wait3A_263 = tpu.memref_squeeze %dma_wait3A_262 : memref<1x128xi32, #tpu.memory_space<vmem>> -> memref<128xi32, #tpu.memory_space<vmem>>
      %dma_wait3A_264 = arith.constant 0 : i32
      %dma_wait3A_265 = arith.constant 0 : i32
      %dma_wait3A_266 = tpu.memref_slice %arg2[%dma_wait3A_264, %dma_wait3A_265] : memref<10000x128xf32, #tpu.memory_space<hbm>> -> memref<10000x128xf32, #tpu.memory_space<hbm>>
      tpu.wait_indirect_dma semaphore(%arg12 : memref<!tpu.dma_semaphore, #tpu.memory_space<semaphore_mem>>) src(%dma_wait3A_266 : memref<10000x128xf32, #tpu.memory_space<hbm>>) dst(%arg9 : memref<128x128xf32, #tpu.memory_space<vmem>>)
      %dma_start3A_267 = arith.constant 0 : i32
      %dma_start3A_268 = tpu.memref_slice %arg8[%add3A_260, %dma_start3A_267] : memref<16x128xi32, #tpu.memory_space<vmem>> -> memref<1x128xi32, #tpu.memory_space<vmem>>
      %dma_start3A_269 = tpu.memref_squeeze %dma_start3A_268 : memref<1x128xi32, #tpu.memory_space<vmem>> -> memref<128xi32, #tpu.memory_space<vmem>>
      %dma_start3A_270 = arith.constant 0 : i32
      %dma_start3A_271 = arith.constant 0 : i32
      %dma_start3A_272 = tpu.memref_slice %arg11[%dma_start3A_270, %dma_start3A_271] : memref<10240x128xf32, #tpu.memory_space<vmem_shared>> -> memref<10240x128xf32, #tpu.memory_space<vmem_shared>>
      tpu.enqueue_indirect_dma source(%arg9 : memref<128x128xf32, #tpu.memory_space<vmem>>) target(%dma_start3A_272 : memref<10240x128xf32, #tpu.memory_space<vmem_shared>>) offsets(%dma_start3A_269 : memref<128xi32, #tpu.memory_space<vmem>>) semaphore(%arg14 : memref<!tpu.dma_semaphore, #tpu.memory_space<semaphore_mem>>) {add = true}
      %dma_wait3A_273 = arith.constant 0 : i32
      %dma_wait3A_274 = tpu.memref_slice %arg8[%add3A_260, %dma_wait3A_273] : memref<16x128xi32, #tpu.memory_space<vmem>> -> memref<1x128xi32, #tpu.memory_space<vmem>>
      %dma_wait3A_275 = tpu.memref_squeeze %dma_wait3A_274 : memref<1x128xi32, #tpu.memory_space<vmem>> -> memref<128xi32, #tpu.memory_space<vmem>>
      %dma_wait3A_276 = arith.constant 0 : i32
      %dma_wait3A_277 = arith.constant 0 : i32
      %dma_wait3A_278 = tpu.memref_slice %arg11[%dma_wait3A_276, %dma_wait3A_277] : memref<10240x128xf32, #tpu.memory_space<vmem_shared>> -> memref<10240x128xf32, #tpu.memory_space<vmem_shared>>
      tpu.wait_indirect_dma semaphore(%arg15 : memref<!tpu.dma_semaphore, #tpu.memory_space<semaphore_mem>>) src(%arg10 : memref<128x128xf32, #tpu.memory_space<vmem>>) dst(%dma_wait3A_278 : memref<10240x128xf32, #tpu.memory_space<vmem_shared>>)
      %dma_start3A_279 = arith.constant 0 : i32
      %dma_start3A_280 = tpu.memref_slice %arg7[%add3A_258, %dma_start3A_279] : memref<16x128xi32, #tpu.memory_space<vmem>> -> memref<1x128xi32, #tpu.memory_space<vmem>>
      %dma_start3A_281 = tpu.memref_squeeze %dma_start3A_280 : memref<1x128xi32, #tpu.memory_space<vmem>> -> memref<128xi32, #tpu.memory_space<vmem>>
      %dma_start3A_282 = arith.constant 0 : i32
      %dma_start3A_283 = arith.constant 0 : i32
      %dma_start3A_284 = tpu.memref_slice %arg2[%dma_start3A_282, %dma_start3A_283] : memref<10000x128xf32, #tpu.memory_space<hbm>> -> memref<10000x128xf32, #tpu.memory_space<hbm>>
      tpu.enqueue_indirect_dma source(%dma_start3A_284 : memref<10000x128xf32, #tpu.memory_space<hbm>>) target(%arg10 : memref<128x128xf32, #tpu.memory_space<vmem>>) offsets(%dma_start3A_281 : memref<128xi32, #tpu.memory_space<vmem>>) semaphore(%arg13 : memref<!tpu.dma_semaphore, #tpu.memory_space<semaphore_mem>>)
      %add3A_285 = arith.constant 7 : i32
      %add3A_286 = arith.addi %mul3A_54, %add3A_285 : i32
      %dma_wait3A_287 = arith.constant 0 : i32
      %dma_wait3A_288 = tpu.memref_slice %arg7[%add3A_286, %dma_wait3A_287] : memref<16x128xi32, #tpu.memory_space<vmem>> -> memref<1x128xi32, #tpu.memory_space<vmem>>
      %dma_wait3A_289 = tpu.memref_squeeze %dma_wait3A_288 : memref<1x128xi32, #tpu.memory_space<vmem>> -> memref<128xi32, #tpu.memory_space<vmem>>
      %dma_wait3A_290 = arith.constant 0 : i32
      %dma_wait3A_291 = arith.constant 0 : i32
      %dma_wait3A_292 = tpu.memref_slice %arg2[%dma_wait3A_290, %dma_wait3A_291] : memref<10000x128xf32, #tpu.memory_space<hbm>> -> memref<10000x128xf32, #tpu.memory_space<hbm>>
      tpu.wait_indirect_dma semaphore(%arg13 : memref<!tpu.dma_semaphore, #tpu.memory_space<semaphore_mem>>) src(%dma_wait3A_292 : memref<10000x128xf32, #tpu.memory_space<hbm>>) dst(%arg10 : memref<128x128xf32, #tpu.memory_space<vmem>>)
      %dma_start3A_293 = arith.constant 0 : i32
      %dma_start3A_294 = tpu.memref_slice %arg8[%add3A_286, %dma_start3A_293] : memref<16x128xi32, #tpu.memory_space<vmem>> -> memref<1x128xi32, #tpu.memory_space<vmem>>
      %dma_start3A_295 = tpu.memref_squeeze %dma_start3A_294 : memref<1x128xi32, #tpu.memory_space<vmem>> -> memref<128xi32, #tpu.memory_space<vmem>>
      %dma_start3A_296 = arith.constant 0 : i32
      %dma_start3A_297 = arith.constant 0 : i32
      %dma_start3A_298 = tpu.memref_slice %arg11[%dma_start3A_296, %dma_start3A_297] : memref<10240x128xf32, #tpu.memory_space<vmem_shared>> -> memref<10240x128xf32, #tpu.memory_space<vmem_shared>>
      tpu.enqueue_indirect_dma source(%arg10 : memref<128x128xf32, #tpu.memory_space<vmem>>) target(%dma_start3A_298 : memref<10240x128xf32, #tpu.memory_space<vmem_shared>>) offsets(%dma_start3A_295 : memref<128xi32, #tpu.memory_space<vmem>>) semaphore(%arg15 : memref<!tpu.dma_semaphore, #tpu.memory_space<semaphore_mem>>) {add = true}
      %dma_wait3A_299 = arith.constant 0 : i32
      %dma_wait3A_300 = tpu.memref_slice %arg8[%add3A_286, %dma_wait3A_299] : memref<16x128xi32, #tpu.memory_space<vmem>> -> memref<1x128xi32, #tpu.memory_space<vmem>>
      %dma_wait3A_301 = tpu.memref_squeeze %dma_wait3A_300 : memref<1x128xi32, #tpu.memory_space<vmem>> -> memref<128xi32, #tpu.memory_space<vmem>>
      %dma_wait3A_302 = arith.constant 0 : i32
      %dma_wait3A_303 = arith.constant 0 : i32
      %dma_wait3A_304 = tpu.memref_slice %arg11[%dma_wait3A_302, %dma_wait3A_303] : memref<10240x128xf32, #tpu.memory_space<vmem_shared>> -> memref<10240x128xf32, #tpu.memory_space<vmem_shared>>
      tpu.wait_indirect_dma semaphore(%arg14 : memref<!tpu.dma_semaphore, #tpu.memory_space<semaphore_mem>>) src(%arg9 : memref<128x128xf32, #tpu.memory_space<vmem>>) dst(%dma_wait3A_304 : memref<10240x128xf32, #tpu.memory_space<vmem_shared>>)
      %add3A_305 = arith.constant 1 : i32
      %add3A_306 = arith.addi %while3A_40, %add3A_305 : i32
      %lt3A_307 = arith.cmpi slt, %add3A_306, %select_n3A : i32
      %convert_element_type3A_308 = arith.extui %lt3A_307 : i1 to i32
      %cond3A_309 = arith.constant 0 : i32
      %cond3A_310 = arith.cmpi ne, %convert_element_type3A_308, %cond3A_309 : i32
      scf.if %cond3A_310 {
        %dma_start3A_311 = arith.constant 0 : i32
        %dma_start3A_312 = tpu.memref_slice %arg7[%mul3A_74, %dma_start3A_311] : memref<16x128xi32, #tpu.memory_space<vmem>> -> memref<1x128xi32, #tpu.memory_space<vmem>>
        %dma_start3A_313 = tpu.memref_squeeze %dma_start3A_312 : memref<1x128xi32, #tpu.memory_space<vmem>> -> memref<128xi32, #tpu.memory_space<vmem>>
        %dma_start3A_314 = arith.constant 0 : i32
        %dma_start3A_315 = arith.constant 0 : i32
        %dma_start3A_316 = tpu.memref_slice %arg2[%dma_start3A_314, %dma_start3A_315] : memref<10000x128xf32, #tpu.memory_space<hbm>> -> memref<10000x128xf32, #tpu.memory_space<hbm>>
        tpu.enqueue_indirect_dma source(%dma_start3A_316 : memref<10000x128xf32, #tpu.memory_space<hbm>>) target(%arg9 : memref<128x128xf32, #tpu.memory_space<vmem>>) offsets(%dma_start3A_313 : memref<128xi32, #tpu.memory_space<vmem>>) semaphore(%arg12 : memref<!tpu.dma_semaphore, #tpu.memory_space<semaphore_mem>>)
      } else {
      }
    }
    %dma_wait3A = arith.constant 0 : i32
    %dma_wait3A_30 = arith.constant 0 : i32
    %dma_wait3A_31 = tpu.memref_slice %arg8[%dma_wait3A, %dma_wait3A_30] : memref<16x128xi32, #tpu.memory_space<vmem>> -> memref<1x128xi32, #tpu.memory_space<vmem>>
    %dma_wait3A_32 = tpu.memref_squeeze %dma_wait3A_31 : memref<1x128xi32, #tpu.memory_space<vmem>> -> memref<128xi32, #tpu.memory_space<vmem>>
    %dma_wait3A_33 = arith.constant 0 : i32
    %dma_wait3A_34 = arith.constant 0 : i32
    %dma_wait3A_35 = tpu.memref_slice %arg11[%dma_wait3A_33, %dma_wait3A_34] : memref<10240x128xf32, #tpu.memory_space<vmem_shared>> -> memref<10240x128xf32, #tpu.memory_space<vmem_shared>>
    tpu.wait_indirect_dma semaphore(%arg15 : memref<!tpu.dma_semaphore, #tpu.memory_space<semaphore_mem>>) src(%arg10 : memref<128x128xf32, #tpu.memory_space<vmem>>) dst(%dma_wait3A_35 : memref<10240x128xf32, #tpu.memory_space<vmem_shared>>)
    %barrier3A_36 = arith.constant 0 : index
    tpu.barrier barrier_id(%barrier3A_36)
    %mul3A_37 = arith.constant 10240 : i32
    %mul3A_38 = arith.muli %arg0, %mul3A_37 : i32
    %add3A_39 = arith.addi %mul3A_38, %mul3A_0 : i32
    "tpu.region"() ({
      %run_scoped3A = tpu.sem_alloc : memref<!tpu.dma_semaphore, #tpu.memory_space<semaphore_mem>>
      %dma_start3A_40 = arith.constant 0 : i32
      %dma_start3A_41 = tpu.memref_slice %arg6[%add3A_39, %dma_start3A_40] : memref<20480x128xf32, #tpu.memory_space<hbm>> -> memref<640x128xf32, #tpu.memory_space<hbm>>
      %dma_start3A_42 = arith.constant 0 : i32
      %dma_start3A_43 = tpu.memref_slice %arg11[%mul3A_0, %dma_start3A_42] : memref<10240x128xf32, #tpu.memory_space<vmem_shared>> -> memref<640x128xf32, #tpu.memory_space<vmem_shared>>
      tpu.enqueue_dma source(%dma_start3A_43 : memref<640x128xf32, #tpu.memory_space<vmem_shared>>) target(%dma_start3A_41 : memref<640x128xf32, #tpu.memory_space<hbm>>) target_semaphore(%run_scoped3A : memref<!tpu.dma_semaphore, #tpu.memory_space<semaphore_mem>>)
      %dma_wait3A_44 = arith.constant 0 : i32
      %dma_wait3A_45 = tpu.memref_slice %arg6[%add3A_39, %dma_wait3A_44] : memref<20480x128xf32, #tpu.memory_space<hbm>> -> memref<640x128xf32, #tpu.memory_space<hbm>>
      %dma_wait3A_46 = arith.constant 0 : i32
      %dma_wait3A_47 = tpu.memref_slice %arg11[%mul3A_0, %dma_wait3A_46] : memref<10240x128xf32, #tpu.memory_space<vmem_shared>> -> memref<640x128xf32, #tpu.memory_space<vmem_shared>>
      tpu.wait_dma2 semaphore(%run_scoped3A : memref<!tpu.dma_semaphore, #tpu.memory_space<semaphore_mem>>) src(%dma_wait3A_47 : memref<640x128xf32, #tpu.memory_space<vmem_shared>>) dst(%dma_wait3A_45 : memref<640x128xf32, #tpu.memory_space<hbm>>)
      tpu.yield
    }) : () -> ()
    return
  }
}

module attributes {stable_mosaic.version = 14 : i64} {
  func.func @_tc_body(%arg0: i32, %arg1: memref<1000x128xf32, #tpu.memory_space<vmem>>, %arg2: memref<1000x128xf32, #tpu.memory_space<vmem>>, %arg3: memref<1000x16xf32, #tpu.memory_space<vmem>>, %arg4: memref<1000x16xf32, #tpu.memory_space<vmem>>, %arg5: memref<1000x128xf32, #tpu.memory_space<vmem>>, %arg6: memref<128x128xf32, #tpu.memory_space<vmem>>, %arg7: memref<128x128xf32, #tpu.memory_space<vmem>>, %arg8: memref<1x128xf32, #tpu.memory_space<vmem>>, %arg9: memref<1000x128xf32, #tpu.memory_space<vmem>>) attributes {dimension_semantics = [#tpu.dimension_semantics<arbitrary>], iteration_bounds = array<i64: 10>, scalar_prefetch = 0 : i64, scratch_operands = 0 : i64, tpu.core_type = #tpu.core_type<tc>, window_params = [{transform_indices = @transform_0, window_bounds = array<i64: 1000, 128>}, {transform_indices = @transform_1, window_bounds = array<i64: 1000, 128>}, {transform_indices = @transform_2, window_bounds = array<i64: 1000, 16>}, {transform_indices = @transform_3, window_bounds = array<i64: 1000, 16>}, {transform_indices = @transform_4, window_bounds = array<i64: 1000, 128>}, {pipeline_mode = #tpu.pipeline_mode<synchronous>, transform_indices = @transform_5, window_bounds = array<i64: 128, 128>}, {pipeline_mode = #tpu.pipeline_mode<synchronous>, transform_indices = @transform_6, window_bounds = array<i64: 128, 128>}, {pipeline_mode = #tpu.pipeline_mode<synchronous>, transform_indices = @transform_7, window_bounds = array<i64: 1, 128>}, {transform_indices = @transform_8, window_bounds = array<i64: 1000, 128>}]} {
    %get3A = arith.constant 0 : index
    %get3A_0 = arith.constant 0 : index
    %get3A_1 = vector.load %arg3[%get3A, %get3A_0] : memref<1000x16xf32, #tpu.memory_space<vmem>>, vector<1000x1xf32>
    %get3A_2 = arith.constant 0 : index
    %get3A_3 = arith.constant 0 : index
    %get3A_4 = vector.load %arg4[%get3A_2, %get3A_3] : memref<1000x16xf32, #tpu.memory_space<vmem>>, vector<1000x1xf32>
    %add3A = arith.addf %get3A_1, %get3A_4 : vector<1000x1xf32>
    %get3A_5 = arith.constant 0 : index
    %get3A_6 = arith.constant 0 : index
    %get3A_7 = vector.load %arg1[%get3A_5, %get3A_6] : memref<1000x128xf32, #tpu.memory_space<vmem>>, vector<1000x128xf32>
    %get3A_8 = arith.constant 0 : index
    %get3A_9 = arith.constant 0 : index
    %get3A_10 = vector.load %arg2[%get3A_8, %get3A_9] : memref<1000x128xf32, #tpu.memory_space<vmem>>, vector<1000x128xf32>
    %add3A_11 = arith.addf %get3A_7, %get3A_10 : vector<1000x128xf32>
    %max3A = arith.constant 1.000000e+00 : f32
    %max3A_12 = vector.broadcast %max3A : f32 to vector<1000x1xf32>
    %max3A_13 = arith.maximumf %add3A, %max3A_12 : vector<1000x1xf32>
    %div3A = vector.broadcast %max3A_13 : vector<1000x1xf32> to vector<1000x128xf32>
    %div3A_14 = arith.divf %add3A_11, %div3A : vector<1000x128xf32>
    %get3A_15 = arith.constant 0 : index
    %get3A_16 = arith.constant 0 : index
    %get3A_17 = vector.load %arg6[%get3A_15, %get3A_16] : memref<128x128xf32, #tpu.memory_space<vmem>>, vector<128x128xf32>
    %dot_general3A = arith.constant dense<0.000000e+00> : vector<1000x128xf32>
    %dot_general3A_18 = tpu.matmul %div3A_14, %get3A_17, %dot_general3A {dimension_numbers = #tpu.dot_dimension_numbers<[1], [0], [0], [1], [0, 0, 1, 1], [], []>, transpose_lhs_hint = false} : vector<1000x128xf32>, vector<128x128xf32>, vector<1000x128xf32> -> vector<1000x128xf32>
    %get3A_19 = arith.constant 0 : index
    %get3A_20 = arith.constant 0 : index
    %get3A_21 = vector.load %arg5[%get3A_19, %get3A_20] : memref<1000x128xf32, #tpu.memory_space<vmem>>, vector<1000x128xf32>
    %get3A_22 = arith.constant 0 : index
    %get3A_23 = arith.constant 0 : index
    %get3A_24 = vector.load %arg7[%get3A_22, %get3A_23] : memref<128x128xf32, #tpu.memory_space<vmem>>, vector<128x128xf32>
    %dot_general3A_25 = arith.constant dense<0.000000e+00> : vector<1000x128xf32>
    %dot_general3A_26 = tpu.matmul %get3A_21, %get3A_24, %dot_general3A_25 {dimension_numbers = #tpu.dot_dimension_numbers<[1], [0], [0], [1], [0, 0, 1, 1], [], []>, transpose_lhs_hint = false} : vector<1000x128xf32>, vector<128x128xf32>, vector<1000x128xf32> -> vector<1000x128xf32>
    %add3A_27 = arith.addf %dot_general3A_18, %dot_general3A_26 : vector<1000x128xf32>
    %get3A_28 = arith.constant 0 : index
    %get3A_29 = arith.constant 0 : index
    %get3A_30 = vector.load %arg8[%get3A_28, %get3A_29] : memref<1x128xf32, #tpu.memory_space<vmem>>, vector<1x128xf32>
    %add3A_31 = vector.broadcast %get3A_30 : vector<1x128xf32> to vector<1000x128xf32>
    %add3A_32 = arith.addf %add3A_27, %add3A_31 : vector<1000x128xf32>
    %max3A_33 = arith.constant 0.000000e+00 : f32
    %max3A_34 = vector.broadcast %max3A_33 : f32 to vector<1000x128xf32>
    %max3A_35 = arith.maximumf %add3A_32, %max3A_34 : vector<1000x128xf32>
    %swap3A = arith.constant 0 : index
    %swap3A_36 = arith.constant 0 : index
    %swap3A_37 = vector.load %arg9[%swap3A, %swap3A_36] : memref<1000x128xf32, #tpu.memory_space<vmem>>, vector<1000x128xf32>
    tpu.vector_store %arg9[%swap3A, %swap3A_36], %max3A_35 {strides = array<i32>} : memref<1000x128xf32, #tpu.memory_space<vmem>>, vector<1000x128xf32>,
    return
  }
  func.func @transform_0(%arg0: i32) -> (i32, i32) {
    %c0_i32 = arith.constant 0 : i32
    %c0_i32_0 = arith.constant 0 : i32
    return %arg0, %c0_i32 : i32, i32
  }
  func.func @transform_1(%arg0: i32) -> (i32, i32) {
    %c0_i32 = arith.constant 0 : i32
    %c0_i32_0 = arith.constant 0 : i32
    return %arg0, %c0_i32 : i32, i32
  }
  func.func @transform_2(%arg0: i32) -> (i32, i32) {
    %c0_i32 = arith.constant 0 : i32
    %c0_i32_0 = arith.constant 0 : i32
    return %arg0, %c0_i32 : i32, i32
  }
  func.func @transform_3(%arg0: i32) -> (i32, i32) {
    %c0_i32 = arith.constant 0 : i32
    %c0_i32_0 = arith.constant 0 : i32
    return %arg0, %c0_i32 : i32, i32
  }
  func.func @transform_4(%arg0: i32) -> (i32, i32) {
    %c0_i32 = arith.constant 0 : i32
    %c0_i32_0 = arith.constant 0 : i32
    return %arg0, %c0_i32 : i32, i32
  }
  func.func @transform_5(%arg0: i32) -> (i32, i32) {
    %c0_i32 = arith.constant 0 : i32
    %c0_i32_0 = arith.constant 0 : i32
    %c0_i32_1 = arith.constant 0 : i32
    return %c0_i32, %c0_i32_0 : i32, i32
  }
  func.func @transform_6(%arg0: i32) -> (i32, i32) {
    %c0_i32 = arith.constant 0 : i32
    %c0_i32_0 = arith.constant 0 : i32
    %c0_i32_1 = arith.constant 0 : i32
    return %c0_i32, %c0_i32_0 : i32, i32
  }
  func.func @transform_7(%arg0: i32) -> (i32, i32) {
    %c0_i32 = arith.constant 0 : i32
    %c0_i32_0 = arith.constant 0 : i32
    %c0_i32_1 = arith.constant 0 : i32
    return %c0_i32, %c0_i32_0 : i32, i32
  }
  func.func @transform_8(%arg0: i32) -> (i32, i32) {
    %c0_i32 = arith.constant 0 : i32
    %c0_i32_0 = arith.constant 0 : i32
    return %arg0, %c0_i32 : i32, i32
  }
}

module attributes {stable_mosaic.version = 14 : i64} {
  func.func @_tc_body(%arg0: i32, %arg1: memref<1000x128xf32, #tpu.memory_space<vmem>>, %arg2: memref<1000x128xf32, #tpu.memory_space<vmem>>, %arg3: memref<1000x16xf32, #tpu.memory_space<vmem>>, %arg4: memref<1000x16xf32, #tpu.memory_space<vmem>>, %arg5: memref<1000x128xf32, #tpu.memory_space<vmem>>, %arg6: memref<128x128xf32, #tpu.memory_space<vmem>>, %arg7: memref<128x128xf32, #tpu.memory_space<vmem>>, %arg8: memref<1x128xf32, #tpu.memory_space<vmem>>, %arg9: memref<1000x128xf32, #tpu.memory_space<vmem>>) attributes {dimension_semantics = [#tpu.dimension_semantics<arbitrary>], iteration_bounds = array<i64: 10>, scalar_prefetch = 0 : i64, scratch_operands = 0 : i64, tpu.core_type = #tpu.core_type<tc>, window_params = [{transform_indices = @transform_0, window_bounds = array<i64: 1000, 128>}, {transform_indices = @transform_1, window_bounds = array<i64: 1000, 128>}, {transform_indices = @transform_2, window_bounds = array<i64: 1000, 16>}, {transform_indices = @transform_3, window_bounds = array<i64: 1000, 16>}, {transform_indices = @transform_4, window_bounds = array<i64: 1000, 128>}, {pipeline_mode = #tpu.pipeline_mode<synchronous>, transform_indices = @transform_5, window_bounds = array<i64: 128, 128>}, {pipeline_mode = #tpu.pipeline_mode<synchronous>, transform_indices = @transform_6, window_bounds = array<i64: 128, 128>}, {pipeline_mode = #tpu.pipeline_mode<synchronous>, transform_indices = @transform_7, window_bounds = array<i64: 1, 128>}, {transform_indices = @transform_8, window_bounds = array<i64: 1000, 128>}]} {
    %get3A = arith.constant 0 : index
    %get3A_0 = arith.constant 0 : index
    %get3A_1 = vector.load %arg3[%get3A, %get3A_0] : memref<1000x16xf32, #tpu.memory_space<vmem>>, vector<1000x1xf32>
    %get3A_2 = arith.constant 0 : index
    %get3A_3 = arith.constant 0 : index
    %get3A_4 = vector.load %arg4[%get3A_2, %get3A_3] : memref<1000x16xf32, #tpu.memory_space<vmem>>, vector<1000x1xf32>
    %add3A = arith.addf %get3A_1, %get3A_4 : vector<1000x1xf32>
    %get3A_5 = arith.constant 0 : index
    %get3A_6 = arith.constant 0 : index
    %get3A_7 = vector.load %arg1[%get3A_5, %get3A_6] : memref<1000x128xf32, #tpu.memory_space<vmem>>, vector<1000x128xf32>
    %get3A_8 = arith.constant 0 : index
    %get3A_9 = arith.constant 0 : index
    %get3A_10 = vector.load %arg2[%get3A_8, %get3A_9] : memref<1000x128xf32, #tpu.memory_space<vmem>>, vector<1000x128xf32>
    %add3A_11 = arith.addf %get3A_7, %get3A_10 : vector<1000x128xf32>
    %max3A = arith.constant 1.000000e+00 : f32
    %max3A_12 = vector.broadcast %max3A : f32 to vector<1000x1xf32>
    %max3A_13 = arith.maximumf %add3A, %max3A_12 : vector<1000x1xf32>
    %div3A = vector.broadcast %max3A_13 : vector<1000x1xf32> to vector<1000x128xf32>
    %div3A_14 = arith.divf %add3A_11, %div3A : vector<1000x128xf32>
    %get3A_15 = arith.constant 0 : index
    %get3A_16 = arith.constant 0 : index
    %get3A_17 = vector.load %arg6[%get3A_15, %get3A_16] : memref<128x128xf32, #tpu.memory_space<vmem>>, vector<128x128xf32>
    %dot_general3A = arith.constant dense<0.000000e+00> : vector<1000x128xf32>
    %dot_general3A_18 = tpu.matmul %div3A_14, %get3A_17, %dot_general3A {dimension_numbers = #tpu.dot_dimension_numbers<[1], [0], [0], [1], [0, 0, 1, 1], [], []>, transpose_lhs_hint = false} : vector<1000x128xf32>, vector<128x128xf32>, vector<1000x128xf32> -> vector<1000x128xf32>
    %get3A_19 = arith.constant 0 : index
    %get3A_20 = arith.constant 0 : index
    %get3A_21 = vector.load %arg5[%get3A_19, %get3A_20] : memref<1000x128xf32, #tpu.memory_space<vmem>>, vector<1000x128xf32>
    %get3A_22 = arith.constant 0 : index
    %get3A_23 = arith.constant 0 : index
    %get3A_24 = vector.load %arg7[%get3A_22, %get3A_23] : memref<128x128xf32, #tpu.memory_space<vmem>>, vector<128x128xf32>
    %dot_general3A_25 = arith.constant dense<0.000000e+00> : vector<1000x128xf32>
    %dot_general3A_26 = tpu.matmul %get3A_21, %get3A_24, %dot_general3A_25 {dimension_numbers = #tpu.dot_dimension_numbers<[1], [0], [0], [1], [0, 0, 1, 1], [], []>, transpose_lhs_hint = false} : vector<1000x128xf32>, vector<128x128xf32>, vector<1000x128xf32> -> vector<1000x128xf32>
    %add3A_27 = arith.addf %dot_general3A_18, %dot_general3A_26 : vector<1000x128xf32>
    %get3A_28 = arith.constant 0 : index
    %get3A_29 = arith.constant 0 : index
    %get3A_30 = vector.load %arg8[%get3A_28, %get3A_29] : memref<1x128xf32, #tpu.memory_space<vmem>>, vector<1x128xf32>
    %add3A_31 = vector.broadcast %get3A_30 : vector<1x128xf32> to vector<1000x128xf32>
    %add3A_32 = arith.addf %add3A_27, %add3A_31 : vector<1000x128xf32>
    %swap3A = arith.constant 0 : index
    %swap3A_33 = arith.constant 0 : index
    %swap3A_34 = vector.load %arg9[%swap3A, %swap3A_33] : memref<1000x128xf32, #tpu.memory_space<vmem>>, vector<1000x128xf32>
    tpu.vector_store %arg9[%swap3A, %swap3A_33], %add3A_32 {strides = array<i32>} : memref<1000x128xf32, #tpu.memory_space<vmem>>, vector<1000x128xf32>,
    return
  }
  func.func @transform_0(%arg0: i32) -> (i32, i32) {
    %c0_i32 = arith.constant 0 : i32
    %c0_i32_0 = arith.constant 0 : i32
    return %arg0, %c0_i32 : i32, i32
  }
  func.func @transform_1(%arg0: i32) -> (i32, i32) {
    %c0_i32 = arith.constant 0 : i32
    %c0_i32_0 = arith.constant 0 : i32
    return %arg0, %c0_i32 : i32, i32
  }
  func.func @transform_2(%arg0: i32) -> (i32, i32) {
    %c0_i32 = arith.constant 0 : i32
    %c0_i32_0 = arith.constant 0 : i32
    return %arg0, %c0_i32 : i32, i32
  }
  func.func @transform_3(%arg0: i32) -> (i32, i32) {
    %c0_i32 = arith.constant 0 : i32
    %c0_i32_0 = arith.constant 0 : i32
    return %arg0, %c0_i32 : i32, i32
  }
  func.func @transform_4(%arg0: i32) -> (i32, i32) {
    %c0_i32 = arith.constant 0 : i32
    %c0_i32_0 = arith.constant 0 : i32
    return %arg0, %c0_i32 : i32, i32
  }
  func.func @transform_5(%arg0: i32) -> (i32, i32) {
    %c0_i32 = arith.constant 0 : i32
    %c0_i32_0 = arith.constant 0 : i32
    %c0_i32_1 = arith.constant 0 : i32
    return %c0_i32, %c0_i32_0 : i32, i32
  }
  func.func @transform_6(%arg0: i32) -> (i32, i32) {
    %c0_i32 = arith.constant 0 : i32
    %c0_i32_0 = arith.constant 0 : i32
    %c0_i32_1 = arith.constant 0 : i32
    return %c0_i32, %c0_i32_0 : i32, i32
  }
  func.func @transform_7(%arg0: i32) -> (i32, i32) {
    %c0_i32 = arith.constant 0 : i32
    %c0_i32_0 = arith.constant 0 : i32
    %c0_i32_1 = arith.constant 0 : i32
    return %c0_i32, %c0_i32_0 : i32, i32
  }
  func.func @transform_8(%arg0: i32) -> (i32, i32) {
    %c0_i32 = arith.constant 0 : i32
    %c0_i32_0 = arith.constant 0 : i32
    return %arg0, %c0_i32 : i32, i32
  }
}

</mosaic_0001>

<sc_bundles>
// kernel: kernel.10.cloned.1.call-start
scs
__scs_entry_jumppad:
0x0: {  	(pc) =	sbr.rel $0x88, $3  }
0x1: {  	(tag) =	ssettag $0x0;
	lr =	simm.s32 $0x1  }
0x2: {  	[smem:$0x3F99] =	sst lr;
	_ =	strace $0xD0000000  }
0x3: {  	_ = 	snop  }
0x4: {  	_ = 	snop  }
0x5: {  	_ = 	snop  }
0x6: {  	_ = 	snop  }
0x7: {  	_ = 	snop  }
__scs_overlays_trampoline_lowered:
0x8: {  	[smem:$0x3FA8] =	sst s0  }
0x9: {  	[smem:$0x3FA9] =	sst s1  }
0xa: {  	[smem:$0x3FAA] =	sst s2  }
0xb: {  	[smem:$0x3FAB] =	sst s3  }
0xc: {  	[smem:$0x3FAC] =	sst s4  }
0xd: {  	[smem:$0x3FAD] =	sst s5  }
0xe: {  	[smem:$0x3FAE] =	sst s6  }
0xf: {  	[smem:$0x3FAF] =	sst s7  }
0x10: {  	[smem:$0x3FB0] =	sst s8  }
0x11: {  	[smem:$0x3FB1] =	sst s9;
	s0 =	simm.s32 @!p0 $0x0  }
0x12: {  	s1 =	sld [smem:$0x3F97];
	s0 =	simm.s32 @p0 $0x1  }
0x13: {  	[smem:$0x3FB2] =	sst s0;
	s0 =	simm.s32 @!p1 $0x0  }
0x14: {  	s2 =	sld [smem:$0x3F96];
	s0 =	simm.s32 @p1 $0x1  }
0x15: {  	[smem:$0x3FB3] =	sst s0;
	s0 =	simm.s32 @!p2 $0x0  }
0x16: {  	s3 =	sld [smem:$0x3FDB];
	s0 =	simm.s32 @p2 $0x1  }
0x17: {  	s4 =	simm.s32 $0x1BF5;
	[smem:$0x3FB5] =	sst s0  }
0x18: {  	s0 =	sld [smem:$0x3F98];
	_ =	swait.ge [sflag:s4], $0x0  }
0x19: {  	s7 =	sld [smem:$0x3F99]  }
0x1a: {  	s8 =	sadd.s32 $0xFFFFE003, lr  }
0x1b: {  	s9 =	sadd.s32 $0xFFFFFEF7, lr;
	s5 =	simm.s32 $0xFFFFFFFF;
	p2 =	slt.u32 s8, $0xFFFFF086  }
0x1c: {  	p1 =	slt.u32 s9, $0xF7A;
	s5 =	simm.s32 @!p2 $0x0  }
0x1d: {  	s5 =	simm.s32 @p1 $0x1;
	p0 =	seq.s32 s7, s2  }
0x1e: {  	s7 =	smul.u32 @!p0 $0xF7A, s2;
	p2 =	seq.s32 @!p0 s5, $0x0  }
0x1f: {  	s9 =	smul.u32 $0xF7A, s1;
	s8 =	simm.s32 @!p0 $0x1BF5;
	p2 =	por !p2, p0  }
0x20: {  	[sflag:s8] =	ssyncset.s32 @!p0 $0xFFFFF086;
	s6 =	sadd.s32 @!p0 s3, s7;
	s7 =	simm.s32 @!p0 $0x108  }
0x21: {  	s3 =	sadd.s32 s3, s9;
	s6 =	sadd.s32 @!p0 $0x88, s6;
	s7 =	simm.s32 @p2 $0x1082  }
0x22: {  	[simem:s7], [sflag:s8] =	dma.local @!p0 [hbm:s6], $0xF7A  }
0x23: {  	s9 =	sor.u32 $0xD0000000, s2;
	s6 =	simm.s32 $0x108;
	_ =	swait.ge @!p0 [sflag:s8], $0x0  }
0x24: {  	s3 =	sadd.s32 $0x88, s3;
	s6 =	simm.s32 @!p1 $0x1082;
	[sflag:s4] =	ssyncset.s32 $0xFFFFF086  }
0x25: {  	[simem:s6], [sflag:s4] =	dma.local [hbm:s3], $0xF7A  }
0x26: {  	[smem:$0x3F99] =	sst s1;
	(tag) =	ssettag s2;
	_ =	strace s9  }
0x27: {  	s1 =	sld [smem:$0x3FA9]  }
0x28: {  	s2 =	sld [smem:$0x3FAA]  }
0x29: {  	s4 =	sld [smem:$0x3FAC]  }
0x2a: {  	p0 =	seq.s32 s5, $0x0;
	s5 =	sld [smem:$0x3FAD]  }
0x2b: {  	s6 =	sld [smem:$0x3FAE]  }
0x2c: {  	s7 =	sld [smem:$0x3FAF]  }
0x2d: {  	s3 =	simm.s32 $0x108;
	s8 =	sld [smem:$0x3FB0]  }
0x2e: {  	s3 =	simm.s32 @!p0 $0x1082;
	s9 =	sld [smem:$0x3FB1]  }
0x2f: {  	lr =	sadd.s32 s0, s3;
	s0 =	sld [smem:$0x3FA8]  }
0x30: {  	s3 =	sld [smem:$0x3FAB]  }
0x31: {  	[smem:$0x3FB4] =	sst s10  }
0x32: {  	s10 =	sld [smem:$0x3FB2];
	_ =	sdelay $0x3  }
0x33: {  	p0 =	seq.s32 s10, $0x1;
	s10 =	sld [smem:$0x3FB4];
	_ =	sdelay $0x3  }
0x34: {  	[smem:$0x3FB4] =	sst s10  }
0x35: {  	s10 =	sld [smem:$0x3FB3];
	_ =	sdelay $0x3  }
0x36: {  	p1 =	seq.s32 s10, $0x1;
	s10 =	sld [smem:$0x3FB4];
	_ =	sdelay $0x3  }
0x37: {  	[smem:$0x3FB4] =	sst s10  }
0x38: {  	s10 =	sld [smem:$0x3FB5]  }
0x39: {  	_ = 	snop;
	(pc) =	sbr.ind lr, $3  }
0x3a: {  	_ = 	snop  }
0x3b: {  	_ = 	snop  }
0x3c: {  	p2 =	seq.s32 s10, $0x1;
	s10 =	sld [smem:$0x3FB4]  }
0x3d: {  	_ =	shalt  }
0x3e: {  	_ =	shalt  }
0x3f: {  	_ =	shalt  }
0x40: {  	_ =	shalt  }
0x41: {  	_ =	shalt  }
0x42: {  	_ =	shalt  }
0x43: {  	_ =	shalt  }
0x44: {  	_ =	shalt  }
0x45: {  	_ =	shalt  }
0x46: {  	_ =	shalt  }
0x47: {  	_ =	shalt  }
0x48: {  	_ =	shalt  }
0x49: {  	_ =	shalt  }
0x4a: {  	_ =	shalt  }
0x4b: {  	_ =	shalt  }
0x4c: {  	_ =	shalt  }
0x4d: {  	_ =	shalt  }
0x4e: {  	_ =	shalt  }
0x4f: {  	_ =	shalt  }
0x50: {  	_ =	shalt  }
0x51: {  	_ =	shalt  }
0x52: {  	_ =	shalt  }
0x53: {  	_ =	shalt  }
0x54: {  	_ =	shalt  }
0x55: {  	_ =	shalt  }
0x56: {  	_ =	shalt  }
0x57: {  	_ =	shalt  }
0x58: {  	_ =	shalt  }
0x59: {  	_ =	shalt  }
0x5a: {  	_ =	shalt  }
0x5b: {  	_ =	shalt  }
0x5c: {  	_ =	shalt  }
0x5d: {  	_ =	shalt  }
0x5e: {  	_ =	shalt  }
0x5f: {  	_ =	shalt  }
0x60: {  	_ =	shalt  }
0x61: {  	_ =	shalt  }
0x62: {  	_ =	shalt  }
0x63: {  	_ =	shalt  }
0x64: {  	_ =	shalt  }
0x65: {  	_ =	shalt  }
0x66: {  	_ =	shalt  }
0x67: {  	_ =	shalt  }
0x68: {  	_ =	shalt  }
0x69: {  	_ =	shalt  }
0x6a: {  	_ =	shalt  }
0x6b: {  	_ =	shalt  }
0x6c: {  	_ =	shalt  }
0x6d: {  	_ =	shalt  }
0x6e: {  	_ =	shalt  }
0x6f: {  	_ =	shalt  }
0x70: {  	_ =	shalt  }
0x71: {  	_ =	shalt  }
0x72: {  	_ =	shalt  }
0x73: {  	_ =	shalt  }
0x74: {  	_ =	shalt  }
0x75: {  	_ =	shalt  }
0x76: {  	_ =	shalt  }
0x77: {  	_ =	shalt  }
0x78: {  	_ =	shalt  }
0x79: {  	_ =	shalt  }
0x7a: {  	_ =	shalt  }
0x7b: {  	_ =	shalt  }
0x7c: {  	_ =	shalt  }
0x7d: {  	_ =	shalt  }
0x7e: {  	_ =	shalt  }
0x7f: {  	_ =	shalt  }
0x80: {  	_ =	shalt  }
0x81: {  	_ =	shalt  }
0x82: {  	_ =	shalt  }
0x83: {  	_ =	shalt  }
0x84: {  	_ =	shalt  }
0x85: {  	_ =	shalt  }
0x86: {  	_ =	shalt  }
0x87: {  	_ =	shalt  }
.Lfunc_end0:
.L_simem_size_0:
called_computation.1_lowered:
.L_overlay_start_0:
0x88: {  	s2 =	sld [smem:$0x3FD9]  }
0x89: {  	s3 =	sld [smem:$0x3FFE];
	_ =	sdelay $0x1  }
0x8a: {  	s1 =	srdreg.scid  }
0x8b: {  	s0 =	sand.u32 $0x1, s1  }
0x8c: {  	s17 =	sshll.u32 s0, $0xA;
	s2 =	sadd.s32 s3, s2  }
0x8d: {  	s2 =	sadd.s32 s2, s17  }
0x8e: {  	[smem:$0x3FC0] =	sst s2  }
0x8f: {  	_ = 	snop  }
0x90: {  	s2 =	sld [smem:$0x3FD0];
	(tm) =	ssettm $0x1  }
0x91: {  	s18 =	sld [smem:$0x3FFB];
	_ =	sdelay $0x3  }
0x92: {  	_ =	strace s18  }
0x93: {  	s3 =	sld [smem:$0x3FFC];
	_ =	sdelay $0x3  }
0x94: {  	_ =	strace s3  }
0x95: {  	s3 =	sld [smem:$0x3FFD];
	_ =	sdelay $0x3  }
0x96: {  	_ =	strace s3  }
0x97: {  	_ =	strace $0x8FFFFFFF  }
0x98: {  	s19 =	sld [smem:$0x3FDB];
	_ =	sdelay $0x1  }
0x99: {  	s4 =	simm.s32 $_scs_section_size  }
0x9a: {  	s5 =	simm.s32 $_size__tile_overlayer_lowered;
	s6 =	simm.s32 $_tile_overlayer_lowered  }
0x9b: {  	s22 =	simm.s32 $0x1BFF;
	s21 =	sshll.u32 s6, $0x1;
	s3 =	sadd.s32 s4, s19  }
0x9c: {  	s7 =	simm.s32 $0x0;
	s20 =	sshll.u32 s5, $0x1;
	s5 =	sadd.s32 s21, s3  }
0x9d: {  	[timem:s7], [sflag:s22] =	dma.local [hbm:s5], s20  }
0x9e: {  	_ =	swait.ge [sflag:s22], s20  }
0x9f: {  	s4 =	ssub.s32 $0x0, s20;
	[sflag:s22] =	ssyncset.done $0x0  }
0xa0: {  	[sflag:s22] =	ssyncadd.s32 s4;
	_ =	sdelay $0x1  }
0xa1: {  	s23 =	simm.s32 $0x1B8B  }
0xa2: {  	_ =	swait.ge [sflag:s23], $0x1  }
0xa3: {  	[sflag:s23] =	ssyncset.done $0x0  }
0xa4: {  	s25 =	simm.s32 $0x1B8E;
	s24 =	sld [smem:$0x3FFE];
	[sflag:s23] =	ssyncadd.s32 $0xFFFFFFFF  }
0xa5: {  	s26 =	simm.s32 $execute0_lowered;
	[smem:$0x3FD2] =	sst s25  }
0xa6: {  	s5 =	sshll.u32 s26, $0x1;
	_ =	strace $0x80000046;
	[dreg:$0x1] =	wrdreg $0xFFFFFFFF  }
0xa7: {  	s28 =	simm.s32 $_size_execute0_lowered;
	s3 =	sadd.s32 s3, s5;
	[dreg:$0x0] =	wrdreg $0x0  }
0xa8: {  	s5 =	sshll.u32 s28, $0x1;
	[dreg:$0x2] =	wrdreg s3  }
0xa9: {  	[dreg:$0x3] =	wrdreg s5  }
0xaa: {  	[dreg:$0x4] =	wrdreg $0xC0  }
0xab: {  	_ =	task [dreg:s7], $0x5FFFF  }
0xac: {  	[dreg:$0x1] =	wrdreg $0xFFFFFFFF  }
0xad: {  	[dreg:$0x0] =	wrdreg $0x60  }
0xae: {  	[dreg:$0x2] =	wrdreg s2  }
0xaf: {  	[dreg:$0x3] =	wrdreg s24  }
0xb0: {  	[dreg:$0x4] =	wrdreg $0x44000  }
0xb1: {  	[dreg:$0x5] =	wrdreg $0xA  }
0xb2: {  	_ =	task.clear_ibuf [dreg:s7], $0x6FFFF;
	_ =	strace $0x90000046  }
0xb3: {  	s29 =	simm.s32 $0xA;
	_ =	strace $0x80000048  }
0xb4: {  	_ =	swait.ge [sflag:s29], $0x1  }
0xb5: {  	[sflag:s29] =	ssyncadd.s32 $0xFFFFFFFF  }
0xb6: {  	_ =	strace $0x90000048  }
0xb7: {  	_ =	sfence  }
0xb8: {  	s30 =	sld [smem:$0x0];
	_ =	sdelay $0x2  }
0xb9: {  	s31 =	sshll.u32 s1, $0xD;
	s1 =	sshrl.u32 s1, $0x2  }
0xba: {  	s3 =	sand.u32 $0x4000, s31;
	s1 =	sadd.s32 s1, s30  }
0xbb: {  	s0 =	sor.u32 s3, s0;
	s1 =	sshll.u32 s1, $0x11  }
0xbc: {  	s0 =	sor.u32 s1, s0  }
0xbd: {  	s0 =	sadd.s32 $0x8F2B, s0  }
0xbe: {  	[sflag:s0] =	ssyncadd.remote.s32 $0x1  }
0xbf: {  	_ =	sfence.sel $0xFFFF  }
0xc0: {  	[dreg:$0x0] =	wrdreg $0xFFFFFFFF;
	(pc) =	sbr.abs _section_cstart, $3  }
0xc1: {  	[dreg:$0x1] =	wrdreg $0xFFFFFFFF  }
0xc2: {  	_ =	task.clear_ibuf [dreg:s7], $0x2FFFF;
	_ =	strace $0x9FFFFFFF  }
0xc3: {  	(tm) =	ssettm $0x7FFFFFFF  }
tec
execute0_lowered:
.L_overlay_start_1:
0x0: {  	(tag) =	ssettag $0x1  }
0x1: {  	s9 =	rddreg [dreg:$0x0]  }
0x2: {  	s5 =	rddreg [dreg:$0x1]  }
0x3: {  	s2 =	rddreg [dreg:$0x2]  }
0x4: {  	s0 =	rddreg [dreg:$0x3];
	s1 =	stileid.u32  }
0x5: {  	s4 =	srdreg.scid;
	s3 =	simm.s32 $0x0;
	s13 =	simm.s32 $0x80  }
0x6: {  	s14 =	simm.s32 $0x100;
	s15 =	simm.s32 $0x180;
	s16 =	simm.s32 $0x200  }
0x7: {  	s17 =	simm.s32 $0x280;
	s18 =	simm.s32 $0x300;
	s19 =	simm.s32 $0x380  }
0x8: {  	s20 =	simm.s32 $0x1;
	s21 =	simm.s32 $0x0;
	s6 =	smul.u32 $0x2800, s1  }
0x9: {  	s7 =	sand.u32 $0x1, s4;
	[smem:$0x7FF] =	sst s3;
	s11 =	smul.u32 $0x50000, s1  }
0xa: {  	s4 =	sadd.s32 $0x2000, s5;
	s30 =	sshll.u32 s1, $0x6;
	s8 =	smul.u32 $0x28000, s7  }
0xb: {  	_ =	strace $0x80000047;
	s26 =	ssub.s32 $0x2, s7;
	s10 =	sadd.s32 s6, s5  }
0xc: {  	s29 =	sshrl.u32 s26, $0x1;
	s11 =	sshrl.u32 s11, $0x2;
	s8 =	sadd.s32 s6, s8  }
0xd: {  	s12 =	ssub.s32 s26, s29;
	s11 =	sadd.s32 s11, s2;
	s6 =	sor.u32 $0x1C02, s30  }
0xe: {  	s28 =	sadd.s32 s8, s5;
	s5 =	sadd.s32 $0x2800, s10;
	s31 =	sshrl.u32 s8, $0x3  }
0xf: {  	s8 =	smax.u32 s12, $0x1;
	s10 =	sshrl.u32 s11, $0x3;
	s11 =	simm.s32 $0x2  }
0x10: {  	s12 =	simm.s32 $0x400;
	s7 =	sadd.s32 $0x2A800, s28;
	s9 =	sadd.s32 s31, s9  }
.LBB2_1:
0x11: {  	[spmem:s10], [sflag:s6] =	dma.local [hbm:s5], $0x2800  }
0x12: {  	_ =	swait.ge [sflag:s11], $0x2800  }
0x13: {  	[sflag:s11] =	ssyncset.done $0x0  }
0x14: {  	[sflag:s11] =	ssyncadd.s32 $0xFFFFD800  }
0x15: {  	[tilespmem:s12], [sflag:$0x2] =	stream.linear.gather [hbm4b:s4+s3], $0x4000, $0x38;
	[tilespmem:$0x18400] =	vst v63  }
0x16: {  	_ =	swait.ge [sflag:s11], $0x4000  }
0x17: {  	[sflag:s11] =	ssyncset.done $0x0  }
0x18: {  	[sflag:s11] =	ssyncadd.s32 $0xFFFFC000  }
0x19: {  	s22 =	sadd.s32 $0x0, s9;
	[bflag:$0x0] =	sbarrier.arrive $0xFFFF  }
0x1a: {  	[tilespmem:s3], [sflag:$0x2] =	stream.linear.gather [hbm4b:s22+s3], $0x400, $0x38;
	[tilespmem:$0x18400] =	vst v63  }
0x1b: {  	_ =	swait.ge [sflag:s11], $0x400  }
0x1c: {  	[sflag:s11] =	ssyncset.done $0x0  }
0x1d: {  	[sflag:s11] =	ssyncadd.s32 $0xFFFFFC00  }
0x1e: {  	[spmem:s2] =	stream.indirect.scatter.add.f32 [tilespmem:s12], [sflag:$0x1], $0x80, s3, s13, $0xb8;
	[tilespmem:$0x18400] =	vst v63  }
0x1f: {  	_ = 	snop  }
0x20: {  	[spmem:s2] =	stream.indirect.scatter.add.f32 [tilespmem:s12], [sflag:$0x1], $0x80, s13, s13, $0xb8;
	[tilespmem:$0x18400] =	vst v63  }
0x21: {  	_ = 	snop  }
0x22: {  	[spmem:s2] =	stream.indirect.scatter.add.f32 [tilespmem:s12], [sflag:$0x1], $0x80, s14, s13, $0xb8;
	[tilespmem:$0x18400] =	vst v63  }
0x23: {  	_ = 	snop  }
0x24: {  	[spmem:s2] =	stream.indirect.scatter.add.f32 [tilespmem:s12], [sflag:$0x1], $0x80, s15, s13, $0xb8;
	[tilespmem:$0x18400] =	vst v63  }
0x25: {  	_ = 	snop  }
0x26: {  	[spmem:s2] =	stream.indirect.scatter.add.f32 [tilespmem:s12], [sflag:$0x1], $0x80, s16, s13, $0xb8;
	[tilespmem:$0x18400] =	vst v63  }
0x27: {  	_ = 	snop  }
0x28: {  	[spmem:s2] =	stream.indirect.scatter.add.f32 [tilespmem:s12], [sflag:$0x1], $0x80, s17, s13, $0xb8;
	[tilespmem:$0x18400] =	vst v63  }
0x29: {  	_ = 	snop  }
0x2a: {  	[spmem:s2] =	stream.indirect.scatter.add.f32 [tilespmem:s12], [sflag:$0x1], $0x80, s18, s13, $0xb8;
	[tilespmem:$0x18400] =	vst v63  }
0x2b: {  	_ = 	snop  }
0x2c: {  	[spmem:s2] =	stream.indirect.scatter.add.f32 [tilespmem:s12], [sflag:$0x1], $0x80, s19, s13, $0xb8;
	[tilespmem:$0x18400] =	vst v63  }
0x2d: {  	_ =	swait.ge [sflag:s20], $0x4000  }
0x2e: {  	[sflag:s20] =	ssyncset.done $0x0  }
0x2f: {  	[sflag:s20] =	ssyncadd.s32 $0xFFFFC000  }
0x30: {  	_ =	swait.ge [sflag:s20], $0x4000  }
0x31: {  	[sflag:s20] =	ssyncset.done $0x0  }
0x32: {  	[sflag:s20] =	ssyncadd.s32 $0xFFFFC000  }
0x33: {  	_ =	swait.ge [sflag:s20], $0x4000  }
0x34: {  	[sflag:s20] =	ssyncset.done $0x0  }
0x35: {  	[sflag:s20] =	ssyncadd.s32 $0xFFFFC000  }
0x36: {  	_ =	swait.ge [sflag:s20], $0x4000  }
0x37: {  	[sflag:s20] =	ssyncset.done $0x0  }
0x38: {  	[sflag:s20] =	ssyncadd.s32 $0xFFFFC000  }
0x39: {  	_ =	swait.ge [sflag:s20], $0x4000  }
0x3a: {  	[sflag:s20] =	ssyncset.done $0x0  }
0x3b: {  	[sflag:s20] =	ssyncadd.s32 $0xFFFFC000  }
0x3c: {  	_ =	swait.ge [sflag:s20], $0x4000  }
0x3d: {  	[sflag:s20] =	ssyncset.done $0x0  }
0x3e: {  	[sflag:s20] =	ssyncadd.s32 $0xFFFFC000  }
0x3f: {  	_ =	swait.ge [sflag:s20], $0x4000  }
0x40: {  	[sflag:s20] =	ssyncset.done $0x0  }
0x41: {  	[sflag:s20] =	ssyncadd.s32 $0xFFFFC000  }
0x42: {  	_ =	swait.ge [sflag:s20], $0x4000  }
0x43: {  	s24 =	simm.s32 $0x100;
	s22 =	simm.s32 $0x80;
	[sflag:s20] =	ssyncset.done $0x0  }
.LBB2_2:
0x44: {  	s25 =	sadd.s32 s22, s9  }
0x45: {  	[sflag:s20] =	ssyncadd.s32 $0xFFFFC000;
	s22 =	smov.u32 s24;
	s23 =	sadd.s32 $0x80, s24  }
0x46: {  	[tilespmem:s3], [sflag:$0x2] =	stream.linear.gather [hbm4b:s25+s3], $0x400, $0x38;
	[tilespmem:$0x18400] =	vst v63  }
0x47: {  	p0 =	sne.s32 s24, $0x480;
	_ =	swait.ge [sflag:s11], $0x400  }
0x48: {  	[sflag:s11] =	ssyncset.done $0x0  }
0x49: {  	[sflag:s11] =	ssyncadd.s32 $0xFFFFFC00  }
0x4a: {  	[spmem:s2] =	stream.indirect.scatter.add.f32 [tilespmem:s12], [sflag:$0x1], $0x80, s3, s13, $0xb8;
	[tilespmem:$0x18400] =	vst v63  }
0x4b: {  	_ = 	snop  }
0x4c: {  	[spmem:s2] =	stream.indirect.scatter.add.f32 [tilespmem:s12], [sflag:$0x1], $0x80, s13, s13, $0xb8;
	[tilespmem:$0x18400] =	vst v63  }
0x4d: {  	_ = 	snop  }
0x4e: {  	[spmem:s2] =	stream.indirect.scatter.add.f32 [tilespmem:s12], [sflag:$0x1], $0x80, s14, s13, $0xb8;
	[tilespmem:$0x18400] =	vst v63  }
0x4f: {  	_ = 	snop  }
0x50: {  	[spmem:s2] =	stream.indirect.scatter.add.f32 [tilespmem:s12], [sflag:$0x1], $0x80, s15, s13, $0xb8;
	[tilespmem:$0x18400] =	vst v63  }
0x51: {  	_ = 	snop  }
0x52: {  	[spmem:s2] =	stream.indirect.scatter.add.f32 [tilespmem:s12], [sflag:$0x1], $0x80, s16, s13, $0xb8;
	[tilespmem:$0x18400] =	vst v63  }
0x53: {  	_ = 	snop  }
0x54: {  	[spmem:s2] =	stream.indirect.scatter.add.f32 [tilespmem:s12], [sflag:$0x1], $0x80, s17, s13, $0xb8;
	[tilespmem:$0x18400] =	vst v63  }
0x55: {  	_ = 	snop  }
0x56: {  	[spmem:s2] =	stream.indirect.scatter.add.f32 [tilespmem:s12], [sflag:$0x1], $0x80, s18, s13, $0xb8;
	[tilespmem:$0x18400] =	vst v63  }
0x57: {  	_ = 	snop  }
0x58: {  	[spmem:s2] =	stream.indirect.scatter.add.f32 [tilespmem:s12], [sflag:$0x1], $0x80, s19, s13, $0xb8;
	[tilespmem:$0x18400] =	vst v63  }
0x59: {  	_ =	swait.ge [sflag:s20], $0x4000  }
0x5a: {  	[sflag:s20] =	ssyncset.done $0x0  }
0x5b: {  	[sflag:s20] =	ssyncadd.s32 $0xFFFFC000  }
0x5c: {  	_ =	swait.ge [sflag:s20], $0x4000  }
0x5d: {  	[sflag:s20] =	ssyncset.done $0x0  }
0x5e: {  	[sflag:s20] =	ssyncadd.s32 $0xFFFFC000  }
0x5f: {  	_ =	swait.ge [sflag:s20], $0x4000  }
0x60: {  	[sflag:s20] =	ssyncset.done $0x0  }
0x61: {  	[sflag:s20] =	ssyncadd.s32 $0xFFFFC000  }
0x62: {  	_ =	swait.ge [sflag:s20], $0x4000  }
0x63: {  	[sflag:s20] =	ssyncset.done $0x0  }
0x64: {  	[sflag:s20] =	ssyncadd.s32 $0xFFFFC000  }
0x65: {  	_ =	swait.ge [sflag:s20], $0x4000  }
0x66: {  	[sflag:s20] =	ssyncset.done $0x0  }
0x67: {  	[sflag:s20] =	ssyncadd.s32 $0xFFFFC000  }
0x68: {  	_ =	swait.ge [sflag:s20], $0x4000  }
0x69: {  	[sflag:s20] =	ssyncset.done $0x0  }
0x6a: {  	[sflag:s20] =	ssyncadd.s32 $0xFFFFC000  }
.Ltmp0:
0x6b: {  	_ =	swait.ge [sflag:s20], $0x4000;
	(pc) =	sbr.rel @p0 .LBB2_2-.Ltmp0, $4  }
0x6c: {  	[sflag:s20] =	ssyncset.done $0x0  }
0x6d: {  	[sflag:s20] =	ssyncadd.s32 $0xFFFFC000  }
0x6e: {  	_ =	swait.ge [sflag:s20], $0x4000  }
0x6f: {  	s24 =	smov.u32 s23;
	[sflag:s20] =	ssyncset.done $0x0  }
0x70: {  	s22 =	sadd.s32 s22, s9;
	[sflag:s20] =	ssyncadd.s32 $0xFFFFC000  }
0x71: {  	[tilespmem:s3], [sflag:$0x2] =	stream.linear.gather [hbm4b:s22+s3], $0x400, $0x38;
	[tilespmem:$0x18400] =	vst v63  }
0x72: {  	_ =	swait.ge [sflag:s11], $0x400  }
0x73: {  	[sflag:s11] =	ssyncset.done $0x0  }
0x74: {  	[sflag:s11] =	ssyncadd.s32 $0xFFFFFC00  }
0x75: {  	[spmem:s2] =	stream.indirect.scatter.add.f32 [tilespmem:s12], [sflag:$0x1], $0x80, s3, s13, $0xb8;
	[tilespmem:$0x18400] =	vst v63  }
0x76: {  	_ = 	snop  }
0x77: {  	[spmem:s2] =	stream.indirect.scatter.add.f32 [tilespmem:s12], [sflag:$0x1], $0x80, s13, s13, $0xb8;
	[tilespmem:$0x18400] =	vst v63  }
0x78: {  	_ = 	snop  }
0x79: {  	[spmem:s2] =	stream.indirect.scatter.add.f32 [tilespmem:s12], [sflag:$0x1], $0x80, s14, s13, $0xb8;
	[tilespmem:$0x18400] =	vst v63  }
0x7a: {  	_ = 	snop  }
0x7b: {  	[spmem:s2] =	stream.indirect.scatter.add.f32 [tilespmem:s12], [sflag:$0x1], $0x80, s15, s13, $0xb8;
	[tilespmem:$0x18400] =	vst v63  }
0x7c: {  	_ = 	snop  }
0x7d: {  	[spmem:s2] =	stream.indirect.scatter.add.f32 [tilespmem:s12], [sflag:$0x1], $0x80, s16, s13, $0xb8;
	[tilespmem:$0x18400] =	vst v63  }
0x7e: {  	_ = 	snop  }
0x7f: {  	[spmem:s2] =	stream.indirect.scatter.add.f32 [tilespmem:s12], [sflag:$0x1], $0x80, s17, s13, $0xb8;
	[tilespmem:$0x18400] =	vst v63  }
0x80: {  	_ = 	snop  }
0x81: {  	[spmem:s2] =	stream.indirect.scatter.add.f32 [tilespmem:s12], [sflag:$0x1], $0x80, s18, s13, $0xb8;
	[tilespmem:$0x18400] =	vst v63  }
0x82: {  	_ = 	snop  }
0x83: {  	[spmem:s2] =	stream.indirect.scatter.add.f32 [tilespmem:s12], [sflag:$0x1], $0x80, s19, s13, $0xb8;
	[tilespmem:$0x18400] =	vst v63  }
0x84: {  	_ =	swait.ge [sflag:s20], $0x4000  }
0x85: {  	[sflag:s20] =	ssyncset.done $0x0  }
0x86: {  	[sflag:s20] =	ssyncadd.s32 $0xFFFFC000  }
0x87: {  	_ =	swait.ge [sflag:s20], $0x4000  }
0x88: {  	[sflag:s20] =	ssyncset.done $0x0  }
0x89: {  	[sflag:s20] =	ssyncadd.s32 $0xFFFFC000  }
0x8a: {  	_ =	swait.ge [sflag:s20], $0x4000  }
0x8b: {  	[sflag:s20] =	ssyncset.done $0x0  }
0x8c: {  	[sflag:s20] =	ssyncadd.s32 $0xFFFFC000  }
0x8d: {  	_ =	swait.ge [sflag:s20], $0x4000  }
0x8e: {  	[sflag:s20] =	ssyncset.done $0x0  }
0x8f: {  	[sflag:s20] =	ssyncadd.s32 $0xFFFFC000  }
0x90: {  	_ =	swait.ge [sflag:s20], $0x4000  }
0x91: {  	[sflag:s20] =	ssyncset.done $0x0  }
0x92: {  	[sflag:s20] =	ssyncadd.s32 $0xFFFFC000  }
0x93: {  	_ =	swait.ge [sflag:s20], $0x4000  }
0x94: {  	[sflag:s20] =	ssyncset.done $0x0  }
0x95: {  	[sflag:s20] =	ssyncadd.s32 $0xFFFFC000  }
0x96: {  	_ =	swait.ge [sflag:s20], $0x4000  }
0x97: {  	[sflag:s20] =	ssyncset.done $0x0  }
0x98: {  	[sflag:s20] =	ssyncadd.s32 $0xFFFFC000  }
0x99: {  	_ =	swait.ge [sflag:s20], $0x4000  }
0x9a: {  	s21 =	sadd.s32 $0x1, s21;
	[sflag:s20] =	ssyncset.done $0x0  }
0x9b: {  	p0 =	sne.s32 s21, s8;
	[sflag:s20] =	ssyncadd.s32 $0xFFFFC000  }
.Ltmp1:
0x9c: {  	[bflag:$0x0] =	sbarrier.arrive $0xFFFF;
	(pc) =	sbr.rel @p0 .LBB2_1-.Ltmp1, $4  }
0x9d: {  	[hbm:s7], [sflag:s6] =	dma.local [spmem:s10], $0x2800  }
0x9e: {  	_ =	swait.ge [sflag:s11], $0x2800  }
0x9f: {  	[sflag:s11] =	ssyncset.done $0x0  }
0xa0: {  	[sflag:s11] =	ssyncadd.s32 $0xFFFFD800  }
0xa1: {  	_ =	sfence.sel $0x180000  }
0xa2: {  	[bflag:$0x0] =	sbarrier.arrive $0xFFFF  }
0xa3: {  	p0 =	sne.s32 s1, $0x0;
	_ =	strace $0x90000047  }
0xa4: {  	s0 =	sadd.s32 @!p0 $0x100000, s0;
	[bflag:$0x2] =	sbarrier.arrive $0xFFFF  }
0xa5: {  	[sflag:s0] =	ssyncadd.tile.s32 @!p0 $0x1;
	_ =	shalt  }
.Lfunc_end2:
_tile_overlayer_lowered:
.L_overlay_start_2:
0xa6: {  	(tag) =	ssettag $0x2  }
0xa7: {  	s0 =	rddreg [dreg:$0x0];
	s2 =	stileid.u32  }
0xa8: {  	s1 =	rddreg [dreg:$0x1];
	p0 =	sne.s32 s2, $0x0  }
0xa9: {  	s3 =	rddreg [dreg:$0x2];
	[bflag:$0x3] =	sbarrier.arrive $0xFFFF;
	s2 =	simm.s32 @!p0 $0x1C02  }
0xaa: {  	[timem:s3], [sflag:s2] =	dma.local @!p0 [hbm:s0], s1  }
0xab: {  	s0 =	simm.s32 @!p0 $0x2  }
0xac: {  	_ =	swait.ge @!p0 [sflag:s0], s1  }
0xad: {  	s1 =	ssub.s32 @!p0 $0x0, s1;
	[sflag:s0] =	ssyncset.done @!p0 $0x0  }
0xae: {  	[sflag:s0] =	ssyncadd.s32 @!p0 s1  }
0xaf: {  	[bflag:$0x3] =	sbarrier.arrive $0xFFFF  }
0xb0: {  	_ =	shalt  }

// kernel: kernel.13.cloned.1.call-start
scs
__scs_entry_jumppad:
0x0: {  	(pc) =	sbr.rel $0x88, $3  }
0x1: {  	(tag) =	ssettag $0x0;
	lr =	simm.s32 $0x1  }
0x2: {  	[smem:$0x3F99] =	sst lr;
	_ =	strace $0xD0000000  }
0x3: {  	_ = 	snop  }
0x4: {  	_ = 	snop  }
0x5: {  	_ = 	snop  }
0x6: {  	_ = 	snop  }
0x7: {  	_ = 	snop  }
__scs_overlays_trampoline_lowered:
0x8: {  	[smem:$0x3FA8] =	sst s0  }
0x9: {  	[smem:$0x3FA9] =	sst s1  }
0xa: {  	[smem:$0x3FAA] =	sst s2  }
0xb: {  	[smem:$0x3FAB] =	sst s3  }
0xc: {  	[smem:$0x3FAC] =	sst s4  }
0xd: {  	[smem:$0x3FAD] =	sst s5  }
0xe: {  	[smem:$0x3FAE] =	sst s6  }
0xf: {  	[smem:$0x3FAF] =	sst s7  }
0x10: {  	[smem:$0x3FB0] =	sst s8  }
0x11: {  	[smem:$0x3FB1] =	sst s9;
	s0 =	simm.s32 @!p0 $0x0  }
0x12: {  	s1 =	sld [smem:$0x3F97];
	s0 =	simm.s32 @p0 $0x1  }
0x13: {  	[smem:$0x3FB2] =	sst s0;
	s0 =	simm.s32 @!p1 $0x0  }
0x14: {  	s2 =	sld [smem:$0x3F96];
	s0 =	simm.s32 @p1 $0x1  }
0x15: {  	[smem:$0x3FB3] =	sst s0;
	s0 =	simm.s32 @!p2 $0x0  }
0x16: {  	s3 =	sld [smem:$0x3FDB];
	s0 =	simm.s32 @p2 $0x1  }
0x17: {  	s4 =	simm.s32 $0x1BF5;
	[smem:$0x3FB5] =	sst s0  }
0x18: {  	s0 =	sld [smem:$0x3F98];
	_ =	swait.ge [sflag:s4], $0x0  }
0x19: {  	s7 =	sld [smem:$0x3F99]  }
0x1a: {  	s8 =	sadd.s32 $0xFFFFE003, lr  }
0x1b: {  	s9 =	sadd.s32 $0xFFFFFEF7, lr;
	s5 =	simm.s32 $0xFFFFFFFF;
	p2 =	slt.u32 s8, $0xFFFFF086  }
0x1c: {  	p1 =	slt.u32 s9, $0xF7A;
	s5 =	simm.s32 @!p2 $0x0  }
0x1d: {  	s5 =	simm.s32 @p1 $0x1;
	p0 =	seq.s32 s7, s2  }
0x1e: {  	s7 =	smul.u32 @!p0 $0xF7A, s2;
	p2 =	seq.s32 @!p0 s5, $0x0  }
0x1f: {  	s9 =	smul.u32 $0xF7A, s1;
	s8 =	simm.s32 @!p0 $0x1BF5;
	p2 =	por !p2, p0  }
0x20: {  	[sflag:s8] =	ssyncset.s32 @!p0 $0xFFFFF086;
	s6 =	sadd.s32 @!p0 s3, s7;
	s7 =	simm.s32 @!p0 $0x108  }
0x21: {  	s3 =	sadd.s32 s3, s9;
	s6 =	sadd.s32 @!p0 $0x88, s6;
	s7 =	simm.s32 @p2 $0x1082  }
0x22: {  	[simem:s7], [sflag:s8] =	dma.local @!p0 [hbm:s6], $0xF7A  }
0x23: {  	s9 =	sor.u32 $0xD0000000, s2;
	s6 =	simm.s32 $0x108;
	_ =	swait.ge @!p0 [sflag:s8], $0x0  }
0x24: {  	s3 =	sadd.s32 $0x88, s3;
	s6 =	simm.s32 @!p1 $0x1082;
	[sflag:s4] =	ssyncset.s32 $0xFFFFF086  }
0x25: {  	[simem:s6], [sflag:s4] =	dma.local [hbm:s3], $0xF7A  }
0x26: {  	[smem:$0x3F99] =	sst s1;
	(tag) =	ssettag s2;
	_ =	strace s9  }
0x27: {  	s1 =	sld [smem:$0x3FA9]  }
0x28: {  	s2 =	sld [smem:$0x3FAA]  }
0x29: {  	s4 =	sld [smem:$0x3FAC]  }
0x2a: {  	p0 =	seq.s32 s5, $0x0;
	s5 =	sld [smem:$0x3FAD]  }
0x2b: {  	s6 =	sld [smem:$0x3FAE]  }
0x2c: {  	s7 =	sld [smem:$0x3FAF]  }
0x2d: {  	s3 =	simm.s32 $0x108;
	s8 =	sld [smem:$0x3FB0]  }
0x2e: {  	s3 =	simm.s32 @!p0 $0x1082;
	s9 =	sld [smem:$0x3FB1]  }
0x2f: {  	lr =	sadd.s32 s0, s3;
	s0 =	sld [smem:$0x3FA8]  }
0x30: {  	s3 =	sld [smem:$0x3FAB]  }
0x31: {  	[smem:$0x3FB4] =	sst s10  }
0x32: {  	s10 =	sld [smem:$0x3FB2];
	_ =	sdelay $0x3  }
0x33: {  	p0 =	seq.s32 s10, $0x1;
	s10 =	sld [smem:$0x3FB4];
	_ =	sdelay $0x3  }
0x34: {  	[smem:$0x3FB4] =	sst s10  }
0x35: {  	s10 =	sld [smem:$0x3FB3];
	_ =	sdelay $0x3  }
0x36: {  	p1 =	seq.s32 s10, $0x1;
	s10 =	sld [smem:$0x3FB4];
	_ =	sdelay $0x3  }
0x37: {  	[smem:$0x3FB4] =	sst s10  }
0x38: {  	s10 =	sld [smem:$0x3FB5]  }
0x39: {  	_ = 	snop;
	(pc) =	sbr.ind lr, $3  }
0x3a: {  	_ = 	snop  }
0x3b: {  	_ = 	snop  }
0x3c: {  	p2 =	seq.s32 s10, $0x1;
	s10 =	sld [smem:$0x3FB4]  }
0x3d: {  	_ =	shalt  }
0x3e: {  	_ =	shalt  }
0x3f: {  	_ =	shalt  }
0x40: {  	_ =	shalt  }
0x41: {  	_ =	shalt  }
0x42: {  	_ =	shalt  }
0x43: {  	_ =	shalt  }
0x44: {  	_ =	shalt  }
0x45: {  	_ =	shalt  }
0x46: {  	_ =	shalt  }
0x47: {  	_ =	shalt  }
0x48: {  	_ =	shalt  }
0x49: {  	_ =	shalt  }
0x4a: {  	_ =	shalt  }
0x4b: {  	_ =	shalt  }
0x4c: {  	_ =	shalt  }
0x4d: {  	_ =	shalt  }
0x4e: {  	_ =	shalt  }
0x4f: {  	_ =	shalt  }
0x50: {  	_ =	shalt  }
0x51: {  	_ =	shalt  }
0x52: {  	_ =	shalt  }
0x53: {  	_ =	shalt  }
0x54: {  	_ =	shalt  }
0x55: {  	_ =	shalt  }
0x56: {  	_ =	shalt  }
0x57: {  	_ =	shalt  }
0x58: {  	_ =	shalt  }
0x59: {  	_ =	shalt  }
0x5a: {  	_ =	shalt  }
0x5b: {  	_ =	shalt  }
0x5c: {  	_ =	shalt  }
0x5d: {  	_ =	shalt  }
0x5e: {  	_ =	shalt  }
0x5f: {  	_ =	shalt  }
0x60: {  	_ =	shalt  }
0x61: {  	_ =	shalt  }
0x62: {  	_ =	shalt  }
0x63: {  	_ =	shalt  }
0x64: {  	_ =	shalt  }
0x65: {  	_ =	shalt  }
0x66: {  	_ =	shalt  }
0x67: {  	_ =	shalt  }
0x68: {  	_ =	shalt  }
0x69: {  	_ =	shalt  }
0x6a: {  	_ =	shalt  }
0x6b: {  	_ =	shalt  }
0x6c: {  	_ =	shalt  }
0x6d: {  	_ =	shalt  }
0x6e: {  	_ =	shalt  }
0x6f: {  	_ =	shalt  }
0x70: {  	_ =	shalt  }
0x71: {  	_ =	shalt  }
0x72: {  	_ =	shalt  }
0x73: {  	_ =	shalt  }
0x74: {  	_ =	shalt  }
0x75: {  	_ =	shalt  }
0x76: {  	_ =	shalt  }
0x77: {  	_ =	shalt  }
0x78: {  	_ =	shalt  }
0x79: {  	_ =	shalt  }
0x7a: {  	_ =	shalt  }
0x7b: {  	_ =	shalt  }
0x7c: {  	_ =	shalt  }
0x7d: {  	_ =	shalt  }
0x7e: {  	_ =	shalt  }
0x7f: {  	_ =	shalt  }
0x80: {  	_ =	shalt  }
0x81: {  	_ =	shalt  }
0x82: {  	_ =	shalt  }
0x83: {  	_ =	shalt  }
0x84: {  	_ =	shalt  }
0x85: {  	_ =	shalt  }
0x86: {  	_ =	shalt  }
0x87: {  	_ =	shalt  }
.Lfunc_end0:
.L_simem_size_0:
called_computation.2_lowered:
.L_overlay_start_0:
0x88: {  	s2 =	sld [smem:$0x3FD9]  }
0x89: {  	s3 =	sld [smem:$0x3FFE];
	_ =	sdelay $0x1  }
0x8a: {  	s1 =	srdreg.scid  }
0x8b: {  	s0 =	sand.u32 $0x1, s1  }
0x8c: {  	s16 =	sshll.u32 s0, $0xA;
	s2 =	sadd.s32 s3, s2  }
0x8d: {  	s2 =	sadd.s32 s2, s16  }
0x8e: {  	[smem:$0x3FC0] =	sst s2  }
0x8f: {  	_ = 	snop  }
0x90: {  	(tm) =	ssettm $0x1  }
0x91: {  	s17 =	sld [smem:$0x3FFB];
	_ =	sdelay $0x3  }
0x92: {  	_ =	strace s17  }
0x93: {  	s2 =	sld [smem:$0x3FFC];
	_ =	sdelay $0x3  }
0x94: {  	_ =	strace s2  }
0x95: {  	s2 =	sld [smem:$0x3FFD];
	_ =	sdelay $0x3  }
0x96: {  	_ =	strace s2  }
0x97: {  	_ =	strace $0x8FFFFFFF  }
0x98: {  	s18 =	sld [smem:$0x3FDB];
	_ =	sdelay $0x1  }
0x99: {  	s19 =	simm.s32 $_scs_section_size  }
0x9a: {  	s4 =	simm.s32 $_size__tile_overlayer_lowered;
	s5 =	simm.s32 $_tile_overlayer_lowered  }
0x9b: {  	s22 =	simm.s32 $0x1BFF;
	s21 =	sshll.u32 s5, $0x1;
	s2 =	sadd.s32 s19, s18  }
0x9c: {  	s6 =	simm.s32 $0x0;
	s20 =	sshll.u32 s4, $0x1;
	s4 =	sadd.s32 s21, s2  }
0x9d: {  	[timem:s6], [sflag:s22] =	dma.local [hbm:s4], s20  }
0x9e: {  	_ =	swait.ge [sflag:s22], s20  }
0x9f: {  	s3 =	ssub.s32 $0x0, s20;
	[sflag:s22] =	ssyncset.done $0x0  }
0xa0: {  	[sflag:s22] =	ssyncadd.s32 s3;
	_ =	sdelay $0x1  }
0xa1: {  	s23 =	simm.s32 $0x1B8B  }
0xa2: {  	_ =	swait.ge [sflag:s23], $0x1  }
0xa3: {  	[sflag:s23] =	ssyncset.done $0x0  }
0xa4: {  	s25 =	simm.s32 $0x1B8E;
	s24 =	sld [smem:$0x3FFE];
	[sflag:s23] =	ssyncadd.s32 $0xFFFFFFFF  }
0xa5: {  	s26 =	simm.s32 $execute0_lowered;
	[smem:$0x3FD2] =	sst s25  }
0xa6: {  	s4 =	sshll.u32 s26, $0x1;
	_ =	strace $0x8000004C;
	[dreg:$0x1] =	wrdreg $0xFFFFFFFF  }
0xa7: {  	s28 =	simm.s32 $_size_execute0_lowered;
	s2 =	sadd.s32 s2, s4;
	[dreg:$0x0] =	wrdreg $0x0  }
0xa8: {  	s4 =	sshll.u32 s28, $0x1;
	[dreg:$0x2] =	wrdreg s2  }
0xa9: {  	[dreg:$0x3] =	wrdreg s4  }
0xaa: {  	[dreg:$0x4] =	wrdreg $0xC0  }
0xab: {  	_ =	task [dreg:s6], $0x5FFFF  }
0xac: {  	[dreg:$0x1] =	wrdreg $0xFFFFFFFF  }
0xad: {  	[dreg:$0x0] =	wrdreg $0x60  }
0xae: {  	[dreg:$0x2] =	wrdreg s24  }
0xaf: {  	[dreg:$0x3] =	wrdreg $0x90000  }
0xb0: {  	[dreg:$0x4] =	wrdreg $0x9  }
0xb1: {  	_ =	task.clear_ibuf [dreg:s6], $0x5FFFF;
	_ =	strace $0x9000004C  }
0xb2: {  	s29 =	simm.s32 $0x9;
	_ =	strace $0x8000004E  }
0xb3: {  	_ =	swait.ge [sflag:s29], $0x1  }
0xb4: {  	[sflag:s29] =	ssyncadd.s32 $0xFFFFFFFF  }
0xb5: {  	_ =	strace $0x9000004E  }
0xb6: {  	_ =	sfence  }
0xb7: {  	s30 =	sld [smem:$0x0];
	_ =	sdelay $0x2  }
0xb8: {  	s31 =	sshll.u32 s1, $0xD;
	s1 =	sshrl.u32 s1, $0x2  }
0xb9: {  	s3 =	sand.u32 $0x4000, s31;
	s1 =	sadd.s32 s1, s30  }
0xba: {  	s0 =	sor.u32 s3, s0;
	s1 =	sshll.u32 s1, $0x11  }
0xbb: {  	s0 =	sor.u32 s1, s0  }
0xbc: {  	s0 =	sadd.s32 $0x8F2B, s0  }
0xbd: {  	[sflag:s0] =	ssyncadd.remote.s32 $0x1  }
0xbe: {  	_ =	sfence.sel $0xFFFF  }
0xbf: {  	[dreg:$0x0] =	wrdreg $0xFFFFFFFF;
	(pc) =	sbr.abs _section_cstart, $3  }
0xc0: {  	[dreg:$0x1] =	wrdreg $0xFFFFFFFF  }
0xc1: {  	_ =	task.clear_ibuf [dreg:s6], $0x2FFFF;
	_ =	strace $0x9FFFFFFF  }
0xc2: {  	(tm) =	ssettm $0x7FFFFFFF  }
0xc3: {  	_ =	shalt  }
tec
execute0_lowered:
.L_overlay_start_1:
0x0: {  	(tag) =	ssettag $0x1  }
0x1: {  	s5 =	rddreg [dreg:$0x0]  }
0x2: {  	s0 =	stileid.u32;
	s1 =	srdreg.scid  }
0x3: {  	s2 =	rddreg [dreg:$0x1];
	s17 =	simm.s32 $0x80;
	s18 =	simm.s32 $0x1000  }
0x4: {  	s19 =	simm.s32 $0x1;
	s20 =	simm.s32 $0x5000;
	s3 =	smul.u32 $0x5, s0  }
0x5: {  	s21 =	simm.s32 $0x2;
	s22 =	simm.s32 $0x3;
	s4 =	smul.u32 $0xF, s0  }
0x6: {  	s23 =	simm.s32 $0x4;
	s24 =	simm.s32 $0x0;
	s25 =	smul.u32 $0x2800, s0  }
0x7: {  	s6 =	sand.u32 $0x1, s1;
	s29 =	smul.u32 $0x50000, s0;
	s30 =	sshll.u32 s0, $0x6  }
0x8: {  	p0 =	seq.s32 s6, $0x0;
	s9 =	smul.u32 $0x28000, s6;
	s6 =	ssub.s32 $0x2, s6  }
0x9: {  	s7 =	sadd.s32 $0xF0, s3;
	s3 =	simm.s32 $0x0;
	s26 =	sadd.s32 s25, s5  }
0xa: {  	s28 =	sshrl.u32 s6, $0x1;
	s4 =	smov.u32 @p0 s7;
	[smem:$0x7FF] =	sst s3  }
0xb: {  	s7 =	sadd.s32 s25, s9;
	s12 =	ssub.s32 s6, s28;
	s6 =	simm.s32 $0x5  }
0xc: {  	s31 =	sadd.s32 $0x2800, s26;
	s8 =	sshll.u32 s4, $0x7;
	_ =	strace $0x8000004D  }
0xd: {  	s4 =	sadd.s32 $0x2A800, s5;
	s11 =	sadd.s32 s7, s5;
	s6 =	simm.s32 @!p0 $0xF  }
0xe: {  	s7 =	sshrl.u32 s29, $0x2;
	[dreg:$0x4] =	wrdreg s31;
	s12 =	smax.u32 s12, $0x1  }
0xf: {  	s14 =	sadd.s32 s8, s5;
	s5 =	simm.s32 $0x5;
	s15 =	sadd.s32 s7, s2  }
0x10: {  	s8 =	sor.u32 $0x1C05, s30;
	s11 =	sadd.s32 $0x8E800, s11;
	s16 =	sshll.u32 s6, $0x3  }
0x11: {  	s9 =	sadd.s32 $0x84800, s14;
	s10 =	sadd.s32 $0x7A800, s14;
	s13 =	sadd.s32 $0x7A880, s14  }
0x12: {  	s14 =	sadd.s32 $0x84880, s14;
	[dreg:$0x3] =	wrdreg s16;
	s15 =	sshrl.u32 s15, $0x3  }
.LBB2_1:
0x13: {  	s0 =	rddreg [dreg:$0x4]  }
0x14: {  	[spmem:s15], [sflag:s8] =	dma.local [hbm:s0], $0x2800  }
0x15: {  	_ =	swait.ge [sflag:s5], $0x2800  }
0x16: {  	[sflag:s5] =	ssyncset.done $0x0  }
0x17: {  	[sflag:s5] =	ssyncadd.s32 $0xFFFFD800  }
0x18: {  	[tilespmem:s3], [sflag:$0x5] =	stream.linear.gather [hbm4b:s9+s3], $0x400, $0x38;
	[tilespmem:$0x1D000] =	vst v63  }
0x19: {  	_ =	swait.ge [sflag:s5], $0x400  }
0x1a: {  	[sflag:s5] =	ssyncset.done $0x0  }
0x1b: {  	s31 =	simm.s32 $0x800;
	[sflag:s5] =	ssyncadd.s32 $0xFFFFFC00  }
0x1c: {  	[tilespmem:s31], [sflag:$0x5] =	stream.linear.gather [hbm4b:s10+s3], $0x400, $0x38;
	[tilespmem:$0x1D000] =	vst v63  }
0x1d: {  	_ =	swait.ge [sflag:s5], $0x400  }
0x1e: {  	[sflag:s5] =	ssyncset.done $0x0  }
0x1f: {  	s25 =	simm.s32 $0x1;
	s26 =	simm.s32 $0x0;
	[sflag:s5] =	ssyncadd.s32 $0xFFFFFC00  }
0x20: {  	s28 =	smov.u32 s14;
	s29 =	smov.u32 s13;
	[bflag:$0x0] =	sbarrier.arrive $0xFFFF  }
0x21: {  	[tilespmem:s18], [sflag:$0x1] =	stream.indirect.gather [hbm4b:s4+s17], $0x80, s3, s17, $0xb8;
	[tilespmem:$0x1D000] =	vst v63  }
.LBB2_2:
0x22: {  	s30 =	sand.u32 $0x8, s26;
	_ =	swait.ge [sflag:s19], $0x4000  }
0x23: {  	[sflag:s19] =	ssyncset.done $0x0;
	s30 =	sshll.u32 s30, $0x7  }
0x24: {  	p0 =	seq.s32 s26, $0x0;
	[sflag:s19] =	ssyncadd.s32 $0xFFFFC000;
	s31 =	sor.u32 $0x800, s30  }
0x25: {  	[spmem:s2] =	stream.indirect.scatter.add.f32 [tilespmem:s18], [sflag:$0x3], $0x80, s31, s17, $0xb8;
	[tilespmem:$0x1D000] =	vst v63  }
0x26: {  	s31 =	simm.s32 @!p0 $0x4  }
0x27: {  	s1 =	sxor.u32 $0xFFFFFFFF, s26;
	_ =	swait.ge @!p0 [sflag:s31], $0x4000  }
0x28: {  	s1 =	sand.u32 $0x8, s1;
	[sflag:s31] =	ssyncset.done @!p0 $0x0  }
0x29: {  	s0 =	sor.u32 $0x80, s30;
	[sflag:s31] =	ssyncadd.s32 @!p0 $0xFFFFC000;
	p0 =	sge.u32 s25, s6  }
0x2a: {  	[tilespmem:s20], [sflag:$0x2] =	stream.indirect.gather [hbm4b:s4+s17], $0x80, s0, s17, $0xb8;
	[tilespmem:$0x1D000] =	vst v63  }
0x2b: {  	s31 =	sshll.u32 @!p0 s1, $0x7;
	s1 =	simm.s32 @!p0 $0x0;
	s16 =	simm.s32 @!p0 $0x5  }
0x2c: {  	[tilespmem:s31], [sflag:$0x5] =	stream.linear.gather @!p0 [hbm4b:s28+s1], $0x400, $0x38;
	[tilespmem:$0x1D000] =	vst v63  }
0x2d: {  	_ =	swait.ge @!p0 [sflag:s16], $0x400  }
0x2e: {  	[sflag:s16] =	ssyncset.done @!p0 $0x0  }
0x2f: {  	s7 =	sor.u32 @!p0 $0x800, s31;
	[sflag:s16] =	ssyncadd.s32 @!p0 $0xFFFFFC00  }
0x30: {  	[tilespmem:s7], [sflag:$0x5] =	stream.linear.gather @!p0 [hbm4b:s29+s1], $0x400, $0x38;
	[tilespmem:$0x1D000] =	vst v63  }
0x31: {  	_ =	swait.ge @!p0 [sflag:s16], $0x400  }
0x32: {  	[sflag:s16] =	ssyncset.done @!p0 $0x0  }
0x33: {  	[sflag:s16] =	ssyncadd.s32 @!p0 $0xFFFFFC00  }
0x34: {  	_ =	swait.ge [sflag:s21], $0x4000  }
0x35: {  	[sflag:s21] =	ssyncset.done $0x0  }
0x36: {  	s0 =	sor.u32 $0x800, s0;
	[sflag:s21] =	ssyncadd.s32 $0xFFFFC000  }
0x37: {  	[spmem:s2] =	stream.indirect.scatter.add.f32 [tilespmem:s20], [sflag:$0x4], $0x80, s0, s17, $0xb8;
	[tilespmem:$0x1D000] =	vst v63  }
0x38: {  	_ =	swait.ge [sflag:s22], $0x4000  }
0x39: {  	[sflag:s22] =	ssyncset.done $0x0  }
0x3a: {  	s1 =	sor.u32 $0x100, s30;
	[sflag:s22] =	ssyncadd.s32 $0xFFFFC000  }
0x3b: {  	[tilespmem:s18], [sflag:$0x1] =	stream.indirect.gather [hbm4b:s4+s17], $0x80, s1, s17, $0xb8;
	[tilespmem:$0x1D000] =	vst v63  }
0x3c: {  	_ =	swait.ge [sflag:s19], $0x4000  }
0x3d: {  	[sflag:s19] =	ssyncset.done $0x0  }
0x3e: {  	s7 =	sor.u32 $0x900, s30;
	[sflag:s19] =	ssyncadd.s32 $0xFFFFC000  }
0x3f: {  	[spmem:s2] =	stream.indirect.scatter.add.f32 [tilespmem:s18], [sflag:$0x3], $0x80, s7, s17, $0xb8;
	[tilespmem:$0x1D000] =	vst v63  }
0x40: {  	_ =	swait.ge [sflag:s23], $0x4000  }
0x41: {  	[sflag:s23] =	ssyncset.done $0x0  }
0x42: {  	s16 =	sor.u32 $0x180, s30;
	[sflag:s23] =	ssyncadd.s32 $0xFFFFC000  }
0x43: {  	[tilespmem:s20], [sflag:$0x2] =	stream.indirect.gather [hbm4b:s4+s17], $0x80, s16, s17, $0xb8;
	[tilespmem:$0x1D000] =	vst v63  }
0x44: {  	_ =	swait.ge [sflag:s21], $0x4000  }
0x45: {  	[sflag:s21] =	ssyncset.done $0x0  }
0x46: {  	s1 =	sor.u32 $0x980, s30;
	[sflag:s21] =	ssyncadd.s32 $0xFFFFC000  }
0x47: {  	[spmem:s2] =	stream.indirect.scatter.add.f32 [tilespmem:s20], [sflag:$0x4], $0x80, s1, s17, $0xb8;
	[tilespmem:$0x1D000] =	vst v63  }
0x48: {  	_ =	swait.ge [sflag:s22], $0x4000  }
0x49: {  	[sflag:s22] =	ssyncset.done $0x0  }
0x4a: {  	s7 =	sor.u32 $0x200, s30;
	[sflag:s22] =	ssyncadd.s32 $0xFFFFC000  }
0x4b: {  	[tilespmem:s18], [sflag:$0x1] =	stream.indirect.gather [hbm4b:s4+s17], $0x80, s7, s17, $0xb8;
	[tilespmem:$0x1D000] =	vst v63  }
0x4c: {  	_ =	swait.ge [sflag:s19], $0x4000  }
0x4d: {  	[sflag:s19] =	ssyncset.done $0x0  }
0x4e: {  	s16 =	sor.u32 $0xA00, s30;
	[sflag:s19] =	ssyncadd.s32 $0xFFFFC000  }
0x4f: {  	[spmem:s2] =	stream.indirect.scatter.add.f32 [tilespmem:s18], [sflag:$0x3], $0x80, s16, s17, $0xb8;
	[tilespmem:$0x1D000] =	vst v63  }
0x50: {  	_ =	swait.ge [sflag:s23], $0x4000  }
0x51: {  	[sflag:s23] =	ssyncset.done $0x0  }
0x52: {  	s1 =	sor.u32 $0x280, s30;
	[sflag:s23] =	ssyncadd.s32 $0xFFFFC000  }
0x53: {  	[tilespmem:s20], [sflag:$0x2] =	stream.indirect.gather [hbm4b:s4+s17], $0x80, s1, s17, $0xb8;
	[tilespmem:$0x1D000] =	vst v63  }
0x54: {  	_ =	swait.ge [sflag:s21], $0x4000  }
0x55: {  	[sflag:s21] =	ssyncset.done $0x0  }
0x56: {  	s7 =	sor.u32 $0xA80, s30;
	[sflag:s21] =	ssyncadd.s32 $0xFFFFC000  }
0x57: {  	[spmem:s2] =	stream.indirect.scatter.add.f32 [tilespmem:s20], [sflag:$0x4], $0x80, s7, s17, $0xb8;
	[tilespmem:$0x1D000] =	vst v63  }
0x58: {  	_ =	swait.ge [sflag:s22], $0x4000  }
0x59: {  	[sflag:s22] =	ssyncset.done $0x0  }
0x5a: {  	s16 =	sor.u32 $0x300, s30;
	[sflag:s22] =	ssyncadd.s32 $0xFFFFC000  }
0x5b: {  	[tilespmem:s18], [sflag:$0x1] =	stream.indirect.gather [hbm4b:s4+s17], $0x80, s16, s17, $0xb8;
	[tilespmem:$0x1D000] =	vst v63  }
0x5c: {  	_ =	swait.ge [sflag:s19], $0x4000  }
0x5d: {  	[sflag:s19] =	ssyncset.done $0x0  }
0x5e: {  	s1 =	sor.u32 $0xB00, s30;
	[sflag:s19] =	ssyncadd.s32 $0xFFFFC000  }
0x5f: {  	[spmem:s2] =	stream.indirect.scatter.add.f32 [tilespmem:s18], [sflag:$0x3], $0x80, s1, s17, $0xb8;
	[tilespmem:$0x1D000] =	vst v63  }
0x60: {  	_ =	swait.ge [sflag:s23], $0x4000  }
0x61: {  	[sflag:s23] =	ssyncset.done $0x0  }
0x62: {  	s7 =	sor.u32 $0x380, s30;
	[sflag:s23] =	ssyncadd.s32 $0xFFFFC000  }
0x63: {  	[tilespmem:s20], [sflag:$0x2] =	stream.indirect.gather [hbm4b:s4+s17], $0x80, s7, s17, $0xb8;
	[tilespmem:$0x1D000] =	vst v63  }
0x64: {  	_ =	swait.ge [sflag:s21], $0x4000  }
0x65: {  	[sflag:s21] =	ssyncset.done $0x0  }
0x66: {  	s16 =	sor.u32 $0xB80, s30;
	[sflag:s21] =	ssyncadd.s32 $0xFFFFC000  }
0x67: {  	[spmem:s2] =	stream.indirect.scatter.add.f32 [tilespmem:s20], [sflag:$0x4], $0x80, s16, s17, $0xb8;
	[tilespmem:$0x1D000] =	vst v63  }
0x68: {  	_ =	swait.ge [sflag:s22], $0x4000  }
0x69: {  	s26 =	sadd.s32 $0x8, s26;
	s0 =	simm.s32 @!p0 $0x80;
	[sflag:s22] =	ssyncset.done $0x0  }
0x6a: {  	s1 =	simm.s32 @!p0 $0x1000;
	s30 =	rddreg [dreg:$0x3];
	[sflag:s22] =	ssyncadd.s32 $0xFFFFC000  }
0x6b: {  	[tilespmem:s1], [sflag:$0x1] =	stream.indirect.gather @!p0 [hbm4b:s4+s0], $0x80, s31, s0, $0xb8;
	[tilespmem:$0x1D000] =	vst v63  }
0x6c: {  	p0 =	sne.s32 s30, s26  }
.Ltmp0:
0x6d: {  	_ = 	snop;
	(pc) =	sbr.rel @p0 .LBB2_2-.Ltmp0, $2  }
0x6e: {  	_ =	sdelay $0x2  }
0x6f: {  	s25 =	sadd.s32 $0x1, s25;
	s28 =	sadd.s32 $0x80, s28;
	s29 =	sadd.s32 $0x80, s29  }
0x70: {  	_ =	swait.ge [sflag:s23], $0x4000  }
0x71: {  	s24 =	sadd.s32 $0x1, s24;
	[sflag:s23] =	ssyncset.done $0x0  }
0x72: {  	p0 =	sne.s32 s24, s12;
	[sflag:s23] =	ssyncadd.s32 $0xFFFFC000  }
.Ltmp1:
0x73: {  	[bflag:$0x0] =	sbarrier.arrive $0xFFFF;
	(pc) =	sbr.rel @p0 .LBB2_1-.Ltmp1, $4  }
0x74: {  	[hbm:s11], [sflag:s8] =	dma.local [spmem:s15], $0x2800  }
0x75: {  	_ =	swait.ge [sflag:s5], $0x2800  }
0x76: {  	[sflag:s5] =	ssyncset.done $0x0  }
0x77: {  	[sflag:s5] =	ssyncadd.s32 $0xFFFFD800  }
0x78: {  	_ =	sfence.sel $0x180000  }
0x79: {  	[bflag:$0x0] =	sbarrier.arrive $0xFFFF  }
0x7a: {  	_ =	strace $0x9000004D  }
0x7b: {  	s0 =	stileid.u32;
	[bflag:$0x2] =	sbarrier.arrive $0xFFFF  }
0x7c: {  	p0 =	sne.s32 s0, $0x0;
	s0 =	rddreg [dreg:$0x2]  }
0x7d: {  	s0 =	sadd.s32 @!p0 $0x100000, s0  }
0x7e: {  	[sflag:s0] =	ssyncadd.tile.s32 @!p0 $0x1;
	_ =	shalt  }
.Lfunc_end2:
_tile_overlayer_lowered:
.L_overlay_start_2:
0x7f: {  	(tag) =	ssettag $0x2  }
0x80: {  	s0 =	rddreg [dreg:$0x0];
	s2 =	stileid.u32  }
0x81: {  	s1 =	rddreg [dreg:$0x1];
	p0 =	sne.s32 s2, $0x0  }
0x82: {  	s3 =	rddreg [dreg:$0x2];
	[bflag:$0x3] =	sbarrier.arrive $0xFFFF;
	s2 =	simm.s32 @!p0 $0x1C05  }
0x83: {  	[timem:s3], [sflag:s2] =	dma.local @!p0 [hbm:s0], s1  }
0x84: {  	s0 =	simm.s32 @!p0 $0x5  }
0x85: {  	_ =	swait.ge @!p0 [sflag:s0], s1  }
0x86: {  	s1 =	ssub.s32 @!p0 $0x0, s1;
	[sflag:s0] =	ssyncset.done @!p0 $0x0  }
0x87: {  	[sflag:s0] =	ssyncadd.s32 @!p0 s1  }
0x88: {  	[bflag:$0x3] =	sbarrier.arrive $0xFFFF  }
0x89: {  	_ =	shalt  }

// kernel: kernel.7.cloned.1.call-start
scs
__scs_entry_jumppad:
0x0: {  	(pc) =	sbr.rel $0x88, $3  }
0x1: {  	(tag) =	ssettag $0x0;
	lr =	simm.s32 $0x1  }
0x2: {  	[smem:$0x3F99] =	sst lr;
	_ =	strace $0xD0000000  }
0x3: {  	_ = 	snop  }
0x4: {  	_ = 	snop  }
0x5: {  	_ = 	snop  }
0x6: {  	_ = 	snop  }
0x7: {  	_ = 	snop  }
__scs_overlays_trampoline_lowered:
0x8: {  	[smem:$0x3FA8] =	sst s0  }
0x9: {  	[smem:$0x3FA9] =	sst s1  }
0xa: {  	[smem:$0x3FAA] =	sst s2  }
0xb: {  	[smem:$0x3FAB] =	sst s3  }
0xc: {  	[smem:$0x3FAC] =	sst s4  }
0xd: {  	[smem:$0x3FAD] =	sst s5  }
0xe: {  	[smem:$0x3FAE] =	sst s6  }
0xf: {  	[smem:$0x3FAF] =	sst s7  }
0x10: {  	[smem:$0x3FB0] =	sst s8  }
0x11: {  	[smem:$0x3FB1] =	sst s9;
	s0 =	simm.s32 @!p0 $0x0  }
0x12: {  	s1 =	sld [smem:$0x3F97];
	s0 =	simm.s32 @p0 $0x1  }
0x13: {  	[smem:$0x3FB2] =	sst s0;
	s0 =	simm.s32 @!p1 $0x0  }
0x14: {  	s2 =	sld [smem:$0x3F96];
	s0 =	simm.s32 @p1 $0x1  }
0x15: {  	[smem:$0x3FB3] =	sst s0;
	s0 =	simm.s32 @!p2 $0x0  }
0x16: {  	s3 =	sld [smem:$0x3FDB];
	s0 =	simm.s32 @p2 $0x1  }
0x17: {  	s4 =	simm.s32 $0x1BF5;
	[smem:$0x3FB5] =	sst s0  }
0x18: {  	s0 =	sld [smem:$0x3F98];
	_ =	swait.ge [sflag:s4], $0x0  }
0x19: {  	s7 =	sld [smem:$0x3F99]  }
0x1a: {  	s8 =	sadd.s32 $0xFFFFE003, lr  }
0x1b: {  	s9 =	sadd.s32 $0xFFFFFEF7, lr;
	s5 =	simm.s32 $0xFFFFFFFF;
	p2 =	slt.u32 s8, $0xFFFFF086  }
0x1c: {  	p1 =	slt.u32 s9, $0xF7A;
	s5 =	simm.s32 @!p2 $0x0  }
0x1d: {  	s5 =	simm.s32 @p1 $0x1;
	p0 =	seq.s32 s7, s2  }
0x1e: {  	s7 =	smul.u32 @!p0 $0xF7A, s2;
	p2 =	seq.s32 @!p0 s5, $0x0  }
0x1f: {  	s9 =	smul.u32 $0xF7A, s1;
	s8 =	simm.s32 @!p0 $0x1BF5;
	p2 =	por !p2, p0  }
0x20: {  	[sflag:s8] =	ssyncset.s32 @!p0 $0xFFFFF086;
	s6 =	sadd.s32 @!p0 s3, s7;
	s7 =	simm.s32 @!p0 $0x108  }
0x21: {  	s3 =	sadd.s32 s3, s9;
	s6 =	sadd.s32 @!p0 $0x88, s6;
	s7 =	simm.s32 @p2 $0x1082  }
0x22: {  	[simem:s7], [sflag:s8] =	dma.local @!p0 [hbm:s6], $0xF7A  }
0x23: {  	s9 =	sor.u32 $0xD0000000, s2;
	s6 =	simm.s32 $0x108;
	_ =	swait.ge @!p0 [sflag:s8], $0x0  }
0x24: {  	s3 =	sadd.s32 $0x88, s3;
	s6 =	simm.s32 @!p1 $0x1082;
	[sflag:s4] =	ssyncset.s32 $0xFFFFF086  }
0x25: {  	[simem:s6], [sflag:s4] =	dma.local [hbm:s3], $0xF7A  }
0x26: {  	[smem:$0x3F99] =	sst s1;
	(tag) =	ssettag s2;
	_ =	strace s9  }
0x27: {  	s1 =	sld [smem:$0x3FA9]  }
0x28: {  	s2 =	sld [smem:$0x3FAA]  }
0x29: {  	s4 =	sld [smem:$0x3FAC]  }
0x2a: {  	p0 =	seq.s32 s5, $0x0;
	s5 =	sld [smem:$0x3FAD]  }
0x2b: {  	s6 =	sld [smem:$0x3FAE]  }
0x2c: {  	s7 =	sld [smem:$0x3FAF]  }
0x2d: {  	s3 =	simm.s32 $0x108;
	s8 =	sld [smem:$0x3FB0]  }
0x2e: {  	s3 =	simm.s32 @!p0 $0x1082;
	s9 =	sld [smem:$0x3FB1]  }
0x2f: {  	lr =	sadd.s32 s0, s3;
	s0 =	sld [smem:$0x3FA8]  }
0x30: {  	s3 =	sld [smem:$0x3FAB]  }
0x31: {  	[smem:$0x3FB4] =	sst s10  }
0x32: {  	s10 =	sld [smem:$0x3FB2];
	_ =	sdelay $0x3  }
0x33: {  	p0 =	seq.s32 s10, $0x1;
	s10 =	sld [smem:$0x3FB4];
	_ =	sdelay $0x3  }
0x34: {  	[smem:$0x3FB4] =	sst s10  }
0x35: {  	s10 =	sld [smem:$0x3FB3];
	_ =	sdelay $0x3  }
0x36: {  	p1 =	seq.s32 s10, $0x1;
	s10 =	sld [smem:$0x3FB4];
	_ =	sdelay $0x3  }
0x37: {  	[smem:$0x3FB4] =	sst s10  }
0x38: {  	s10 =	sld [smem:$0x3FB5]  }
0x39: {  	_ = 	snop;
	(pc) =	sbr.ind lr, $3  }
0x3a: {  	_ = 	snop  }
0x3b: {  	_ = 	snop  }
0x3c: {  	p2 =	seq.s32 s10, $0x1;
	s10 =	sld [smem:$0x3FB4]  }
0x3d: {  	_ =	shalt  }
0x3e: {  	_ =	shalt  }
0x3f: {  	_ =	shalt  }
0x40: {  	_ =	shalt  }
0x41: {  	_ =	shalt  }
0x42: {  	_ =	shalt  }
0x43: {  	_ =	shalt  }
0x44: {  	_ =	shalt  }
0x45: {  	_ =	shalt  }
0x46: {  	_ =	shalt  }
0x47: {  	_ =	shalt  }
0x48: {  	_ =	shalt  }
0x49: {  	_ =	shalt  }
0x4a: {  	_ =	shalt  }
0x4b: {  	_ =	shalt  }
0x4c: {  	_ =	shalt  }
0x4d: {  	_ =	shalt  }
0x4e: {  	_ =	shalt  }
0x4f: {  	_ =	shalt  }
0x50: {  	_ =	shalt  }
0x51: {  	_ =	shalt  }
0x52: {  	_ =	shalt  }
0x53: {  	_ =	shalt  }
0x54: {  	_ =	shalt  }
0x55: {  	_ =	shalt  }
0x56: {  	_ =	shalt  }
0x57: {  	_ =	shalt  }
0x58: {  	_ =	shalt  }
0x59: {  	_ =	shalt  }
0x5a: {  	_ =	shalt  }
0x5b: {  	_ =	shalt  }
0x5c: {  	_ =	shalt  }
0x5d: {  	_ =	shalt  }
0x5e: {  	_ =	shalt  }
0x5f: {  	_ =	shalt  }
0x60: {  	_ =	shalt  }
0x61: {  	_ =	shalt  }
0x62: {  	_ =	shalt  }
0x63: {  	_ =	shalt  }
0x64: {  	_ =	shalt  }
0x65: {  	_ =	shalt  }
0x66: {  	_ =	shalt  }
0x67: {  	_ =	shalt  }
0x68: {  	_ =	shalt  }
0x69: {  	_ =	shalt  }
0x6a: {  	_ =	shalt  }
0x6b: {  	_ =	shalt  }
0x6c: {  	_ =	shalt  }
0x6d: {  	_ =	shalt  }
0x6e: {  	_ =	shalt  }
0x6f: {  	_ =	shalt  }
0x70: {  	_ =	shalt  }
0x71: {  	_ =	shalt  }
0x72: {  	_ =	shalt  }
0x73: {  	_ =	shalt  }
0x74: {  	_ =	shalt  }
0x75: {  	_ =	shalt  }
0x76: {  	_ =	shalt  }
0x77: {  	_ =	shalt  }
0x78: {  	_ =	shalt  }
0x79: {  	_ =	shalt  }
0x7a: {  	_ =	shalt  }
0x7b: {  	_ =	shalt  }
0x7c: {  	_ =	shalt  }
0x7d: {  	_ =	shalt  }
0x7e: {  	_ =	shalt  }
0x7f: {  	_ =	shalt  }
0x80: {  	_ =	shalt  }
0x81: {  	_ =	shalt  }
0x82: {  	_ =	shalt  }
0x83: {  	_ =	shalt  }
0x84: {  	_ =	shalt  }
0x85: {  	_ =	shalt  }
0x86: {  	_ =	shalt  }
0x87: {  	_ =	shalt  }
.Lfunc_end0:
.L_simem_size_0:
called_computation_lowered:
.L_overlay_start_0:
0x88: {  	s2 =	sld [smem:$0x3FD9]  }
0x89: {  	s3 =	sld [smem:$0x3FFE];
	_ =	sdelay $0x1  }
0x8a: {  	s1 =	srdreg.scid  }
0x8b: {  	s0 =	sand.u32 $0x1, s1  }
0x8c: {  	s17 =	sshll.u32 s0, $0xA;
	s2 =	sadd.s32 s3, s2  }
0x8d: {  	s2 =	sadd.s32 s2, s17  }
0x8e: {  	[smem:$0x3FC0] =	sst s2  }
0x8f: {  	_ = 	snop  }
0x90: {  	s18 =	sld [smem:$0x3FC9];
	(tm) =	ssettm $0x1  }
0x91: {  	s19 =	sld [smem:$0x3FFB];
	_ =	sdelay $0x3  }
0x92: {  	_ =	strace s19  }
0x93: {  	s2 =	sld [smem:$0x3FFC];
	_ =	sdelay $0x3  }
0x94: {  	_ =	strace s2  }
0x95: {  	s2 =	sld [smem:$0x3FFD];
	_ =	sdelay $0x3  }
0x96: {  	_ =	strace s2  }
0x97: {  	_ =	strace $0x8FFFFFFF  }
0x98: {  	s20 =	sld [smem:$0x3FDB];
	_ =	sdelay $0x1  }
0x99: {  	s4 =	simm.s32 $_scs_section_size  }
0x9a: {  	s5 =	simm.s32 $_size__tile_overlayer_lowered;
	s6 =	simm.s32 $_tile_overlayer_lowered  }
0x9b: {  	s7 =	simm.s32 $0x1BFF;
	s21 =	sshll.u32 s6, $0x1;
	s4 =	sadd.s32 s4, s20  }
0x9c: {  	s22 =	simm.s32 $0x0;
	s5 =	sshll.u32 s5, $0x1;
	s6 =	sadd.s32 s21, s4  }
0x9d: {  	[timem:s22], [sflag:s7] =	dma.local [hbm:s6], s5  }
0x9e: {  	_ =	swait.ge [sflag:s7], s5  }
0x9f: {  	s5 =	ssub.s32 $0x0, s5;
	[sflag:s7] =	ssyncset.done $0x0  }
0xa0: {  	[sflag:s7] =	ssyncadd.s32 s5;
	_ =	sdelay $0x1  }
0xa1: {  	s23 =	simm.s32 $0x1B8B  }
0xa2: {  	_ =	swait.ge [sflag:s23], $0x1  }
0xa3: {  	[sflag:s23] =	ssyncset.done $0x0  }
0xa4: {  	[sflag:s23] =	ssyncadd.s32 $0xFFFFFFFF  }
0xa5: {  	s5 =	sld [smem:$0x0]  }
0xa6: {  	s6 =	sand.u32 $0xFFFFFFFE, s1  }
0xa7: {  	p0 =	sne.s32 s1, s6  }
0xa8: {  	s6 =	sshll.u32 @p0 s6, $0xE  }
0xa9: {  	s6 =	sadd.s32 @p0 $0x11B8D, s6;
	s7 =	sshll.u32 @p0 s5, $0x11  }
0xaa: {  	s6 =	sor.u32 @p0 s7, s6  }
0xab: {  	[sflag:s6] =	ssyncadd.remote.s32 @p0 $0x1;
	_ =	sdelay $0x1  }
0xac: {  	s6 =	simm.s32 @p0 $0x1B8D  }
0xad: {  	_ =	swait.eq @p0 [sflag:s6], $0x1  }
0xae: {  	[sflag:s6] =	ssyncadd.s32 @p0 $0xFFFFFFFF  }
0xaf: {  	s7 =	sshll.u32 @!p0 s1, $0xE  }
0xb0: {  	s7 =	sor.u32 @!p0 $0x4000, s7;
	s6 =	simm.s32 @!p0 $0x1B8D  }
0xb1: {  	s5 =	sshll.u32 @!p0 s5, $0x11;
	s7 =	sadd.s32 @!p0 $0x11B8D, s7;
	_ =	swait.eq @!p0 [sflag:s6], $0x1  }
0xb2: {  	s5 =	sor.u32 @!p0 s5, s7;
	[sflag:s6] =	ssyncadd.s32 @!p0 $0xFFFFFFFF  }
0xb3: {  	s25 =	simm.s32 $0x1B8E;
	s24 =	sld [smem:$0x3FFE];
	[sflag:s5] =	ssyncadd.remote.s32 @!p0 $0x1  }
0xb4: {  	s26 =	simm.s32 $execute0_lowered;
	[smem:$0x3FD2] =	sst s25  }
0xb5: {  	s6 =	sshll.u32 s26, $0x1;
	_ =	strace $0x80000049;
	[dreg:$0x1] =	wrdreg $0xFFFFFFFF  }
0xb6: {  	s28 =	simm.s32 $_size_execute0_lowered;
	s4 =	sadd.s32 s4, s6;
	[dreg:$0x0] =	wrdreg $0x0  }
0xb7: {  	s6 =	sshll.u32 s28, $0x1;
	[dreg:$0x2] =	wrdreg s4  }
0xb8: {  	[dreg:$0x3] =	wrdreg s6  }
0xb9: {  	[dreg:$0x4] =	wrdreg $0xC0  }
0xba: {  	_ =	task [dreg:s22], $0x5FFFF  }
0xbb: {  	[dreg:$0x1] =	wrdreg $0xFFFFFFFF  }
0xbc: {  	[dreg:$0x0] =	wrdreg $0x60  }
0xbd: {  	[dreg:$0x2] =	wrdreg s18  }
0xbe: {  	[dreg:$0x3] =	wrdreg s24  }
0xbf: {  	[dreg:$0x4] =	wrdreg $0x90000  }
0xc0: {  	[dreg:$0x5] =	wrdreg $0x9  }
0xc1: {  	_ =	task.clear_ibuf [dreg:s22], $0x6FFFF;
	_ =	strace $0x90000049  }
0xc2: {  	s29 =	simm.s32 $0x9;
	_ =	strace $0x8000004B  }
0xc3: {  	_ =	swait.ge [sflag:s29], $0x1  }
0xc4: {  	[sflag:s29] =	ssyncadd.s32 $0xFFFFFFFF  }
0xc5: {  	_ =	strace $0x9000004B  }
0xc6: {  	_ =	sfence  }
0xc7: {  	s30 =	sld [smem:$0x0];
	_ =	sdelay $0x2  }
0xc8: {  	s31 =	sshll.u32 s1, $0xD;
	s1 =	sshrl.u32 s1, $0x2  }
0xc9: {  	s4 =	sand.u32 $0x4000, s31;
	s1 =	sadd.s32 s1, s30  }
0xca: {  	s0 =	sor.u32 s4, s0;
	s1 =	sshll.u32 s1, $0x11  }
0xcb: {  	s0 =	sor.u32 s1, s0  }
0xcc: {  	s0 =	sadd.s32 $0x8F2B, s0  }
0xcd: {  	[sflag:s0] =	ssyncadd.remote.s32 $0x1  }
0xce: {  	_ =	sfence.sel $0xFFFF  }
0xcf: {  	[dreg:$0x0] =	wrdreg $0xFFFFFFFF;
	(pc) =	sbr.abs _section_cstart, $3  }
0xd0: {  	[dreg:$0x1] =	wrdreg $0xFFFFFFFF  }
0xd1: {  	_ =	task.clear_ibuf [dreg:s22], $0x2FFFF;
	_ =	strace $0x9FFFFFFF  }
0xd2: {  	(tm) =	ssettm $0x7FFFFFFF  }
0xd3: {  	_ =	shalt  }
tec
execute0_lowered:
.L_overlay_start_1:
0x0: {  	(tag) =	ssettag $0x1  }
0x1: {  	s1 =	rddreg [dreg:$0x0]  }
0x2: {  	s5 =	rddreg [dreg:$0x1];
	s0 =	stileid.u32  }
0x3: {  	s2 =	srdreg.scid;
	s3 =	rddreg [dreg:$0x2];
	s17 =	simm.s32 $0x80  }
0x4: {  	s18 =	simm.s32 $0x1000;
	s19 =	simm.s32 $0x1;
	s4 =	smul.u32 $0x5, s0  }
0x5: {  	s20 =	simm.s32 $0x5000;
	s21 =	simm.s32 $0x2;
	s7 =	smul.u32 $0xF, s0  }
0x6: {  	s22 =	simm.s32 $0x3;
	s23 =	simm.s32 $0x4;
	s25 =	smul.u32 $0x2800, s0  }
0x7: {  	s24 =	simm.s32 $0x0;
	s6 =	sand.u32 $0x1, s2;
	s29 =	smul.u32 $0x50000, s0  }
0x8: {  	s30 =	sshll.u32 s0, $0x6;
	p0 =	seq.s32 s6, $0x0;
	s9 =	smul.u32 $0x28000, s6  }
0x9: {  	s6 =	ssub.s32 $0x2, s6;
	s8 =	sadd.s32 $0xF0, s4;
	s4 =	simm.s32 $0x0  }
0xa: {  	s26 =	sadd.s32 s25, s5;
	s28 =	sshrl.u32 s6, $0x1;
	s7 =	smov.u32 @p0 s8  }
0xb: {  	[smem:$0x7FF] =	sst s4;
	s8 =	sadd.s32 s25, s9;
	s12 =	ssub.s32 s6, s28  }
0xc: {  	s6 =	simm.s32 $0x5;
	s31 =	sadd.s32 $0x2800, s26;
	s7 =	sshll.u32 s7, $0x7  }
0xd: {  	_ =	strace $0x8000004A;
	s11 =	sadd.s32 s8, s5;
	s6 =	simm.s32 @!p0 $0xF  }
0xe: {  	s8 =	sshrl.u32 s29, $0x2;
	[dreg:$0x5] =	wrdreg s31;
	s12 =	smax.u32 s12, $0x1  }
0xf: {  	s14 =	sadd.s32 s7, s5;
	s5 =	simm.s32 $0x5;
	s15 =	sadd.s32 s8, s3  }
0x10: {  	s8 =	sor.u32 $0x1C05, s30;
	s11 =	sadd.s32 $0x8E800, s11;
	s16 =	sshll.u32 s6, $0x3  }
0x11: {  	s9 =	sadd.s32 $0x84800, s14;
	s10 =	sadd.s32 $0x7A800, s14;
	s13 =	sadd.s32 $0x7A880, s14  }
0x12: {  	s14 =	sadd.s32 $0x84880, s14;
	[dreg:$0x4] =	wrdreg s16;
	s15 =	sshrl.u32 s15, $0x3  }
.LBB2_1:
0x13: {  	s0 =	rddreg [dreg:$0x5]  }
0x14: {  	[spmem:s15], [sflag:s8] =	dma.local [hbm:s0], $0x2800  }
0x15: {  	_ =	swait.ge [sflag:s5], $0x2800  }
0x16: {  	[sflag:s5] =	ssyncset.done $0x0  }
0x17: {  	[sflag:s5] =	ssyncadd.s32 $0xFFFFD800  }
0x18: {  	[tilespmem:s4], [sflag:$0x5] =	stream.linear.gather [hbm4b:s9+s4], $0x400, $0x38;
	[tilespmem:$0x1D000] =	vst v63  }
0x19: {  	_ =	swait.ge [sflag:s5], $0x400  }
0x1a: {  	[sflag:s5] =	ssyncset.done $0x0  }
0x1b: {  	s31 =	simm.s32 $0x800;
	[sflag:s5] =	ssyncadd.s32 $0xFFFFFC00  }
0x1c: {  	[tilespmem:s31], [sflag:$0x5] =	stream.linear.gather [hbm4b:s10+s4], $0x400, $0x38;
	[tilespmem:$0x1D000] =	vst v63  }
0x1d: {  	_ =	swait.ge [sflag:s5], $0x400  }
0x1e: {  	[sflag:s5] =	ssyncset.done $0x0  }
0x1f: {  	s25 =	simm.s32 $0x1;
	s26 =	simm.s32 $0x0;
	[sflag:s5] =	ssyncadd.s32 $0xFFFFFC00  }
0x20: {  	s28 =	smov.u32 s14;
	s29 =	smov.u32 s13;
	[bflag:$0x0] =	sbarrier.arrive $0xFFFF  }
0x21: {  	[tilespmem:s18], [sflag:$0x1] =	stream.indirect.gather [hbm4b:s1+s17], $0x80, s4, s17, $0xb8;
	[tilespmem:$0x1D000] =	vst v63  }
.LBB2_2:
0x22: {  	s30 =	sand.u32 $0x8, s26;
	_ =	swait.ge [sflag:s19], $0x4000  }
0x23: {  	[sflag:s19] =	ssyncset.done $0x0;
	s30 =	sshll.u32 s30, $0x7  }
0x24: {  	p0 =	seq.s32 s26, $0x0;
	[sflag:s19] =	ssyncadd.s32 $0xFFFFC000;
	s31 =	sor.u32 $0x800, s30  }
0x25: {  	[spmem:s3] =	stream.indirect.scatter.add.f32 [tilespmem:s18], [sflag:$0x3], $0x80, s31, s17, $0xb8;
	[tilespmem:$0x1D000] =	vst v63  }
0x26: {  	s31 =	simm.s32 @!p0 $0x4  }
0x27: {  	s2 =	sxor.u32 $0xFFFFFFFF, s26;
	_ =	swait.ge @!p0 [sflag:s31], $0x4000  }
0x28: {  	s2 =	sand.u32 $0x8, s2;
	[sflag:s31] =	ssyncset.done @!p0 $0x0  }
0x29: {  	s0 =	sor.u32 $0x80, s30;
	[sflag:s31] =	ssyncadd.s32 @!p0 $0xFFFFC000;
	p0 =	sge.u32 s25, s6  }
0x2a: {  	[tilespmem:s20], [sflag:$0x2] =	stream.indirect.gather [hbm4b:s1+s17], $0x80, s0, s17, $0xb8;
	[tilespmem:$0x1D000] =	vst v63  }
0x2b: {  	s31 =	sshll.u32 @!p0 s2, $0x7;
	s2 =	simm.s32 @!p0 $0x0;
	s16 =	simm.s32 @!p0 $0x5  }
0x2c: {  	[tilespmem:s31], [sflag:$0x5] =	stream.linear.gather @!p0 [hbm4b:s28+s2], $0x400, $0x38;
	[tilespmem:$0x1D000] =	vst v63  }
0x2d: {  	_ =	swait.ge @!p0 [sflag:s16], $0x400  }
0x2e: {  	[sflag:s16] =	ssyncset.done @!p0 $0x0  }
0x2f: {  	s7 =	sor.u32 @!p0 $0x800, s31;
	[sflag:s16] =	ssyncadd.s32 @!p0 $0xFFFFFC00  }
0x30: {  	[tilespmem:s7], [sflag:$0x5] =	stream.linear.gather @!p0 [hbm4b:s29+s2], $0x400, $0x38;
	[tilespmem:$0x1D000] =	vst v63  }
0x31: {  	_ =	swait.ge @!p0 [sflag:s16], $0x400  }
0x32: {  	[sflag:s16] =	ssyncset.done @!p0 $0x0  }
0x33: {  	[sflag:s16] =	ssyncadd.s32 @!p0 $0xFFFFFC00  }
0x34: {  	_ =	swait.ge [sflag:s21], $0x4000  }
0x35: {  	[sflag:s21] =	ssyncset.done $0x0  }
0x36: {  	s0 =	sor.u32 $0x800, s0;
	[sflag:s21] =	ssyncadd.s32 $0xFFFFC000  }
0x37: {  	[spmem:s3] =	stream.indirect.scatter.add.f32 [tilespmem:s20], [sflag:$0x4], $0x80, s0, s17, $0xb8;
	[tilespmem:$0x1D000] =	vst v63  }
0x38: {  	_ =	swait.ge [sflag:s22], $0x4000  }
0x39: {  	[sflag:s22] =	ssyncset.done $0x0  }
0x3a: {  	s2 =	sor.u32 $0x100, s30;
	[sflag:s22] =	ssyncadd.s32 $0xFFFFC000  }
0x3b: {  	[tilespmem:s18], [sflag:$0x1] =	stream.indirect.gather [hbm4b:s1+s17], $0x80, s2, s17, $0xb8;
	[tilespmem:$0x1D000] =	vst v63  }
0x3c: {  	_ =	swait.ge [sflag:s19], $0x4000  }
0x3d: {  	[sflag:s19] =	ssyncset.done $0x0  }
0x3e: {  	s7 =	sor.u32 $0x900, s30;
	[sflag:s19] =	ssyncadd.s32 $0xFFFFC000  }
0x3f: {  	[spmem:s3] =	stream.indirect.scatter.add.f32 [tilespmem:s18], [sflag:$0x3], $0x80, s7, s17, $0xb8;
	[tilespmem:$0x1D000] =	vst v63  }
0x40: {  	_ =	swait.ge [sflag:s23], $0x4000  }
0x41: {  	[sflag:s23] =	ssyncset.done $0x0  }
0x42: {  	s16 =	sor.u32 $0x180, s30;
	[sflag:s23] =	ssyncadd.s32 $0xFFFFC000  }
0x43: {  	[tilespmem:s20], [sflag:$0x2] =	stream.indirect.gather [hbm4b:s1+s17], $0x80, s16, s17, $0xb8;
	[tilespmem:$0x1D000] =	vst v63  }
0x44: {  	_ =	swait.ge [sflag:s21], $0x4000  }
0x45: {  	[sflag:s21] =	ssyncset.done $0x0  }
0x46: {  	s2 =	sor.u32 $0x980, s30;
	[sflag:s21] =	ssyncadd.s32 $0xFFFFC000  }
0x47: {  	[spmem:s3] =	stream.indirect.scatter.add.f32 [tilespmem:s20], [sflag:$0x4], $0x80, s2, s17, $0xb8;
	[tilespmem:$0x1D000] =	vst v63  }
0x48: {  	_ =	swait.ge [sflag:s22], $0x4000  }
0x49: {  	[sflag:s22] =	ssyncset.done $0x0  }
0x4a: {  	s7 =	sor.u32 $0x200, s30;
	[sflag:s22] =	ssyncadd.s32 $0xFFFFC000  }
0x4b: {  	[tilespmem:s18], [sflag:$0x1] =	stream.indirect.gather [hbm4b:s1+s17], $0x80, s7, s17, $0xb8;
	[tilespmem:$0x1D000] =	vst v63  }
0x4c: {  	_ =	swait.ge [sflag:s19], $0x4000  }
0x4d: {  	[sflag:s19] =	ssyncset.done $0x0  }
0x4e: {  	s16 =	sor.u32 $0xA00, s30;
	[sflag:s19] =	ssyncadd.s32 $0xFFFFC000  }
0x4f: {  	[spmem:s3] =	stream.indirect.scatter.add.f32 [tilespmem:s18], [sflag:$0x3], $0x80, s16, s17, $0xb8;
	[tilespmem:$0x1D000] =	vst v63  }
0x50: {  	_ =	swait.ge [sflag:s23], $0x4000  }
0x51: {  	[sflag:s23] =	ssyncset.done $0x0  }
0x52: {  	s2 =	sor.u32 $0x280, s30;
	[sflag:s23] =	ssyncadd.s32 $0xFFFFC000  }
0x53: {  	[tilespmem:s20], [sflag:$0x2] =	stream.indirect.gather [hbm4b:s1+s17], $0x80, s2, s17, $0xb8;
	[tilespmem:$0x1D000] =	vst v63  }
0x54: {  	_ =	swait.ge [sflag:s21], $0x4000  }
0x55: {  	[sflag:s21] =	ssyncset.done $0x0  }
0x56: {  	s7 =	sor.u32 $0xA80, s30;
	[sflag:s21] =	ssyncadd.s32 $0xFFFFC000  }
0x57: {  	[spmem:s3] =	stream.indirect.scatter.add.f32 [tilespmem:s20], [sflag:$0x4], $0x80, s7, s17, $0xb8;
	[tilespmem:$0x1D000] =	vst v63  }
0x58: {  	_ =	swait.ge [sflag:s22], $0x4000  }
0x59: {  	[sflag:s22] =	ssyncset.done $0x0  }
0x5a: {  	s16 =	sor.u32 $0x300, s30;
	[sflag:s22] =	ssyncadd.s32 $0xFFFFC000  }
0x5b: {  	[tilespmem:s18], [sflag:$0x1] =	stream.indirect.gather [hbm4b:s1+s17], $0x80, s16, s17, $0xb8;
	[tilespmem:$0x1D000] =	vst v63  }
0x5c: {  	_ =	swait.ge [sflag:s19], $0x4000  }
0x5d: {  	[sflag:s19] =	ssyncset.done $0x0  }
0x5e: {  	s2 =	sor.u32 $0xB00, s30;
	[sflag:s19] =	ssyncadd.s32 $0xFFFFC000  }
0x5f: {  	[spmem:s3] =	stream.indirect.scatter.add.f32 [tilespmem:s18], [sflag:$0x3], $0x80, s2, s17, $0xb8;
	[tilespmem:$0x1D000] =	vst v63  }
0x60: {  	_ =	swait.ge [sflag:s23], $0x4000  }
0x61: {  	[sflag:s23] =	ssyncset.done $0x0  }
0x62: {  	s7 =	sor.u32 $0x380, s30;
	[sflag:s23] =	ssyncadd.s32 $0xFFFFC000  }
0x63: {  	[tilespmem:s20], [sflag:$0x2] =	stream.indirect.gather [hbm4b:s1+s17], $0x80, s7, s17, $0xb8;
	[tilespmem:$0x1D000] =	vst v63  }
0x64: {  	_ =	swait.ge [sflag:s21], $0x4000  }
0x65: {  	[sflag:s21] =	ssyncset.done $0x0  }
0x66: {  	s16 =	sor.u32 $0xB80, s30;
	[sflag:s21] =	ssyncadd.s32 $0xFFFFC000  }
0x67: {  	[spmem:s3] =	stream.indirect.scatter.add.f32 [tilespmem:s20], [sflag:$0x4], $0x80, s16, s17, $0xb8;
	[tilespmem:$0x1D000] =	vst v63  }
0x68: {  	_ =	swait.ge [sflag:s22], $0x4000  }
0x69: {  	s26 =	sadd.s32 $0x8, s26;
	s0 =	simm.s32 @!p0 $0x80;
	[sflag:s22] =	ssyncset.done $0x0  }
0x6a: {  	s2 =	simm.s32 @!p0 $0x1000;
	s30 =	rddreg [dreg:$0x4];
	[sflag:s22] =	ssyncadd.s32 $0xFFFFC000  }
0x6b: {  	[tilespmem:s2], [sflag:$0x1] =	stream.indirect.gather @!p0 [hbm4b:s1+s0], $0x80, s31, s0, $0xb8;
	[tilespmem:$0x1D000] =	vst v63  }
0x6c: {  	p0 =	sne.s32 s30, s26  }
.Ltmp0:
0x6d: {  	_ = 	snop;
	(pc) =	sbr.rel @p0 .LBB2_2-.Ltmp0, $2  }
0x6e: {  	_ =	sdelay $0x2  }
0x6f: {  	s25 =	sadd.s32 $0x1, s25;
	s28 =	sadd.s32 $0x80, s28;
	s29 =	sadd.s32 $0x80, s29  }
0x70: {  	_ =	swait.ge [sflag:s23], $0x4000  }
0x71: {  	s24 =	sadd.s32 $0x1, s24;
	[sflag:s23] =	ssyncset.done $0x0  }
0x72: {  	p0 =	sne.s32 s24, s12;
	[sflag:s23] =	ssyncadd.s32 $0xFFFFC000  }
.Ltmp1:
0x73: {  	[bflag:$0x0] =	sbarrier.arrive $0xFFFF;
	(pc) =	sbr.rel @p0 .LBB2_1-.Ltmp1, $4  }
0x74: {  	[hbm:s11], [sflag:s8] =	dma.local [spmem:s15], $0x2800  }
0x75: {  	_ =	swait.ge [sflag:s5], $0x2800  }
0x76: {  	[sflag:s5] =	ssyncset.done $0x0  }
0x77: {  	[sflag:s5] =	ssyncadd.s32 $0xFFFFD800  }
0x78: {  	_ =	sfence.sel $0x180000  }
0x79: {  	[bflag:$0x0] =	sbarrier.arrive $0xFFFF  }
0x7a: {  	_ =	strace $0x9000004A  }
0x7b: {  	s0 =	stileid.u32;
	[bflag:$0x2] =	sbarrier.arrive $0xFFFF  }
0x7c: {  	p0 =	sne.s32 s0, $0x0;
	s0 =	rddreg [dreg:$0x3]  }
0x7d: {  	s0 =	sadd.s32 @!p0 $0x100000, s0  }
0x7e: {  	[sflag:s0] =	ssyncadd.tile.s32 @!p0 $0x1;
	_ =	shalt  }
.Lfunc_end2:
_tile_overlayer_lowered:
.L_overlay_start_2:
0x7f: {  	(tag) =	ssettag $0x2  }
0x80: {  	s0 =	rddreg [dreg:$0x0];
	s2 =	stileid.u32  }
0x81: {  	s1 =	rddreg [dreg:$0x1];
	p0 =	sne.s32 s2, $0x0  }
0x82: {  	s3 =	rddreg [dreg:$0x2];
	[bflag:$0x3] =	sbarrier.arrive $0xFFFF;
	s2 =	simm.s32 @!p0 $0x1C05  }
0x83: {  	[timem:s3], [sflag:s2] =	dma.local @!p0 [hbm:s0], s1  }
0x84: {  	s0 =	simm.s32 @!p0 $0x5  }
0x85: {  	_ =	swait.ge @!p0 [sflag:s0], s1  }
0x86: {  	s1 =	ssub.s32 @!p0 $0x0, s1;
	[sflag:s0] =	ssyncset.done @!p0 $0x0  }
0x87: {  	[sflag:s0] =	ssyncadd.s32 @!p0 s1  }
0x88: {  	[bflag:$0x3] =	sbarrier.arrive $0xFFFF  }
0x89: {  	_ =	shalt  }

</sc_bundles>
